<compile_context>
chip_gen: v7x
topology: tpu7x:2x2x1
jax: 0.10.2.dev20260603
libtpu: 0.0.44.dev20260713+nightly
codegen_flags: <defaults>
</compile_context>

<pallas_src>
import functools

import jax
import jax.numpy as jnp
from jax import lax
from jax.experimental import pallas as pl
from jax.experimental.pallas import tpu as pltpu
from jax.experimental.pallas import tpu_sc as plsc

_H = 16
_S = 2048
_T = 511
_TP = 512
_E = 4096
_PAD0 = (_S - 1) - (_T - 1) // 2
_NSLAB = 6
_NTILE = 16 * _NSLAB + 2


def _body(table_hbm, out_hbm, tcol_v, eext0, tiles, sem):
    cid = lax.axis_index("c")
    sid = lax.axis_index("s")
    wid = cid * 16 + sid
    h = wid // 2
    g0 = (wid % 2) * 128

    pltpu.sync_copy(table_hbm.at[pl.ds(pl.multiple_of(h * _TP, 8), _TP)], tcol_v)

    zeros16 = jnp.zeros((16,), jnp.int32)
    c0 = jnp.take(tcol_v[pl.ds(0, 16)], zeros16, axis=0)
    c510 = jnp.take(tcol_v[pl.ds(_TP - 16, 16)], zeros16 + 14, axis=0)

    def fill_head(k, carry):
        eext0[pl.ds(pl.multiple_of(16 * k, 16), 16)] = c0
        return carry

    lax.fori_loop(0, _PAD0 // 16, fill_head, 0)

    def copy_mid(k, carry):
        eext0[pl.ds(pl.multiple_of(_PAD0 + 16 * k, 16), 16)] = tcol_v[
            pl.ds(pl.multiple_of(16 * k, 16), 16)
        ]
        return carry

    lax.fori_loop(0, _TP // 16, copy_mid, 0)

    def fill_tail(k, carry):
        eext0[pl.ds(pl.multiple_of(_PAD0 + _TP + 16 * k, 16), 16)] = c510
        return carry

    lax.fori_loop(0, (_E - _PAD0 - _TP) // 16, fill_tail, 0)

    def fill_slab(t, carry):
        u = t // (_NSLAB * 64)
        rem = t % (_NSLAB * 64)
        j = rem // 64
        r = (rem % 64) // 8
        cc = rem % 8
        q = 8 * u
        klo = (1658 - q) // 128 + 1
        src = 128 * (klo + j) + q + 7 - r + 16 * cc
        tiles[(u * _NSLAB + j) * 8 + r, pl.ds(pl.multiple_of(16 * cc, 16), 16)] = (
            eext0[pl.ds(src, 16)]
        )
        return carry

    lax.fori_loop(0, 16 * _NSLAB * 64, fill_slab, 0)

    def fill_c0(t, carry):
        tiles[96 * 8 + t // 8, pl.ds(pl.multiple_of(16 * (t % 8), 16), 16)] = (
            eext0[pl.ds(0, 16)]
        )
        return carry

    lax.fori_loop(0, 64, fill_c0, 0)

    def fill_c510(t, carry):
        tiles[97 * 8 + t // 8, pl.ds(pl.multiple_of(16 * (t % 8), 16), 16)] = (
            eext0[pl.ds(_E - 16, 16)]
        )
        return carry

    lax.fori_loop(0, 64, fill_c510, 0)

    def row_group(gl, carry):
        copies = []
        for gg in range(2):
            g = g0 + 2 * gl + gg
            u = (255 - g) % 16
            q = 8 * u
            klo = (1658 - q) // 128 + 1
            kbase = (2040 - 8 * g - q) // 128
            for c in range(16):
                j = kbase + c - klo
                tile = jnp.where(
                    j < 0, 96, jnp.where(j > _NSLAB - 1, 97, u * _NSLAB + j)
                )
                copies.append(
                    pltpu.async_copy(
                        tiles.at[pl.ds(pl.multiple_of(tile * 8, 8), 8), :],
                        out_hbm.at[
                            h,
                            pl.ds(pl.multiple_of(8 * g, 8), 8),
                            pl.ds(128 * c, 128),
                        ],
                        sem,
                    )
                )
        for cp in copies:
            cp.wait()
        return carry

    lax.fori_loop(0, 64, row_group, 0)


def kernel(seq_len, bias_table):
    del seq_len
    tcols = jnp.pad(
        bias_table.astype(jnp.float32).T, ((0, 0), (0, _TP - _T)), mode="edge"
    ).reshape(-1)
    mesh = plsc.VectorSubcoreMesh(core_axis_name="c", subcore_axis_name="s")
    run = functools.partial(
        pl.kernel,
        out_type=jax.ShapeDtypeStruct((_H, _S, _S), jnp.float32),
        mesh=mesh,
        scratch_types=[
            pltpu.VMEM((_TP,), jnp.float32),
            pltpu.VMEM((_E,), jnp.float32),
            pltpu.VMEM((_NTILE * 8, 128), jnp.float32),
            pltpu.SemaphoreType.DMA,
        ],
    )(_body)
    return run(tcols)

# --- scband reference (transcript-rebuilt; emitter-appended) ---
"""Pipeline reference for scband-relative-position-bias-14499809592116 (READ-ONLY COPY).

The authoritative reference and input builder live on the scoring server;
editing this copy changes nothing except your own understanding.
"""

import jax, jax.numpy as jnp
import numpy as np

NUM_HEADS = 16
MAX_DISTANCE = 256
SEQ_LEN = 2048


def setup_inputs(seed: int = 0) -> dict:
    key = jax.random.key(seed)
    bias_table = jax.random.normal(key, (2 * MAX_DISTANCE - 1, NUM_HEADS), dtype=jnp.float32) * 0.02
    return {"seq_len": 2048, "bias_table": bias_table}


def reference(seq_len, bias_table):
    max_distance = MAX_DISTANCE
    coords = jnp.arange(SEQ_LEN) + (seq_len - SEQ_LEN)
    rel_pos = coords[None, :] - coords[:, None]
    clipped = jnp.clip(rel_pos, -max_distance + 1, max_distance - 1) + (max_distance - 1)
    bias = jnp.take(bias_table, clipped, axis=0)  # (S, S, H) gather
    bias = jnp.transpose(bias, (2, 0, 1))  # (H, S, S)
    return bias

if __name__ == "__main__":
    import jax
    _d = setup_inputs()
    print(jax.jit(kernel)(*tuple(_d.values())))

</pallas_src>

<mosaic_0001>
#map = affine_map<(d0, d1) -> (0)>
#map1 = affine_map<(d0, d1) -> (0, 0, 0)>
module attributes {stable_mosaic.version = 14 : i64} {
  func.func @_body(%arg0: i32, %arg1: i32, %arg2: memref<8192xf32, #tpu.memory_space<hbm>>, %arg3: memref<16x2048x2048xf32, #tpu.memory_space<hbm>>, %arg4: memref<512xf32, #tpu.memory_space<vmem>>, %arg5: memref<4096xf32, #tpu.memory_space<vmem>>, %arg6: memref<784x128xf32, #tpu.memory_space<vmem>>, %arg7: memref<!tpu.dma_semaphore, #tpu.memory_space<semaphore_mem>>) attributes {dimension_semantics = [#tpu.dimension_semantics<core_parallel>, #tpu.dimension_semantics<subcore_parallel>], iteration_bounds = array<i64: 2, 16>, scalar_prefetch = 0 : i64, scratch_operands = 4 : i64, tpu.core_type = #tpu.core_type<sc_vector_subcore>, window_params = [{transform_indices = #map}, {transform_indices = #map1}]} {
    %mul3A = arith.constant 16 : i32
    %mul3A_0 = arith.muli %arg0, %mul3A : i32
    %add3A = arith.addi %mul3A_0, %arg1 : i32
    %jit3A = arith.constant 2 : i32
    %div3A = arith.divsi %add3A, %jit3A : i32
    %sign3A = arith.constant 0 : i32
    %sign3A_1 = arith.cmpi sgt, %add3A, %sign3A : i32
    %sign3A_2 = arith.extui %sign3A_1 : i1 to i32
    %sign3A_3 = arith.constant 0 : i32
    %sign3A_4 = arith.cmpi slt, %add3A, %sign3A_3 : i32
    %sign3A_5 = arith.extui %sign3A_4 : i1 to i32
    %sign3A_6 = arith.subi %sign3A_2, %sign3A_5 : i32
    %sign3A_7 = arith.constant 0 : i32
    %sign3A_8 = arith.cmpi sgt, %jit3A, %sign3A_7 : i32
    %sign3A_9 = arith.extui %sign3A_8 : i1 to i32
    %sign3A_10 = arith.constant 0 : i32
    %sign3A_11 = arith.cmpi slt, %jit3A, %sign3A_10 : i32
    %sign3A_12 = arith.extui %sign3A_11 : i1 to i32
    %sign3A_13 = arith.subi %sign3A_9, %sign3A_12 : i32
    %ne3A = arith.cmpi ne, %sign3A_6, %sign3A_13 : i32
    %rem3A = arith.remsi %add3A, %jit3A : i32
    %ne3A_14 = arith.constant 0 : i32
    %ne3A_15 = arith.cmpi ne, %rem3A, %ne3A_14 : i32
    %and3A = arith.andi %ne3A, %ne3A_15 : i1
    %sub3A = arith.constant 1 : i32
    %sub3A_16 = arith.subi %div3A, %sub3A : i32
    %select_n3A = arith.select %and3A, %sub3A_16, %div3A : i32
    %jit3A_17 = arith.constant 2 : i32
    %eq3A = arith.constant 0 : i32
    %eq3A_18 = arith.cmpi eq, %jit3A_17, %eq3A : i32
    %jit3A_19 = arith.constant 1 : i32
    %select_n3A_20 = arith.select %eq3A_18, %jit3A_19, %jit3A_17 : i32
    %rem3A_21 = arith.remsi %add3A, %select_n3A_20 : i32
    %ne3A_22 = arith.constant 0 : i32
    %ne3A_23 = arith.cmpi ne, %rem3A_21, %ne3A_22 : i32
    %lt3A = arith.constant 0 : i32
    %lt3A_24 = arith.cmpi slt, %rem3A_21, %lt3A : i32
    %lt3A_25 = arith.constant 0 : i32
    %lt3A_26 = arith.cmpi slt, %select_n3A_20, %lt3A_25 : i32
    %ne3A_27 = arith.xori %lt3A_24, %lt3A_26 : i1
    %and3A_28 = arith.andi %ne3A_27, %ne3A_23 : i1
    %add3A_29 = arith.addi %rem3A_21, %select_n3A_20 : i32
    %select_n3A_30 = arith.select %and3A_28, %add3A_29, %rem3A_21 : i32
    %mul3A_31 = arith.constant 128 : i32
    %mul3A_32 = arith.muli %select_n3A_30, %mul3A_31 : i32
    %mul3A_33 = arith.constant 512 : i32
    %mul3A_34 = arith.muli %select_n3A, %mul3A_33 : i32
    %multiple_of3A = tpu.assume_multiple %mul3A_34, 8 : i32
    "tpu.region"() ({
      %run_scoped3A = tpu.sem_alloc : memref<!tpu.dma_semaphore, #tpu.memory_space<semaphore_mem>>
      %dma_start3A = tpu.memref_slice %arg2[%multiple_of3A] : memref<8192xf32, #tpu.memory_space<hbm>> -> memref<512xf32, #tpu.memory_space<hbm>>
      %dma_start3A_104 = tpu.memref_slice %arg2[%multiple_of3A] : memref<8192xf32, #tpu.memory_space<hbm>> -> memref<512xf32, #tpu.memory_space<hbm>>
      tpu.enqueue_dma source(%dma_start3A_104 : memref<512xf32, #tpu.memory_space<hbm>>) target(%arg4 : memref<512xf32, #tpu.memory_space<vmem>>) target_semaphore(%run_scoped3A : memref<!tpu.dma_semaphore, #tpu.memory_space<semaphore_mem>>)
      %dma_wait3A = tpu.memref_slice %arg2[%multiple_of3A] : memref<8192xf32, #tpu.memory_space<hbm>> -> memref<512xf32, #tpu.memory_space<hbm>>
      %dma_wait3A_105 = tpu.memref_slice %arg2[%multiple_of3A] : memref<8192xf32, #tpu.memory_space<hbm>> -> memref<512xf32, #tpu.memory_space<hbm>>
      tpu.wait_dma2 semaphore(%run_scoped3A : memref<!tpu.dma_semaphore, #tpu.memory_space<semaphore_mem>>) src(%dma_wait3A_105 : memref<512xf32, #tpu.memory_space<hbm>>) dst(%arg4 : memref<512xf32, #tpu.memory_space<vmem>>)
      tpu.yield
    }) : () -> ()
    %broadcast_in_dim3A = arith.constant 0 : i32
    %broadcast_in_dim3A_35 = vector.broadcast %broadcast_in_dim3A : i32 to vector<16xi32>
    %get3A = arith.constant 0 : index
    %get3A_36 = tpu.vector_load %arg4[%get3A] {strides = array<i32>} : memref<512xf32, #tpu.memory_space<vmem>>, vector<16xf32>,
    %get3A_37 = vector.shape_cast %get3A_36 : vector<16xf32> to vector<16xf32>
    %lt3A_38 = arith.constant 0 : i32
    %lt3A_39 = vector.broadcast %lt3A_38 : i32 to vector<16xi32>
    %lt3A_40 = arith.cmpi slt, %broadcast_in_dim3A_35, %lt3A_39 : vector<16xi32>
    %add3A_41 = arith.constant 16 : i32
    %add3A_42 = vector.broadcast %add3A_41 : i32 to vector<16xi32>
    %add3A_43 = arith.addi %broadcast_in_dim3A_35, %add3A_42 : vector<16xi32>
    %select_n3A_44 = arith.select %lt3A_40, %add3A_43, %broadcast_in_dim3A_35 : vector<16xi1>, vector<16xi32>
    %broadcast_in_dim3A_45 = vector.shape_cast %select_n3A_44 : vector<16xi32> to vector<16x1xi32>
    %gather3A = vector.shape_cast %broadcast_in_dim3A_45 : vector<16x1xi32> to vector<16xi32>
    %gather3A_46 = tpu.dynamic_gather %get3A_37[%gather3A] in [0] : vector<16xf32>, vector<16xi32> -> vector<16xf32>
    %get3A_47 = arith.constant 496 : index
    %get3A_48 = tpu.vector_load %arg4[%get3A_47] {strides = array<i32>} : memref<512xf32, #tpu.memory_space<vmem>>, vector<16xf32>,
    %get3A_49 = vector.shape_cast %get3A_48 : vector<16xf32> to vector<16xf32>
    %add3A_50 = arith.constant 14 : i32
    %add3A_51 = vector.broadcast %add3A_50 : i32 to vector<16xi32>
    %add3A_52 = arith.addi %broadcast_in_dim3A_35, %add3A_51 : vector<16xi32>
    %lt3A_53 = arith.constant 0 : i32
    %lt3A_54 = vector.broadcast %lt3A_53 : i32 to vector<16xi32>
    %lt3A_55 = arith.cmpi slt, %add3A_52, %lt3A_54 : vector<16xi32>
    %add3A_56 = arith.constant 16 : i32
    %add3A_57 = vector.broadcast %add3A_56 : i32 to vector<16xi32>
    %add3A_58 = arith.addi %add3A_52, %add3A_57 : vector<16xi32>
    %select_n3A_59 = arith.select %lt3A_55, %add3A_58, %add3A_52 : vector<16xi1>, vector<16xi32>
    %broadcast_in_dim3A_60 = vector.shape_cast %select_n3A_59 : vector<16xi32> to vector<16x1xi32>
    %gather3A_61 = vector.shape_cast %broadcast_in_dim3A_60 : vector<16x1xi32> to vector<16xi32>
    %gather3A_62 = tpu.dynamic_gather %get3A_49[%gather3A_61] in [0] : vector<16xf32>, vector<16xi32> -> vector<16xf32>
    %scan3A = arith.constant 0 : i32
    %scan3A_63 = arith.constant 0 : i32
    %scan3A_64 = arith.constant 112 : i32
    %scan3A_65 = arith.addi %scan3A_63, %scan3A_64 : i32
    %scan3A_66 = arith.constant 1 : i32
    scf.for %scan3A_104 = %scan3A_63 to %scan3A_65 step %scan3A_66  : i32 {
      %mul3A_105 = arith.constant 16 : i32
      %mul3A_106 = arith.muli %mul3A_105, %scan3A_104 : i32
      %multiple_of3A_107 = tpu.assume_multiple %mul3A_106, 16 : i32
      %swap3A = arith.index_cast %multiple_of3A_107 : i32 to index
      %swap3A_108 = tpu.vector_load %arg5[%swap3A] {strides = array<i32>} : memref<4096xf32, #tpu.memory_space<vmem>>, vector<16xf32>,
      %swap3A_109 = vector.shape_cast %swap3A_108 : vector<16xf32> to vector<16xf32>
      %swap3A_110 = vector.shape_cast %gather3A_46 : vector<16xf32> to vector<16xf32>
      tpu.vector_store %arg5[%swap3A], %swap3A_110 {strides = array<i32>} : memref<4096xf32, #tpu.memory_space<vmem>>, vector<16xf32>,
    }
    %scan3A_67 = arith.constant 112 : i32
    %scan3A_68 = arith.constant 0 : i32
    %scan3A_69 = arith.constant 0 : i32
    %scan3A_70 = arith.constant 32 : i32
    %scan3A_71 = arith.addi %scan3A_69, %scan3A_70 : i32
    %scan3A_72 = arith.constant 1 : i32
    scf.for %scan3A_104 = %scan3A_69 to %scan3A_71 step %scan3A_72  : i32 {
      %mul3A_105 = arith.constant 16 : i32
      %mul3A_106 = arith.muli %mul3A_105, %scan3A_104 : i32
      %multiple_of3A_107 = tpu.assume_multiple %mul3A_106, 16 : i32
      %get3A_108 = arith.index_cast %multiple_of3A_107 : i32 to index
      %get3A_109 = tpu.vector_load %arg4[%get3A_108] {strides = array<i32>} : memref<512xf32, #tpu.memory_space<vmem>>, vector<16xf32>,
      %get3A_110 = vector.shape_cast %get3A_109 : vector<16xf32> to vector<16xf32>
      %mul3A_111 = arith.constant 16 : i32
      %mul3A_112 = arith.muli %mul3A_111, %scan3A_104 : i32
      %add3A_113 = arith.constant 1792 : i32
      %add3A_114 = arith.addi %add3A_113, %mul3A_112 : i32
      %multiple_of3A_115 = tpu.assume_multiple %add3A_114, 16 : i32
      %swap3A = arith.index_cast %multiple_of3A_115 : i32 to index
      %swap3A_116 = tpu.vector_load %arg5[%swap3A] {strides = array<i32>} : memref<4096xf32, #tpu.memory_space<vmem>>, vector<16xf32>,
      %swap3A_117 = vector.shape_cast %swap3A_116 : vector<16xf32> to vector<16xf32>
      %swap3A_118 = vector.shape_cast %get3A_110 : vector<16xf32> to vector<16xf32>
      tpu.vector_store %arg5[%swap3A], %swap3A_118 {strides = array<i32>} : memref<4096xf32, #tpu.memory_space<vmem>>, vector<16xf32>,
    }
    %scan3A_73 = arith.constant 32 : i32
    %scan3A_74 = arith.constant 0 : i32
    %scan3A_75 = arith.constant 0 : i32
    %scan3A_76 = arith.constant 112 : i32
    %scan3A_77 = arith.addi %scan3A_75, %scan3A_76 : i32
    %scan3A_78 = arith.constant 1 : i32
    scf.for %scan3A_104 = %scan3A_75 to %scan3A_77 step %scan3A_78  : i32 {
      %mul3A_105 = arith.constant 16 : i32
      %mul3A_106 = arith.muli %mul3A_105, %scan3A_104 : i32
      %add3A_107 = arith.constant 2304 : i32
      %add3A_108 = arith.addi %add3A_107, %mul3A_106 : i32
      %multiple_of3A_109 = tpu.assume_multiple %add3A_108, 16 : i32
      %swap3A = arith.index_cast %multiple_of3A_109 : i32 to index
      %swap3A_110 = tpu.vector_load %arg5[%swap3A] {strides = array<i32>} : memref<4096xf32, #tpu.memory_space<vmem>>, vector<16xf32>,
      %swap3A_111 = vector.shape_cast %swap3A_110 : vector<16xf32> to vector<16xf32>
      %swap3A_112 = vector.shape_cast %gather3A_62 : vector<16xf32> to vector<16xf32>
      tpu.vector_store %arg5[%swap3A], %swap3A_112 {strides = array<i32>} : memref<4096xf32, #tpu.memory_space<vmem>>, vector<16xf32>,
    }
    %scan3A_79 = arith.constant 112 : i32
    %scan3A_80 = arith.constant 0 : i32
    %scan3A_81 = arith.constant 0 : i32
    %scan3A_82 = arith.constant 6144 : i32
    %scan3A_83 = arith.addi %scan3A_81, %scan3A_82 : i32
    %scan3A_84 = arith.constant 1 : i32
    scf.for %scan3A_104 = %scan3A_81 to %scan3A_83 step %scan3A_84  : i32 {
      %jit3A_105 = arith.constant 384 : i32
      %div3A_106 = arith.divsi %scan3A_104, %jit3A_105 : i32
      %sign3A_107 = arith.constant 0 : i32
      %sign3A_108 = arith.cmpi sgt, %scan3A_104, %sign3A_107 : i32
      %sign3A_109 = arith.extui %sign3A_108 : i1 to i32
      %sign3A_110 = arith.constant 0 : i32
      %sign3A_111 = arith.cmpi slt, %scan3A_104, %sign3A_110 : i32
      %sign3A_112 = arith.extui %sign3A_111 : i1 to i32
      %sign3A_113 = arith.subi %sign3A_109, %sign3A_112 : i32
      %sign3A_114 = arith.constant 0 : i32
      %sign3A_115 = arith.cmpi sgt, %jit3A_105, %sign3A_114 : i32
      %sign3A_116 = arith.extui %sign3A_115 : i1 to i32
      %sign3A_117 = arith.constant 0 : i32
      %sign3A_118 = arith.cmpi slt, %jit3A_105, %sign3A_117 : i32
      %sign3A_119 = arith.extui %sign3A_118 : i1 to i32
      %sign3A_120 = arith.subi %sign3A_116, %sign3A_119 : i32
      %ne3A_121 = arith.cmpi ne, %sign3A_113, %sign3A_120 : i32
      %rem3A_122 = arith.remsi %scan3A_104, %jit3A_105 : i32
      %ne3A_123 = arith.constant 0 : i32
      %ne3A_124 = arith.cmpi ne, %rem3A_122, %ne3A_123 : i32
      %and3A_125 = arith.andi %ne3A_121, %ne3A_124 : i1
      %sub3A_126 = arith.constant 1 : i32
      %sub3A_127 = arith.subi %div3A_106, %sub3A_126 : i32
      %select_n3A_128 = arith.select %and3A_125, %sub3A_127, %div3A_106 : i32
      %jit3A_129 = arith.constant 384 : i32
      %eq3A_130 = arith.constant 0 : i32
      %eq3A_131 = arith.cmpi eq, %jit3A_129, %eq3A_130 : i32
      %jit3A_132 = arith.constant 1 : i32
      %select_n3A_133 = arith.select %eq3A_131, %jit3A_132, %jit3A_129 : i32
      %rem3A_134 = arith.remsi %scan3A_104, %select_n3A_133 : i32
      %ne3A_135 = arith.constant 0 : i32
      %ne3A_136 = arith.cmpi ne, %rem3A_134, %ne3A_135 : i32
      %lt3A_137 = arith.constant 0 : i32
      %lt3A_138 = arith.cmpi slt, %rem3A_134, %lt3A_137 : i32
      %lt3A_139 = arith.constant 0 : i32
      %lt3A_140 = arith.cmpi slt, %select_n3A_133, %lt3A_139 : i32
      %ne3A_141 = arith.xori %lt3A_138, %lt3A_140 : i1
      %and3A_142 = arith.andi %ne3A_141, %ne3A_136 : i1
      %add3A_143 = arith.addi %rem3A_134, %select_n3A_133 : i32
      %select_n3A_144 = arith.select %and3A_142, %add3A_143, %rem3A_134 : i32
      %jit3A_145 = arith.constant 64 : i32
      %div3A_146 = arith.divsi %select_n3A_144, %jit3A_145 : i32
      %sign3A_147 = arith.constant 0 : i32
      %sign3A_148 = arith.cmpi sgt, %select_n3A_144, %sign3A_147 : i32
      %sign3A_149 = arith.extui %sign3A_148 : i1 to i32
      %sign3A_150 = arith.constant 0 : i32
      %sign3A_151 = arith.cmpi slt, %select_n3A_144, %sign3A_150 : i32
      %sign3A_152 = arith.extui %sign3A_151 : i1 to i32
      %sign3A_153 = arith.subi %sign3A_149, %sign3A_152 : i32
      %sign3A_154 = arith.constant 0 : i32
      %sign3A_155 = arith.cmpi sgt, %jit3A_145, %sign3A_154 : i32
      %sign3A_156 = arith.extui %sign3A_155 : i1 to i32
      %sign3A_157 = arith.constant 0 : i32
      %sign3A_158 = arith.cmpi slt, %jit3A_145, %sign3A_157 : i32
      %sign3A_159 = arith.extui %sign3A_158 : i1 to i32
      %sign3A_160 = arith.subi %sign3A_156, %sign3A_159 : i32
      %ne3A_161 = arith.cmpi ne, %sign3A_153, %sign3A_160 : i32
      %rem3A_162 = arith.remsi %select_n3A_144, %jit3A_145 : i32
      %ne3A_163 = arith.constant 0 : i32
      %ne3A_164 = arith.cmpi ne, %rem3A_162, %ne3A_163 : i32
      %and3A_165 = arith.andi %ne3A_161, %ne3A_164 : i1
      %sub3A_166 = arith.constant 1 : i32
      %sub3A_167 = arith.subi %div3A_146, %sub3A_166 : i32
      %select_n3A_168 = arith.select %and3A_165, %sub3A_167, %div3A_146 : i32
      %jit3A_169 = arith.constant 64 : i32
      %eq3A_170 = arith.constant 0 : i32
      %eq3A_171 = arith.cmpi eq, %jit3A_169, %eq3A_170 : i32
      %jit3A_172 = arith.constant 1 : i32
      %select_n3A_173 = arith.select %eq3A_171, %jit3A_172, %jit3A_169 : i32
      %rem3A_174 = arith.remsi %select_n3A_144, %select_n3A_173 : i32
      %ne3A_175 = arith.constant 0 : i32
      %ne3A_176 = arith.cmpi ne, %rem3A_174, %ne3A_175 : i32
      %lt3A_177 = arith.constant 0 : i32
      %lt3A_178 = arith.cmpi slt, %rem3A_174, %lt3A_177 : i32
      %lt3A_179 = arith.constant 0 : i32
      %lt3A_180 = arith.cmpi slt, %select_n3A_173, %lt3A_179 : i32
      %ne3A_181 = arith.xori %lt3A_178, %lt3A_180 : i1
      %and3A_182 = arith.andi %ne3A_181, %ne3A_176 : i1
      %add3A_183 = arith.addi %rem3A_174, %select_n3A_173 : i32
      %select_n3A_184 = arith.select %and3A_182, %add3A_183, %rem3A_174 : i32
      %jit3A_185 = arith.constant 8 : i32
      %div3A_186 = arith.divsi %select_n3A_184, %jit3A_185 : i32
      %sign3A_187 = arith.constant 0 : i32
      %sign3A_188 = arith.cmpi sgt, %select_n3A_184, %sign3A_187 : i32
      %sign3A_189 = arith.extui %sign3A_188 : i1 to i32
      %sign3A_190 = arith.constant 0 : i32
      %sign3A_191 = arith.cmpi slt, %select_n3A_184, %sign3A_190 : i32
      %sign3A_192 = arith.extui %sign3A_191 : i1 to i32
      %sign3A_193 = arith.subi %sign3A_189, %sign3A_192 : i32
      %sign3A_194 = arith.constant 0 : i32
      %sign3A_195 = arith.cmpi sgt, %jit3A_185, %sign3A_194 : i32
      %sign3A_196 = arith.extui %sign3A_195 : i1 to i32
      %sign3A_197 = arith.constant 0 : i32
      %sign3A_198 = arith.cmpi slt, %jit3A_185, %sign3A_197 : i32
      %sign3A_199 = arith.extui %sign3A_198 : i1 to i32
      %sign3A_200 = arith.subi %sign3A_196, %sign3A_199 : i32
      %ne3A_201 = arith.cmpi ne, %sign3A_193, %sign3A_200 : i32
      %rem3A_202 = arith.remsi %select_n3A_184, %jit3A_185 : i32
      %ne3A_203 = arith.constant 0 : i32
      %ne3A_204 = arith.cmpi ne, %rem3A_202, %ne3A_203 : i32
      %and3A_205 = arith.andi %ne3A_201, %ne3A_204 : i1
      %sub3A_206 = arith.constant 1 : i32
      %sub3A_207 = arith.subi %div3A_186, %sub3A_206 : i32
      %select_n3A_208 = arith.select %and3A_205, %sub3A_207, %div3A_186 : i32
      %jit3A_209 = arith.constant 8 : i32
      %eq3A_210 = arith.constant 0 : i32
      %eq3A_211 = arith.cmpi eq, %jit3A_209, %eq3A_210 : i32
      %jit3A_212 = arith.constant 1 : i32
      %select_n3A_213 = arith.select %eq3A_211, %jit3A_212, %jit3A_209 : i32
      %rem3A_214 = arith.remsi %select_n3A_144, %select_n3A_213 : i32
      %ne3A_215 = arith.constant 0 : i32
      %ne3A_216 = arith.cmpi ne, %rem3A_214, %ne3A_215 : i32
      %lt3A_217 = arith.constant 0 : i32
      %lt3A_218 = arith.cmpi slt, %rem3A_214, %lt3A_217 : i32
      %lt3A_219 = arith.constant 0 : i32
      %lt3A_220 = arith.cmpi slt, %select_n3A_213, %lt3A_219 : i32
      %ne3A_221 = arith.xori %lt3A_218, %lt3A_220 : i1
      %and3A_222 = arith.andi %ne3A_221, %ne3A_216 : i1
      %add3A_223 = arith.addi %rem3A_214, %select_n3A_213 : i32
      %select_n3A_224 = arith.select %and3A_222, %add3A_223, %rem3A_214 : i32
      %mul3A_225 = arith.constant 8 : i32
      %mul3A_226 = arith.muli %mul3A_225, %select_n3A_128 : i32
      %sub3A_227 = arith.constant 1658 : i32
      %sub3A_228 = arith.subi %sub3A_227, %mul3A_226 : i32
      %jit3A_229 = arith.constant 128 : i32
      %div3A_230 = arith.divsi %sub3A_228, %jit3A_229 : i32
      %sign3A_231 = arith.constant 0 : i32
      %sign3A_232 = arith.cmpi sgt, %sub3A_228, %sign3A_231 : i32
      %sign3A_233 = arith.extui %sign3A_232 : i1 to i32
      %sign3A_234 = arith.constant 0 : i32
      %sign3A_235 = arith.cmpi slt, %sub3A_228, %sign3A_234 : i32
      %sign3A_236 = arith.extui %sign3A_235 : i1 to i32
      %sign3A_237 = arith.subi %sign3A_233, %sign3A_236 : i32
      %sign3A_238 = arith.constant 0 : i32
      %sign3A_239 = arith.cmpi sgt, %jit3A_229, %sign3A_238 : i32
      %sign3A_240 = arith.extui %sign3A_239 : i1 to i32
      %sign3A_241 = arith.constant 0 : i32
      %sign3A_242 = arith.cmpi slt, %jit3A_229, %sign3A_241 : i32
      %sign3A_243 = arith.extui %sign3A_242 : i1 to i32
      %sign3A_244 = arith.subi %sign3A_240, %sign3A_243 : i32
      %ne3A_245 = arith.cmpi ne, %sign3A_237, %sign3A_244 : i32
      %rem3A_246 = arith.remsi %sub3A_228, %jit3A_229 : i32
      %ne3A_247 = arith.constant 0 : i32
      %ne3A_248 = arith.cmpi ne, %rem3A_246, %ne3A_247 : i32
      %and3A_249 = arith.andi %ne3A_245, %ne3A_248 : i1
      %sub3A_250 = arith.constant 1 : i32
      %sub3A_251 = arith.subi %div3A_230, %sub3A_250 : i32
      %select_n3A_252 = arith.select %and3A_249, %sub3A_251, %div3A_230 : i32
      %add3A_253 = arith.constant 1 : i32
      %add3A_254 = arith.addi %select_n3A_252, %add3A_253 : i32
      %add3A_255 = arith.addi %add3A_254, %select_n3A_168 : i32
      %mul3A_256 = arith.constant 128 : i32
      %mul3A_257 = arith.muli %mul3A_256, %add3A_255 : i32
      %add3A_258 = arith.addi %mul3A_257, %mul3A_226 : i32
      %add3A_259 = arith.constant 7 : i32
      %add3A_260 = arith.addi %add3A_258, %add3A_259 : i32
      %sub3A_261 = arith.subi %add3A_260, %select_n3A_208 : i32
      %mul3A_262 = arith.constant 16 : i32
      %mul3A_263 = arith.muli %mul3A_262, %select_n3A_224 : i32
      %add3A_264 = arith.addi %sub3A_261, %mul3A_263 : i32
      %get3A_265 = arith.index_cast %add3A_264 : i32 to index
      %get3A_266 = tpu.vector_load %arg5[%get3A_265] {strides = array<i32>} : memref<4096xf32, #tpu.memory_space<vmem>>, vector<16xf32>,
      %get3A_267 = vector.shape_cast %get3A_266 : vector<16xf32> to vector<16xf32>
      %mul3A_268 = arith.constant 6 : i32
      %mul3A_269 = arith.muli %select_n3A_128, %mul3A_268 : i32
      %add3A_270 = arith.addi %mul3A_269, %select_n3A_168 : i32
      %mul3A_271 = arith.constant 8 : i32
      %mul3A_272 = arith.muli %add3A_270, %mul3A_271 : i32
      %add3A_273 = arith.addi %mul3A_272, %select_n3A_208 : i32
      %mul3A_274 = arith.constant 16 : i32
      %mul3A_275 = arith.muli %mul3A_274, %select_n3A_224 : i32
      %multiple_of3A_276 = tpu.assume_multiple %mul3A_275, 16 : i32
      %swap3A = arith.index_cast %add3A_273 : i32 to index
      %swap3A_277 = arith.index_cast %multiple_of3A_276 : i32 to index
      %swap3A_278 = tpu.vector_load %arg6[%swap3A, %swap3A_277] {strides = array<i32>} : memref<784x128xf32, #tpu.memory_space<vmem>>, vector<1x16xf32>,
      %swap3A_279 = vector.shape_cast %swap3A_278 : vector<1x16xf32> to vector<16xf32>
      %swap3A_280 = vector.shape_cast %get3A_267 : vector<16xf32> to vector<1x16xf32>
      tpu.vector_store %arg6[%swap3A, %swap3A_277], %swap3A_280 {strides = array<i32>} : memref<784x128xf32, #tpu.memory_space<vmem>>, vector<1x16xf32>,
    }
    %scan3A_85 = arith.constant 6144 : i32
    %scan3A_86 = arith.constant 0 : i32
    %scan3A_87 = arith.constant 0 : i32
    %scan3A_88 = arith.constant 64 : i32
    %scan3A_89 = arith.addi %scan3A_87, %scan3A_88 : i32
    %scan3A_90 = arith.constant 1 : i32
    scf.for %scan3A_104 = %scan3A_87 to %scan3A_89 step %scan3A_90  : i32 {
      %get3A_105 = arith.constant 0 : index
      %get3A_106 = tpu.vector_load %arg5[%get3A_105] {strides = array<i32>} : memref<4096xf32, #tpu.memory_space<vmem>>, vector<16xf32>,
      %get3A_107 = vector.shape_cast %get3A_106 : vector<16xf32> to vector<16xf32>
      %jit3A_108 = arith.constant 8 : i32
      %div3A_109 = arith.divsi %scan3A_104, %jit3A_108 : i32
      %sign3A_110 = arith.constant 0 : i32
      %sign3A_111 = arith.cmpi sgt, %scan3A_104, %sign3A_110 : i32
      %sign3A_112 = arith.extui %sign3A_111 : i1 to i32
      %sign3A_113 = arith.constant 0 : i32
      %sign3A_114 = arith.cmpi slt, %scan3A_104, %sign3A_113 : i32
      %sign3A_115 = arith.extui %sign3A_114 : i1 to i32
      %sign3A_116 = arith.subi %sign3A_112, %sign3A_115 : i32
      %sign3A_117 = arith.constant 0 : i32
      %sign3A_118 = arith.cmpi sgt, %jit3A_108, %sign3A_117 : i32
      %sign3A_119 = arith.extui %sign3A_118 : i1 to i32
      %sign3A_120 = arith.constant 0 : i32
      %sign3A_121 = arith.cmpi slt, %jit3A_108, %sign3A_120 : i32
      %sign3A_122 = arith.extui %sign3A_121 : i1 to i32
      %sign3A_123 = arith.subi %sign3A_119, %sign3A_122 : i32
      %ne3A_124 = arith.cmpi ne, %sign3A_116, %sign3A_123 : i32
      %rem3A_125 = arith.remsi %scan3A_104, %jit3A_108 : i32
      %ne3A_126 = arith.constant 0 : i32
      %ne3A_127 = arith.cmpi ne, %rem3A_125, %ne3A_126 : i32
      %and3A_128 = arith.andi %ne3A_124, %ne3A_127 : i1
      %sub3A_129 = arith.constant 1 : i32
      %sub3A_130 = arith.subi %div3A_109, %sub3A_129 : i32
      %select_n3A_131 = arith.select %and3A_128, %sub3A_130, %div3A_109 : i32
      %add3A_132 = arith.constant 768 : i32
      %add3A_133 = arith.addi %add3A_132, %select_n3A_131 : i32
      %jit3A_134 = arith.constant 8 : i32
      %eq3A_135 = arith.constant 0 : i32
      %eq3A_136 = arith.cmpi eq, %jit3A_134, %eq3A_135 : i32
      %jit3A_137 = arith.constant 1 : i32
      %select_n3A_138 = arith.select %eq3A_136, %jit3A_137, %jit3A_134 : i32
      %rem3A_139 = arith.remsi %scan3A_104, %select_n3A_138 : i32
      %ne3A_140 = arith.constant 0 : i32
      %ne3A_141 = arith.cmpi ne, %rem3A_139, %ne3A_140 : i32
      %lt3A_142 = arith.constant 0 : i32
      %lt3A_143 = arith.cmpi slt, %rem3A_139, %lt3A_142 : i32
      %lt3A_144 = arith.constant 0 : i32
      %lt3A_145 = arith.cmpi slt, %select_n3A_138, %lt3A_144 : i32
      %ne3A_146 = arith.xori %lt3A_143, %lt3A_145 : i1
      %and3A_147 = arith.andi %ne3A_146, %ne3A_141 : i1
      %add3A_148 = arith.addi %rem3A_139, %select_n3A_138 : i32
      %select_n3A_149 = arith.select %and3A_147, %add3A_148, %rem3A_139 : i32
      %mul3A_150 = arith.constant 16 : i32
      %mul3A_151 = arith.muli %mul3A_150, %select_n3A_149 : i32
      %multiple_of3A_152 = tpu.assume_multiple %mul3A_151, 16 : i32
      %swap3A = arith.index_cast %add3A_133 : i32 to index
      %swap3A_153 = arith.index_cast %multiple_of3A_152 : i32 to index
      %swap3A_154 = tpu.vector_load %arg6[%swap3A, %swap3A_153] {strides = array<i32>} : memref<784x128xf32, #tpu.memory_space<vmem>>, vector<1x16xf32>,
      %swap3A_155 = vector.shape_cast %swap3A_154 : vector<1x16xf32> to vector<16xf32>
      %swap3A_156 = vector.shape_cast %get3A_107 : vector<16xf32> to vector<1x16xf32>
      tpu.vector_store %arg6[%swap3A, %swap3A_153], %swap3A_156 {strides = array<i32>} : memref<784x128xf32, #tpu.memory_space<vmem>>, vector<1x16xf32>,
    }
    %scan3A_91 = arith.constant 64 : i32
    %scan3A_92 = arith.constant 0 : i32
    %scan3A_93 = arith.constant 0 : i32
    %scan3A_94 = arith.constant 64 : i32
    %scan3A_95 = arith.addi %scan3A_93, %scan3A_94 : i32
    %scan3A_96 = arith.constant 1 : i32
    scf.for %scan3A_104 = %scan3A_93 to %scan3A_95 step %scan3A_96  : i32 {
      %get3A_105 = arith.constant 4080 : index
      %get3A_106 = tpu.vector_load %arg5[%get3A_105] {strides = array<i32>} : memref<4096xf32, #tpu.memory_space<vmem>>, vector<16xf32>,
      %get3A_107 = vector.shape_cast %get3A_106 : vector<16xf32> to vector<16xf32>
      %jit3A_108 = arith.constant 8 : i32
      %div3A_109 = arith.divsi %scan3A_104, %jit3A_108 : i32
      %sign3A_110 = arith.constant 0 : i32
      %sign3A_111 = arith.cmpi sgt, %scan3A_104, %sign3A_110 : i32
      %sign3A_112 = arith.extui %sign3A_111 : i1 to i32
      %sign3A_113 = arith.constant 0 : i32
      %sign3A_114 = arith.cmpi slt, %scan3A_104, %sign3A_113 : i32
      %sign3A_115 = arith.extui %sign3A_114 : i1 to i32
      %sign3A_116 = arith.subi %sign3A_112, %sign3A_115 : i32
      %sign3A_117 = arith.constant 0 : i32
      %sign3A_118 = arith.cmpi sgt, %jit3A_108, %sign3A_117 : i32
      %sign3A_119 = arith.extui %sign3A_118 : i1 to i32
      %sign3A_120 = arith.constant 0 : i32
      %sign3A_121 = arith.cmpi slt, %jit3A_108, %sign3A_120 : i32
      %sign3A_122 = arith.extui %sign3A_121 : i1 to i32
      %sign3A_123 = arith.subi %sign3A_119, %sign3A_122 : i32
      %ne3A_124 = arith.cmpi ne, %sign3A_116, %sign3A_123 : i32
      %rem3A_125 = arith.remsi %scan3A_104, %jit3A_108 : i32
      %ne3A_126 = arith.constant 0 : i32
      %ne3A_127 = arith.cmpi ne, %rem3A_125, %ne3A_126 : i32
      %and3A_128 = arith.andi %ne3A_124, %ne3A_127 : i1
      %sub3A_129 = arith.constant 1 : i32
      %sub3A_130 = arith.subi %div3A_109, %sub3A_129 : i32
      %select_n3A_131 = arith.select %and3A_128, %sub3A_130, %div3A_109 : i32
      %add3A_132 = arith.constant 776 : i32
      %add3A_133 = arith.addi %add3A_132, %select_n3A_131 : i32
      %jit3A_134 = arith.constant 8 : i32
      %eq3A_135 = arith.constant 0 : i32
      %eq3A_136 = arith.cmpi eq, %jit3A_134, %eq3A_135 : i32
      %jit3A_137 = arith.constant 1 : i32
      %select_n3A_138 = arith.select %eq3A_136, %jit3A_137, %jit3A_134 : i32
      %rem3A_139 = arith.remsi %scan3A_104, %select_n3A_138 : i32
      %ne3A_140 = arith.constant 0 : i32
      %ne3A_141 = arith.cmpi ne, %rem3A_139, %ne3A_140 : i32
      %lt3A_142 = arith.constant 0 : i32
      %lt3A_143 = arith.cmpi slt, %rem3A_139, %lt3A_142 : i32
      %lt3A_144 = arith.constant 0 : i32
      %lt3A_145 = arith.cmpi slt, %select_n3A_138, %lt3A_144 : i32
      %ne3A_146 = arith.xori %lt3A_143, %lt3A_145 : i1
      %and3A_147 = arith.andi %ne3A_146, %ne3A_141 : i1
      %add3A_148 = arith.addi %rem3A_139, %select_n3A_138 : i32
      %select_n3A_149 = arith.select %and3A_147, %add3A_148, %rem3A_139 : i32
      %mul3A_150 = arith.constant 16 : i32
      %mul3A_151 = arith.muli %mul3A_150, %select_n3A_149 : i32
      %multiple_of3A_152 = tpu.assume_multiple %mul3A_151, 16 : i32
      %swap3A = arith.index_cast %add3A_133 : i32 to index
      %swap3A_153 = arith.index_cast %multiple_of3A_152 : i32 to index
      %swap3A_154 = tpu.vector_load %arg6[%swap3A, %swap3A_153] {strides = array<i32>} : memref<784x128xf32, #tpu.memory_space<vmem>>, vector<1x16xf32>,
      %swap3A_155 = vector.shape_cast %swap3A_154 : vector<1x16xf32> to vector<16xf32>
      %swap3A_156 = vector.shape_cast %get3A_107 : vector<16xf32> to vector<1x16xf32>
      tpu.vector_store %arg6[%swap3A, %swap3A_153], %swap3A_156 {strides = array<i32>} : memref<784x128xf32, #tpu.memory_space<vmem>>, vector<1x16xf32>,
    }
    %scan3A_97 = arith.constant 64 : i32
    %scan3A_98 = arith.constant 0 : i32
    %scan3A_99 = arith.constant 0 : i32
    %scan3A_100 = arith.constant 64 : i32
    %scan3A_101 = arith.addi %scan3A_99, %scan3A_100 : i32
    %scan3A_102 = arith.constant 1 : i32
    scf.for %scan3A_104 = %scan3A_99 to %scan3A_101 step %scan3A_102  : i32 {
      %mul3A_105 = arith.constant 2 : i32
      %mul3A_106 = arith.muli %mul3A_105, %scan3A_104 : i32
      %add3A_107 = arith.addi %mul3A_32, %mul3A_106 : i32
      %add3A_108 = arith.constant 0 : i32
      %add3A_109 = arith.addi %add3A_107, %add3A_108 : i32
      %sub3A_110 = arith.constant 255 : i32
      %sub3A_111 = arith.subi %sub3A_110, %add3A_109 : i32
      %jit3A_112 = arith.constant 16 : i32
      %eq3A_113 = arith.constant 0 : i32
      %eq3A_114 = arith.cmpi eq, %jit3A_112, %eq3A_113 : i32
      %jit3A_115 = arith.constant 1 : i32
      %select_n3A_116 = arith.select %eq3A_114, %jit3A_115, %jit3A_112 : i32
      %rem3A_117 = arith.remsi %sub3A_111, %select_n3A_116 : i32
      %ne3A_118 = arith.constant 0 : i32
      %ne3A_119 = arith.cmpi ne, %rem3A_117, %ne3A_118 : i32
      %lt3A_120 = arith.constant 0 : i32
      %lt3A_121 = arith.cmpi slt, %rem3A_117, %lt3A_120 : i32
      %lt3A_122 = arith.constant 0 : i32
      %lt3A_123 = arith.cmpi slt, %select_n3A_116, %lt3A_122 : i32
      %ne3A_124 = arith.xori %lt3A_121, %lt3A_123 : i1
      %and3A_125 = arith.andi %ne3A_124, %ne3A_119 : i1
      %add3A_126 = arith.addi %rem3A_117, %select_n3A_116 : i32
      %select_n3A_127 = arith.select %and3A_125, %add3A_126, %rem3A_117 : i32
      %mul3A_128 = arith.constant 8 : i32
      %mul3A_129 = arith.muli %mul3A_128, %select_n3A_127 : i32
      %sub3A_130 = arith.constant 1658 : i32
      %sub3A_131 = arith.subi %sub3A_130, %mul3A_129 : i32
      %jit3A_132 = arith.constant 128 : i32
      %div3A_133 = arith.divsi %sub3A_131, %jit3A_132 : i32
      %sign3A_134 = arith.constant 0 : i32
      %sign3A_135 = arith.cmpi sgt, %sub3A_131, %sign3A_134 : i32
      %sign3A_136 = arith.extui %sign3A_135 : i1 to i32
      %sign3A_137 = arith.constant 0 : i32
      %sign3A_138 = arith.cmpi slt, %sub3A_131, %sign3A_137 : i32
      %sign3A_139 = arith.extui %sign3A_138 : i1 to i32
      %sign3A_140 = arith.subi %sign3A_136, %sign3A_139 : i32
      %sign3A_141 = arith.constant 0 : i32
      %sign3A_142 = arith.cmpi sgt, %jit3A_132, %sign3A_141 : i32
      %sign3A_143 = arith.extui %sign3A_142 : i1 to i32
      %sign3A_144 = arith.constant 0 : i32
      %sign3A_145 = arith.cmpi slt, %jit3A_132, %sign3A_144 : i32
      %sign3A_146 = arith.extui %sign3A_145 : i1 to i32
      %sign3A_147 = arith.subi %sign3A_143, %sign3A_146 : i32
      %ne3A_148 = arith.cmpi ne, %sign3A_140, %sign3A_147 : i32
      %rem3A_149 = arith.remsi %sub3A_131, %jit3A_132 : i32
      %ne3A_150 = arith.constant 0 : i32
      %ne3A_151 = arith.cmpi ne, %rem3A_149, %ne3A_150 : i32
      %and3A_152 = arith.andi %ne3A_148, %ne3A_151 : i1
      %sub3A_153 = arith.constant 1 : i32
      %sub3A_154 = arith.subi %div3A_133, %sub3A_153 : i32
      %select_n3A_155 = arith.select %and3A_152, %sub3A_154, %div3A_133 : i32
      %add3A_156 = arith.constant 1 : i32
      %add3A_157 = arith.addi %select_n3A_155, %add3A_156 : i32
      %mul3A_158 = arith.constant 8 : i32
      %mul3A_159 = arith.muli %mul3A_158, %add3A_109 : i32
      %sub3A_160 = arith.constant 2040 : i32
      %sub3A_161 = arith.subi %sub3A_160, %mul3A_159 : i32
      %sub3A_162 = arith.subi %sub3A_161, %mul3A_129 : i32
      %jit3A_163 = arith.constant 128 : i32
      %div3A_164 = arith.divsi %sub3A_162, %jit3A_163 : i32
      %sign3A_165 = arith.constant 0 : i32
      %sign3A_166 = arith.cmpi sgt, %sub3A_162, %sign3A_165 : i32
      %sign3A_167 = arith.extui %sign3A_166 : i1 to i32
      %sign3A_168 = arith.constant 0 : i32
      %sign3A_169 = arith.cmpi slt, %sub3A_162, %sign3A_168 : i32
      %sign3A_170 = arith.extui %sign3A_169 : i1 to i32
      %sign3A_171 = arith.subi %sign3A_167, %sign3A_170 : i32
      %sign3A_172 = arith.constant 0 : i32
      %sign3A_173 = arith.cmpi sgt, %jit3A_163, %sign3A_172 : i32
      %sign3A_174 = arith.extui %sign3A_173 : i1 to i32
      %sign3A_175 = arith.constant 0 : i32
      %sign3A_176 = arith.cmpi slt, %jit3A_163, %sign3A_175 : i32
      %sign3A_177 = arith.extui %sign3A_176 : i1 to i32
      %sign3A_178 = arith.subi %sign3A_174, %sign3A_177 : i32
      %ne3A_179 = arith.cmpi ne, %sign3A_171, %sign3A_178 : i32
      %rem3A_180 = arith.remsi %sub3A_162, %jit3A_163 : i32
      %ne3A_181 = arith.constant 0 : i32
      %ne3A_182 = arith.cmpi ne, %rem3A_180, %ne3A_181 : i32
      %and3A_183 = arith.andi %ne3A_179, %ne3A_182 : i1
      %sub3A_184 = arith.constant 1 : i32
      %sub3A_185 = arith.subi %div3A_164, %sub3A_184 : i32
      %select_n3A_186 = arith.select %and3A_183, %sub3A_185, %div3A_164 : i32
      %add3A_187 = arith.constant 0 : i32
      %add3A_188 = arith.addi %select_n3A_186, %add3A_187 : i32
      %sub3A_189 = arith.subi %add3A_188, %add3A_157 : i32
      %lt3A_190 = arith.constant 0 : i32
      %lt3A_191 = arith.cmpi slt, %sub3A_189, %lt3A_190 : i32
      %gt3A = arith.constant 5 : i32
      %gt3A_192 = arith.cmpi sgt, %sub3A_189, %gt3A : i32
      %mul3A_193 = arith.constant 6 : i32
      %mul3A_194 = arith.muli %select_n3A_127, %mul3A_193 : i32
      %add3A_195 = arith.addi %mul3A_194, %sub3A_189 : i32
      %jit3A_196 = arith.constant 97 : i32
      %select_n3A_197 = arith.select %gt3A_192, %jit3A_196, %add3A_195 : i32
      %jit3A_198 = arith.constant 96 : i32
      %select_n3A_199 = arith.select %lt3A_191, %jit3A_198, %select_n3A_197 : i32
      %mul3A_200 = arith.constant 8 : i32
      %mul3A_201 = arith.muli %select_n3A_199, %mul3A_200 : i32
      %multiple_of3A_202 = tpu.assume_multiple %mul3A_201, 8 : i32
      %mul3A_203 = arith.constant 8 : i32
      %mul3A_204 = arith.muli %mul3A_203, %add3A_109 : i32
      %multiple_of3A_205 = tpu.assume_multiple %mul3A_204, 8 : i32
      %dma_start3A = arith.constant 0 : i32
      %dma_start3A_206 = tpu.memref_slice %arg6[%multiple_of3A_202, %dma_start3A] : memref<784x128xf32, #tpu.memory_space<vmem>> -> memref<8x128xf32, #tpu.memory_space<vmem>>
      %dma_start3A_207 = arith.constant 0 : i32
      %dma_start3A_208 = tpu.memref_slice %arg3[%select_n3A, %multiple_of3A_205, %dma_start3A_207] : memref<16x2048x2048xf32, #tpu.memory_space<hbm>> -> memref<1x8x128xf32, #tpu.memory_space<hbm>>
      %dma_start3A_209 = tpu.memref_squeeze %dma_start3A_208 : memref<1x8x128xf32, #tpu.memory_space<hbm>> -> memref<8x128xf32, #tpu.memory_space<hbm>>
      %dma_start3A_210 = arith.constant 0 : i32
      %dma_start3A_211 = tpu.memref_slice %arg3[%select_n3A, %multiple_of3A_205, %dma_start3A_210] : memref<16x2048x2048xf32, #tpu.memory_space<hbm>> -> memref<1x8x128xf32, #tpu.memory_space<hbm>>
      %dma_start3A_212 = tpu.memref_squeeze %dma_start3A_211 : memref<1x8x128xf32, #tpu.memory_space<hbm>> -> memref<8x128xf32, #tpu.memory_space<hbm>>
      %dma_start3A_213 = arith.constant 0 : i32
      %dma_start3A_214 = tpu.memref_slice %arg6[%multiple_of3A_202, %dma_start3A_213] : memref<784x128xf32, #tpu.memory_space<vmem>> -> memref<8x128xf32, #tpu.memory_space<vmem>>
      tpu.enqueue_dma source(%dma_start3A_214 : memref<8x128xf32, #tpu.memory_space<vmem>>) target(%dma_start3A_212 : memref<8x128xf32, #tpu.memory_space<hbm>>) target_semaphore(%arg7 : memref<!tpu.dma_semaphore, #tpu.memory_space<semaphore_mem>>)
      %add3A_215 = arith.constant 1 : i32
      %add3A_216 = arith.addi %select_n3A_186, %add3A_215 : i32
      %sub3A_217 = arith.subi %add3A_216, %add3A_157 : i32
      %lt3A_218 = arith.constant 0 : i32
      %lt3A_219 = arith.cmpi slt, %sub3A_217, %lt3A_218 : i32
      %gt3A_220 = arith.constant 5 : i32
      %gt3A_221 = arith.cmpi sgt, %sub3A_217, %gt3A_220 : i32
      %mul3A_222 = arith.constant 6 : i32
      %mul3A_223 = arith.muli %select_n3A_127, %mul3A_222 : i32
      %add3A_224 = arith.addi %mul3A_223, %sub3A_217 : i32
      %jit3A_225 = arith.constant 97 : i32
      %select_n3A_226 = arith.select %gt3A_221, %jit3A_225, %add3A_224 : i32
      %jit3A_227 = arith.constant 96 : i32
      %select_n3A_228 = arith.select %lt3A_219, %jit3A_227, %select_n3A_226 : i32
      %mul3A_229 = arith.constant 8 : i32
      %mul3A_230 = arith.muli %select_n3A_228, %mul3A_229 : i32
      %multiple_of3A_231 = tpu.assume_multiple %mul3A_230, 8 : i32
      %mul3A_232 = arith.constant 8 : i32
      %mul3A_233 = arith.muli %mul3A_232, %add3A_109 : i32
      %multiple_of3A_234 = tpu.assume_multiple %mul3A_233, 8 : i32
      %dma_start3A_235 = arith.constant 0 : i32
      %dma_start3A_236 = tpu.memref_slice %arg6[%multiple_of3A_231, %dma_start3A_235] : memref<784x128xf32, #tpu.memory_space<vmem>> -> memref<8x128xf32, #tpu.memory_space<vmem>>
      %dma_start3A_237 = arith.constant 128 : i32
      %dma_start3A_238 = tpu.memref_slice %arg3[%select_n3A, %multiple_of3A_234, %dma_start3A_237] : memref<16x2048x2048xf32, #tpu.memory_space<hbm>> -> memref<1x8x128xf32, #tpu.memory_space<hbm>>
      %dma_start3A_239 = tpu.memref_squeeze %dma_start3A_238 : memref<1x8x128xf32, #tpu.memory_space<hbm>> -> memref<8x128xf32, #tpu.memory_space<hbm>>
      %dma_start3A_240 = arith.constant 128 : i32
      %dma_start3A_241 = tpu.memref_slice %arg3[%select_n3A, %multiple_of3A_234, %dma_start3A_240] : memref<16x2048x2048xf32, #tpu.memory_space<hbm>> -> memref<1x8x128xf32, #tpu.memory_space<hbm>>
      %dma_start3A_242 = tpu.memref_squeeze %dma_start3A_241 : memref<1x8x128xf32, #tpu.memory_space<hbm>> -> memref<8x128xf32, #tpu.memory_space<hbm>>
      %dma_start3A_243 = arith.constant 0 : i32
      %dma_start3A_244 = tpu.memref_slice %arg6[%multiple_of3A_231, %dma_start3A_243] : memref<784x128xf32, #tpu.memory_space<vmem>> -> memref<8x128xf32, #tpu.memory_space<vmem>>
      tpu.enqueue_dma source(%dma_start3A_244 : memref<8x128xf32, #tpu.memory_space<vmem>>) target(%dma_start3A_242 : memref<8x128xf32, #tpu.memory_space<hbm>>) target_semaphore(%arg7 : memref<!tpu.dma_semaphore, #tpu.memory_space<semaphore_mem>>)
      %add3A_245 = arith.constant 2 : i32
      %add3A_246 = arith.addi %select_n3A_186, %add3A_245 : i32
      %sub3A_247 = arith.subi %add3A_246, %add3A_157 : i32
      %lt3A_248 = arith.constant 0 : i32
      %lt3A_249 = arith.cmpi slt, %sub3A_247, %lt3A_248 : i32
      %gt3A_250 = arith.constant 5 : i32
      %gt3A_251 = arith.cmpi sgt, %sub3A_247, %gt3A_250 : i32
      %mul3A_252 = arith.constant 6 : i32
      %mul3A_253 = arith.muli %select_n3A_127, %mul3A_252 : i32
      %add3A_254 = arith.addi %mul3A_253, %sub3A_247 : i32
      %jit3A_255 = arith.constant 97 : i32
      %select_n3A_256 = arith.select %gt3A_251, %jit3A_255, %add3A_254 : i32
      %jit3A_257 = arith.constant 96 : i32
      %select_n3A_258 = arith.select %lt3A_249, %jit3A_257, %select_n3A_256 : i32
      %mul3A_259 = arith.constant 8 : i32
      %mul3A_260 = arith.muli %select_n3A_258, %mul3A_259 : i32
      %multiple_of3A_261 = tpu.assume_multiple %mul3A_260, 8 : i32
      %mul3A_262 = arith.constant 8 : i32
      %mul3A_263 = arith.muli %mul3A_262, %add3A_109 : i32
      %multiple_of3A_264 = tpu.assume_multiple %mul3A_263, 8 : i32
      %dma_start3A_265 = arith.constant 0 : i32
      %dma_start3A_266 = tpu.memref_slice %arg6[%multiple_of3A_261, %dma_start3A_265] : memref<784x128xf32, #tpu.memory_space<vmem>> -> memref<8x128xf32, #tpu.memory_space<vmem>>
      %dma_start3A_267 = arith.constant 256 : i32
      %dma_start3A_268 = tpu.memref_slice %arg3[%select_n3A, %multiple_of3A_264, %dma_start3A_267] : memref<16x2048x2048xf32, #tpu.memory_space<hbm>> -> memref<1x8x128xf32, #tpu.memory_space<hbm>>
      %dma_start3A_269 = tpu.memref_squeeze %dma_start3A_268 : memref<1x8x128xf32, #tpu.memory_space<hbm>> -> memref<8x128xf32, #tpu.memory_space<hbm>>
      %dma_start3A_270 = arith.constant 256 : i32
      %dma_start3A_271 = tpu.memref_slice %arg3[%select_n3A, %multiple_of3A_264, %dma_start3A_270] : memref<16x2048x2048xf32, #tpu.memory_space<hbm>> -> memref<1x8x128xf32, #tpu.memory_space<hbm>>
      %dma_start3A_272 = tpu.memref_squeeze %dma_start3A_271 : memref<1x8x128xf32, #tpu.memory_space<hbm>> -> memref<8x128xf32, #tpu.memory_space<hbm>>
      %dma_start3A_273 = arith.constant 0 : i32
      %dma_start3A_274 = tpu.memref_slice %arg6[%multiple_of3A_261, %dma_start3A_273] : memref<784x128xf32, #tpu.memory_space<vmem>> -> memref<8x128xf32, #tpu.memory_space<vmem>>
      tpu.enqueue_dma source(%dma_start3A_274 : memref<8x128xf32, #tpu.memory_space<vmem>>) target(%dma_start3A_272 : memref<8x128xf32, #tpu.memory_space<hbm>>) target_semaphore(%arg7 : memref<!tpu.dma_semaphore, #tpu.memory_space<semaphore_mem>>)
      %add3A_275 = arith.constant 3 : i32
      %add3A_276 = arith.addi %select_n3A_186, %add3A_275 : i32
      %sub3A_277 = arith.subi %add3A_276, %add3A_157 : i32
      %lt3A_278 = arith.constant 0 : i32
      %lt3A_279 = arith.cmpi slt, %sub3A_277, %lt3A_278 : i32
      %gt3A_280 = arith.constant 5 : i32
      %gt3A_281 = arith.cmpi sgt, %sub3A_277, %gt3A_280 : i32
      %mul3A_282 = arith.constant 6 : i32
      %mul3A_283 = arith.muli %select_n3A_127, %mul3A_282 : i32
      %add3A_284 = arith.addi %mul3A_283, %sub3A_277 : i32
      %jit3A_285 = arith.constant 97 : i32
      %select_n3A_286 = arith.select %gt3A_281, %jit3A_285, %add3A_284 : i32
      %jit3A_287 = arith.constant 96 : i32
      %select_n3A_288 = arith.select %lt3A_279, %jit3A_287, %select_n3A_286 : i32
      %mul3A_289 = arith.constant 8 : i32
      %mul3A_290 = arith.muli %select_n3A_288, %mul3A_289 : i32
      %multiple_of3A_291 = tpu.assume_multiple %mul3A_290, 8 : i32
      %mul3A_292 = arith.constant 8 : i32
      %mul3A_293 = arith.muli %mul3A_292, %add3A_109 : i32
      %multiple_of3A_294 = tpu.assume_multiple %mul3A_293, 8 : i32
      %dma_start3A_295 = arith.constant 0 : i32
      %dma_start3A_296 = tpu.memref_slice %arg6[%multiple_of3A_291, %dma_start3A_295] : memref<784x128xf32, #tpu.memory_space<vmem>> -> memref<8x128xf32, #tpu.memory_space<vmem>>
      %dma_start3A_297 = arith.constant 384 : i32
      %dma_start3A_298 = tpu.memref_slice %arg3[%select_n3A, %multiple_of3A_294, %dma_start3A_297] : memref<16x2048x2048xf32, #tpu.memory_space<hbm>> -> memref<1x8x128xf32, #tpu.memory_space<hbm>>
      %dma_start3A_299 = tpu.memref_squeeze %dma_start3A_298 : memref<1x8x128xf32, #tpu.memory_space<hbm>> -> memref<8x128xf32, #tpu.memory_space<hbm>>
      %dma_start3A_300 = arith.constant 384 : i32
      %dma_start3A_301 = tpu.memref_slice %arg3[%select_n3A, %multiple_of3A_294, %dma_start3A_300] : memref<16x2048x2048xf32, #tpu.memory_space<hbm>> -> memref<1x8x128xf32, #tpu.memory_space<hbm>>
      %dma_start3A_302 = tpu.memref_squeeze %dma_start3A_301 : memref<1x8x128xf32, #tpu.memory_space<hbm>> -> memref<8x128xf32, #tpu.memory_space<hbm>>
      %dma_start3A_303 = arith.constant 0 : i32
      %dma_start3A_304 = tpu.memref_slice %arg6[%multiple_of3A_291, %dma_start3A_303] : memref<784x128xf32, #tpu.memory_space<vmem>> -> memref<8x128xf32, #tpu.memory_space<vmem>>
      tpu.enqueue_dma source(%dma_start3A_304 : memref<8x128xf32, #tpu.memory_space<vmem>>) target(%dma_start3A_302 : memref<8x128xf32, #tpu.memory_space<hbm>>) target_semaphore(%arg7 : memref<!tpu.dma_semaphore, #tpu.memory_space<semaphore_mem>>)
      %add3A_305 = arith.constant 4 : i32
      %add3A_306 = arith.addi %select_n3A_186, %add3A_305 : i32
      %sub3A_307 = arith.subi %add3A_306, %add3A_157 : i32
      %lt3A_308 = arith.constant 0 : i32
      %lt3A_309 = arith.cmpi slt, %sub3A_307, %lt3A_308 : i32
      %gt3A_310 = arith.constant 5 : i32
      %gt3A_311 = arith.cmpi sgt, %sub3A_307, %gt3A_310 : i32
      %mul3A_312 = arith.constant 6 : i32
      %mul3A_313 = arith.muli %select_n3A_127, %mul3A_312 : i32
      %add3A_314 = arith.addi %mul3A_313, %sub3A_307 : i32
      %jit3A_315 = arith.constant 97 : i32
      %select_n3A_316 = arith.select %gt3A_311, %jit3A_315, %add3A_314 : i32
      %jit3A_317 = arith.constant 96 : i32
      %select_n3A_318 = arith.select %lt3A_309, %jit3A_317, %select_n3A_316 : i32
      %mul3A_319 = arith.constant 8 : i32
      %mul3A_320 = arith.muli %select_n3A_318, %mul3A_319 : i32
      %multiple_of3A_321 = tpu.assume_multiple %mul3A_320, 8 : i32
      %mul3A_322 = arith.constant 8 : i32
      %mul3A_323 = arith.muli %mul3A_322, %add3A_109 : i32
      %multiple_of3A_324 = tpu.assume_multiple %mul3A_323, 8 : i32
      %dma_start3A_325 = arith.constant 0 : i32
      %dma_start3A_326 = tpu.memref_slice %arg6[%multiple_of3A_321, %dma_start3A_325] : memref<784x128xf32, #tpu.memory_space<vmem>> -> memref<8x128xf32, #tpu.memory_space<vmem>>
      %dma_start3A_327 = arith.constant 512 : i32
      %dma_start3A_328 = tpu.memref_slice %arg3[%select_n3A, %multiple_of3A_324, %dma_start3A_327] : memref<16x2048x2048xf32, #tpu.memory_space<hbm>> -> memref<1x8x128xf32, #tpu.memory_space<hbm>>
      %dma_start3A_329 = tpu.memref_squeeze %dma_start3A_328 : memref<1x8x128xf32, #tpu.memory_space<hbm>> -> memref<8x128xf32, #tpu.memory_space<hbm>>
      %dma_start3A_330 = arith.constant 512 : i32
      %dma_start3A_331 = tpu.memref_slice %arg3[%select_n3A, %multiple_of3A_324, %dma_start3A_330] : memref<16x2048x2048xf32, #tpu.memory_space<hbm>> -> memref<1x8x128xf32, #tpu.memory_space<hbm>>
      %dma_start3A_332 = tpu.memref_squeeze %dma_start3A_331 : memref<1x8x128xf32, #tpu.memory_space<hbm>> -> memref<8x128xf32, #tpu.memory_space<hbm>>
      %dma_start3A_333 = arith.constant 0 : i32
      %dma_start3A_334 = tpu.memref_slice %arg6[%multiple_of3A_321, %dma_start3A_333] : memref<784x128xf32, #tpu.memory_space<vmem>> -> memref<8x128xf32, #tpu.memory_space<vmem>>
      tpu.enqueue_dma source(%dma_start3A_334 : memref<8x128xf32, #tpu.memory_space<vmem>>) target(%dma_start3A_332 : memref<8x128xf32, #tpu.memory_space<hbm>>) target_semaphore(%arg7 : memref<!tpu.dma_semaphore, #tpu.memory_space<semaphore_mem>>)
      %add3A_335 = arith.constant 5 : i32
      %add3A_336 = arith.addi %select_n3A_186, %add3A_335 : i32
      %sub3A_337 = arith.subi %add3A_336, %add3A_157 : i32
      %lt3A_338 = arith.constant 0 : i32
      %lt3A_339 = arith.cmpi slt, %sub3A_337, %lt3A_338 : i32
      %gt3A_340 = arith.constant 5 : i32
      %gt3A_341 = arith.cmpi sgt, %sub3A_337, %gt3A_340 : i32
      %mul3A_342 = arith.constant 6 : i32
      %mul3A_343 = arith.muli %select_n3A_127, %mul3A_342 : i32
      %add3A_344 = arith.addi %mul3A_343, %sub3A_337 : i32
      %jit3A_345 = arith.constant 97 : i32
      %select_n3A_346 = arith.select %gt3A_341, %jit3A_345, %add3A_344 : i32
      %jit3A_347 = arith.constant 96 : i32
      %select_n3A_348 = arith.select %lt3A_339, %jit3A_347, %select_n3A_346 : i32
      %mul3A_349 = arith.constant 8 : i32
      %mul3A_350 = arith.muli %select_n3A_348, %mul3A_349 : i32
      %multiple_of3A_351 = tpu.assume_multiple %mul3A_350, 8 : i32
      %mul3A_352 = arith.constant 8 : i32
      %mul3A_353 = arith.muli %mul3A_352, %add3A_109 : i32
      %multiple_of3A_354 = tpu.assume_multiple %mul3A_353, 8 : i32
      %dma_start3A_355 = arith.constant 0 : i32
      %dma_start3A_356 = tpu.memref_slice %arg6[%multiple_of3A_351, %dma_start3A_355] : memref<784x128xf32, #tpu.memory_space<vmem>> -> memref<8x128xf32, #tpu.memory_space<vmem>>
      %dma_start3A_357 = arith.constant 640 : i32
      %dma_start3A_358 = tpu.memref_slice %arg3[%select_n3A, %multiple_of3A_354, %dma_start3A_357] : memref<16x2048x2048xf32, #tpu.memory_space<hbm>> -> memref<1x8x128xf32, #tpu.memory_space<hbm>>
      %dma_start3A_359 = tpu.memref_squeeze %dma_start3A_358 : memref<1x8x128xf32, #tpu.memory_space<hbm>> -> memref<8x128xf32, #tpu.memory_space<hbm>>
      %dma_start3A_360 = arith.constant 640 : i32
      %dma_start3A_361 = tpu.memref_slice %arg3[%select_n3A, %multiple_of3A_354, %dma_start3A_360] : memref<16x2048x2048xf32, #tpu.memory_space<hbm>> -> memref<1x8x128xf32, #tpu.memory_space<hbm>>
      %dma_start3A_362 = tpu.memref_squeeze %dma_start3A_361 : memref<1x8x128xf32, #tpu.memory_space<hbm>> -> memref<8x128xf32, #tpu.memory_space<hbm>>
      %dma_start3A_363 = arith.constant 0 : i32
      %dma_start3A_364 = tpu.memref_slice %arg6[%multiple_of3A_351, %dma_start3A_363] : memref<784x128xf32, #tpu.memory_space<vmem>> -> memref<8x128xf32, #tpu.memory_space<vmem>>
      tpu.enqueue_dma source(%dma_start3A_364 : memref<8x128xf32, #tpu.memory_space<vmem>>) target(%dma_start3A_362 : memref<8x128xf32, #tpu.memory_space<hbm>>) target_semaphore(%arg7 : memref<!tpu.dma_semaphore, #tpu.memory_space<semaphore_mem>>)
      %add3A_365 = arith.constant 6 : i32
      %add3A_366 = arith.addi %select_n3A_186, %add3A_365 : i32
      %sub3A_367 = arith.subi %add3A_366, %add3A_157 : i32
      %lt3A_368 = arith.constant 0 : i32
      %lt3A_369 = arith.cmpi slt, %sub3A_367, %lt3A_368 : i32
      %gt3A_370 = arith.constant 5 : i32
      %gt3A_371 = arith.cmpi sgt, %sub3A_367, %gt3A_370 : i32
      %mul3A_372 = arith.constant 6 : i32
      %mul3A_373 = arith.muli %select_n3A_127, %mul3A_372 : i32
      %add3A_374 = arith.addi %mul3A_373, %sub3A_367 : i32
      %jit3A_375 = arith.constant 97 : i32
      %select_n3A_376 = arith.select %gt3A_371, %jit3A_375, %add3A_374 : i32
      %jit3A_377 = arith.constant 96 : i32
      %select_n3A_378 = arith.select %lt3A_369, %jit3A_377, %select_n3A_376 : i32
      %mul3A_379 = arith.constant 8 : i32
      %mul3A_380 = arith.muli %select_n3A_378, %mul3A_379 : i32
      %multiple_of3A_381 = tpu.assume_multiple %mul3A_380, 8 : i32
      %mul3A_382 = arith.constant 8 : i32
      %mul3A_383 = arith.muli %mul3A_382, %add3A_109 : i32
      %multiple_of3A_384 = tpu.assume_multiple %mul3A_383, 8 : i32
      %dma_start3A_385 = arith.constant 0 : i32
      %dma_start3A_386 = tpu.memref_slice %arg6[%multiple_of3A_381, %dma_start3A_385] : memref<784x128xf32, #tpu.memory_space<vmem>> -> memref<8x128xf32, #tpu.memory_space<vmem>>
      %dma_start3A_387 = arith.constant 768 : i32
      %dma_start3A_388 = tpu.memref_slice %arg3[%select_n3A, %multiple_of3A_384, %dma_start3A_387] : memref<16x2048x2048xf32, #tpu.memory_space<hbm>> -> memref<1x8x128xf32, #tpu.memory_space<hbm>>
      %dma_start3A_389 = tpu.memref_squeeze %dma_start3A_388 : memref<1x8x128xf32, #tpu.memory_space<hbm>> -> memref<8x128xf32, #tpu.memory_space<hbm>>
      %dma_start3A_390 = arith.constant 768 : i32
      %dma_start3A_391 = tpu.memref_slice %arg3[%select_n3A, %multiple_of3A_384, %dma_start3A_390] : memref<16x2048x2048xf32, #tpu.memory_space<hbm>> -> memref<1x8x128xf32, #tpu.memory_space<hbm>>
      %dma_start3A_392 = tpu.memref_squeeze %dma_start3A_391 : memref<1x8x128xf32, #tpu.memory_space<hbm>> -> memref<8x128xf32, #tpu.memory_space<hbm>>
      %dma_start3A_393 = arith.constant 0 : i32
      %dma_start3A_394 = tpu.memref_slice %arg6[%multiple_of3A_381, %dma_start3A_393] : memref<784x128xf32, #tpu.memory_space<vmem>> -> memref<8x128xf32, #tpu.memory_space<vmem>>
      tpu.enqueue_dma source(%dma_start3A_394 : memref<8x128xf32, #tpu.memory_space<vmem>>) target(%dma_start3A_392 : memref<8x128xf32, #tpu.memory_space<hbm>>) target_semaphore(%arg7 : memref<!tpu.dma_semaphore, #tpu.memory_space<semaphore_mem>>)
      %add3A_395 = arith.constant 7 : i32
      %add3A_396 = arith.addi %select_n3A_186, %add3A_395 : i32
      %sub3A_397 = arith.subi %add3A_396, %add3A_157 : i32
      %lt3A_398 = arith.constant 0 : i32
      %lt3A_399 = arith.cmpi slt, %sub3A_397, %lt3A_398 : i32
      %gt3A_400 = arith.constant 5 : i32
      %gt3A_401 = arith.cmpi sgt, %sub3A_397, %gt3A_400 : i32
      %mul3A_402 = arith.constant 6 : i32
      %mul3A_403 = arith.muli %select_n3A_127, %mul3A_402 : i32
      %add3A_404 = arith.addi %mul3A_403, %sub3A_397 : i32
      %jit3A_405 = arith.constant 97 : i32
      %select_n3A_406 = arith.select %gt3A_401, %jit3A_405, %add3A_404 : i32
      %jit3A_407 = arith.constant 96 : i32
      %select_n3A_408 = arith.select %lt3A_399, %jit3A_407, %select_n3A_406 : i32
      %mul3A_409 = arith.constant 8 : i32
      %mul3A_410 = arith.muli %select_n3A_408, %mul3A_409 : i32
      %multiple_of3A_411 = tpu.assume_multiple %mul3A_410, 8 : i32
      %mul3A_412 = arith.constant 8 : i32
      %mul3A_413 = arith.muli %mul3A_412, %add3A_109 : i32
      %multiple_of3A_414 = tpu.assume_multiple %mul3A_413, 8 : i32
      %dma_start3A_415 = arith.constant 0 : i32
      %dma_start3A_416 = tpu.memref_slice %arg6[%multiple_of3A_411, %dma_start3A_415] : memref<784x128xf32, #tpu.memory_space<vmem>> -> memref<8x128xf32, #tpu.memory_space<vmem>>
      %dma_start3A_417 = arith.constant 896 : i32
      %dma_start3A_418 = tpu.memref_slice %arg3[%select_n3A, %multiple_of3A_414, %dma_start3A_417] : memref<16x2048x2048xf32, #tpu.memory_space<hbm>> -> memref<1x8x128xf32, #tpu.memory_space<hbm>>
      %dma_start3A_419 = tpu.memref_squeeze %dma_start3A_418 : memref<1x8x128xf32, #tpu.memory_space<hbm>> -> memref<8x128xf32, #tpu.memory_space<hbm>>
      %dma_start3A_420 = arith.constant 896 : i32
      %dma_start3A_421 = tpu.memref_slice %arg3[%select_n3A, %multiple_of3A_414, %dma_start3A_420] : memref<16x2048x2048xf32, #tpu.memory_space<hbm>> -> memref<1x8x128xf32, #tpu.memory_space<hbm>>
      %dma_start3A_422 = tpu.memref_squeeze %dma_start3A_421 : memref<1x8x128xf32, #tpu.memory_space<hbm>> -> memref<8x128xf32, #tpu.memory_space<hbm>>
      %dma_start3A_423 = arith.constant 0 : i32
      %dma_start3A_424 = tpu.memref_slice %arg6[%multiple_of3A_411, %dma_start3A_423] : memref<784x128xf32, #tpu.memory_space<vmem>> -> memref<8x128xf32, #tpu.memory_space<vmem>>
      tpu.enqueue_dma source(%dma_start3A_424 : memref<8x128xf32, #tpu.memory_space<vmem>>) target(%dma_start3A_422 : memref<8x128xf32, #tpu.memory_space<hbm>>) target_semaphore(%arg7 : memref<!tpu.dma_semaphore, #tpu.memory_space<semaphore_mem>>)
      %add3A_425 = arith.constant 8 : i32
      %add3A_426 = arith.addi %select_n3A_186, %add3A_425 : i32
      %sub3A_427 = arith.subi %add3A_426, %add3A_157 : i32
      %lt3A_428 = arith.constant 0 : i32
      %lt3A_429 = arith.cmpi slt, %sub3A_427, %lt3A_428 : i32
      %gt3A_430 = arith.constant 5 : i32
      %gt3A_431 = arith.cmpi sgt, %sub3A_427, %gt3A_430 : i32
      %mul3A_432 = arith.constant 6 : i32
      %mul3A_433 = arith.muli %select_n3A_127, %mul3A_432 : i32
      %add3A_434 = arith.addi %mul3A_433, %sub3A_427 : i32
      %jit3A_435 = arith.constant 97 : i32
      %select_n3A_436 = arith.select %gt3A_431, %jit3A_435, %add3A_434 : i32
      %jit3A_437 = arith.constant 96 : i32
      %select_n3A_438 = arith.select %lt3A_429, %jit3A_437, %select_n3A_436 : i32
      %mul3A_439 = arith.constant 8 : i32
      %mul3A_440 = arith.muli %select_n3A_438, %mul3A_439 : i32
      %multiple_of3A_441 = tpu.assume_multiple %mul3A_440, 8 : i32
      %mul3A_442 = arith.constant 8 : i32
      %mul3A_443 = arith.muli %mul3A_442, %add3A_109 : i32
      %multiple_of3A_444 = tpu.assume_multiple %mul3A_443, 8 : i32
      %dma_start3A_445 = arith.constant 0 : i32
      %dma_start3A_446 = tpu.memref_slice %arg6[%multiple_of3A_441, %dma_start3A_445] : memref<784x128xf32, #tpu.memory_space<vmem>> -> memref<8x128xf32, #tpu.memory_space<vmem>>
      %dma_start3A_447 = arith.constant 1024 : i32
      %dma_start3A_448 = tpu.memref_slice %arg3[%select_n3A, %multiple_of3A_444, %dma_start3A_447] : memref<16x2048x2048xf32, #tpu.memory_space<hbm>> -> memref<1x8x128xf32, #tpu.memory_space<hbm>>
      %dma_start3A_449 = tpu.memref_squeeze %dma_start3A_448 : memref<1x8x128xf32, #tpu.memory_space<hbm>> -> memref<8x128xf32, #tpu.memory_space<hbm>>
      %dma_start3A_450 = arith.constant 1024 : i32
      %dma_start3A_451 = tpu.memref_slice %arg3[%select_n3A, %multiple_of3A_444, %dma_start3A_450] : memref<16x2048x2048xf32, #tpu.memory_space<hbm>> -> memref<1x8x128xf32, #tpu.memory_space<hbm>>
      %dma_start3A_452 = tpu.memref_squeeze %dma_start3A_451 : memref<1x8x128xf32, #tpu.memory_space<hbm>> -> memref<8x128xf32, #tpu.memory_space<hbm>>
      %dma_start3A_453 = arith.constant 0 : i32
      %dma_start3A_454 = tpu.memref_slice %arg6[%multiple_of3A_441, %dma_start3A_453] : memref<784x128xf32, #tpu.memory_space<vmem>> -> memref<8x128xf32, #tpu.memory_space<vmem>>
      tpu.enqueue_dma source(%dma_start3A_454 : memref<8x128xf32, #tpu.memory_space<vmem>>) target(%dma_start3A_452 : memref<8x128xf32, #tpu.memory_space<hbm>>) target_semaphore(%arg7 : memref<!tpu.dma_semaphore, #tpu.memory_space<semaphore_mem>>)
      %add3A_455 = arith.constant 9 : i32
      %add3A_456 = arith.addi %select_n3A_186, %add3A_455 : i32
      %sub3A_457 = arith.subi %add3A_456, %add3A_157 : i32
      %lt3A_458 = arith.constant 0 : i32
      %lt3A_459 = arith.cmpi slt, %sub3A_457, %lt3A_458 : i32
      %gt3A_460 = arith.constant 5 : i32
      %gt3A_461 = arith.cmpi sgt, %sub3A_457, %gt3A_460 : i32
      %mul3A_462 = arith.constant 6 : i32
      %mul3A_463 = arith.muli %select_n3A_127, %mul3A_462 : i32
      %add3A_464 = arith.addi %mul3A_463, %sub3A_457 : i32
      %jit3A_465 = arith.constant 97 : i32
      %select_n3A_466 = arith.select %gt3A_461, %jit3A_465, %add3A_464 : i32
      %jit3A_467 = arith.constant 96 : i32
      %select_n3A_468 = arith.select %lt3A_459, %jit3A_467, %select_n3A_466 : i32
      %mul3A_469 = arith.constant 8 : i32
      %mul3A_470 = arith.muli %select_n3A_468, %mul3A_469 : i32
      %multiple_of3A_471 = tpu.assume_multiple %mul3A_470, 8 : i32
      %mul3A_472 = arith.constant 8 : i32
      %mul3A_473 = arith.muli %mul3A_472, %add3A_109 : i32
      %multiple_of3A_474 = tpu.assume_multiple %mul3A_473, 8 : i32
      %dma_start3A_475 = arith.constant 0 : i32
      %dma_start3A_476 = tpu.memref_slice %arg6[%multiple_of3A_471, %dma_start3A_475] : memref<784x128xf32, #tpu.memory_space<vmem>> -> memref<8x128xf32, #tpu.memory_space<vmem>>
      %dma_start3A_477 = arith.constant 1152 : i32
      %dma_start3A_478 = tpu.memref_slice %arg3[%select_n3A, %multiple_of3A_474, %dma_start3A_477] : memref<16x2048x2048xf32, #tpu.memory_space<hbm>> -> memref<1x8x128xf32, #tpu.memory_space<hbm>>
      %dma_start3A_479 = tpu.memref_squeeze %dma_start3A_478 : memref<1x8x128xf32, #tpu.memory_space<hbm>> -> memref<8x128xf32, #tpu.memory_space<hbm>>
      %dma_start3A_480 = arith.constant 1152 : i32
      %dma_start3A_481 = tpu.memref_slice %arg3[%select_n3A, %multiple_of3A_474, %dma_start3A_480] : memref<16x2048x2048xf32, #tpu.memory_space<hbm>> -> memref<1x8x128xf32, #tpu.memory_space<hbm>>
      %dma_start3A_482 = tpu.memref_squeeze %dma_start3A_481 : memref<1x8x128xf32, #tpu.memory_space<hbm>> -> memref<8x128xf32, #tpu.memory_space<hbm>>
      %dma_start3A_483 = arith.constant 0 : i32
      %dma_start3A_484 = tpu.memref_slice %arg6[%multiple_of3A_471, %dma_start3A_483] : memref<784x128xf32, #tpu.memory_space<vmem>> -> memref<8x128xf32, #tpu.memory_space<vmem>>
      tpu.enqueue_dma source(%dma_start3A_484 : memref<8x128xf32, #tpu.memory_space<vmem>>) target(%dma_start3A_482 : memref<8x128xf32, #tpu.memory_space<hbm>>) target_semaphore(%arg7 : memref<!tpu.dma_semaphore, #tpu.memory_space<semaphore_mem>>)
      %add3A_485 = arith.constant 10 : i32
      %add3A_486 = arith.addi %select_n3A_186, %add3A_485 : i32
      %sub3A_487 = arith.subi %add3A_486, %add3A_157 : i32
      %lt3A_488 = arith.constant 0 : i32
      %lt3A_489 = arith.cmpi slt, %sub3A_487, %lt3A_488 : i32
      %gt3A_490 = arith.constant 5 : i32
      %gt3A_491 = arith.cmpi sgt, %sub3A_487, %gt3A_490 : i32
      %mul3A_492 = arith.constant 6 : i32
      %mul3A_493 = arith.muli %select_n3A_127, %mul3A_492 : i32
      %add3A_494 = arith.addi %mul3A_493, %sub3A_487 : i32
      %jit3A_495 = arith.constant 97 : i32
      %select_n3A_496 = arith.select %gt3A_491, %jit3A_495, %add3A_494 : i32
      %jit3A_497 = arith.constant 96 : i32
      %select_n3A_498 = arith.select %lt3A_489, %jit3A_497, %select_n3A_496 : i32
      %mul3A_499 = arith.constant 8 : i32
      %mul3A_500 = arith.muli %select_n3A_498, %mul3A_499 : i32
      %multiple_of3A_501 = tpu.assume_multiple %mul3A_500, 8 : i32
      %mul3A_502 = arith.constant 8 : i32
      %mul3A_503 = arith.muli %mul3A_502, %add3A_109 : i32
      %multiple_of3A_504 = tpu.assume_multiple %mul3A_503, 8 : i32
      %dma_start3A_505 = arith.constant 0 : i32
      %dma_start3A_506 = tpu.memref_slice %arg6[%multiple_of3A_501, %dma_start3A_505] : memref<784x128xf32, #tpu.memory_space<vmem>> -> memref<8x128xf32, #tpu.memory_space<vmem>>
      %dma_start3A_507 = arith.constant 1280 : i32
      %dma_start3A_508 = tpu.memref_slice %arg3[%select_n3A, %multiple_of3A_504, %dma_start3A_507] : memref<16x2048x2048xf32, #tpu.memory_space<hbm>> -> memref<1x8x128xf32, #tpu.memory_space<hbm>>
      %dma_start3A_509 = tpu.memref_squeeze %dma_start3A_508 : memref<1x8x128xf32, #tpu.memory_space<hbm>> -> memref<8x128xf32, #tpu.memory_space<hbm>>
      %dma_start3A_510 = arith.constant 1280 : i32
      %dma_start3A_511 = tpu.memref_slice %arg3[%select_n3A, %multiple_of3A_504, %dma_start3A_510] : memref<16x2048x2048xf32, #tpu.memory_space<hbm>> -> memref<1x8x128xf32, #tpu.memory_space<hbm>>
      %dma_start3A_512 = tpu.memref_squeeze %dma_start3A_511 : memref<1x8x128xf32, #tpu.memory_space<hbm>> -> memref<8x128xf32, #tpu.memory_space<hbm>>
      %dma_start3A_513 = arith.constant 0 : i32
      %dma_start3A_514 = tpu.memref_slice %arg6[%multiple_of3A_501, %dma_start3A_513] : memref<784x128xf32, #tpu.memory_space<vmem>> -> memref<8x128xf32, #tpu.memory_space<vmem>>
      tpu.enqueue_dma source(%dma_start3A_514 : memref<8x128xf32, #tpu.memory_space<vmem>>) target(%dma_start3A_512 : memref<8x128xf32, #tpu.memory_space<hbm>>) target_semaphore(%arg7 : memref<!tpu.dma_semaphore, #tpu.memory_space<semaphore_mem>>)
      %add3A_515 = arith.constant 11 : i32
      %add3A_516 = arith.addi %select_n3A_186, %add3A_515 : i32
      %sub3A_517 = arith.subi %add3A_516, %add3A_157 : i32
      %lt3A_518 = arith.constant 0 : i32
      %lt3A_519 = arith.cmpi slt, %sub3A_517, %lt3A_518 : i32
      %gt3A_520 = arith.constant 5 : i32
      %gt3A_521 = arith.cmpi sgt, %sub3A_517, %gt3A_520 : i32
      %mul3A_522 = arith.constant 6 : i32
      %mul3A_523 = arith.muli %select_n3A_127, %mul3A_522 : i32
      %add3A_524 = arith.addi %mul3A_523, %sub3A_517 : i32
      %jit3A_525 = arith.constant 97 : i32
      %select_n3A_526 = arith.select %gt3A_521, %jit3A_525, %add3A_524 : i32
      %jit3A_527 = arith.constant 96 : i32
      %select_n3A_528 = arith.select %lt3A_519, %jit3A_527, %select_n3A_526 : i32
      %mul3A_529 = arith.constant 8 : i32
      %mul3A_530 = arith.muli %select_n3A_528, %mul3A_529 : i32
      %multiple_of3A_531 = tpu.assume_multiple %mul3A_530, 8 : i32
      %mul3A_532 = arith.constant 8 : i32
      %mul3A_533 = arith.muli %mul3A_532, %add3A_109 : i32
      %multiple_of3A_534 = tpu.assume_multiple %mul3A_533, 8 : i32
      %dma_start3A_535 = arith.constant 0 : i32
      %dma_start3A_536 = tpu.memref_slice %arg6[%multiple_of3A_531, %dma_start3A_535] : memref<784x128xf32, #tpu.memory_space<vmem>> -> memref<8x128xf32, #tpu.memory_space<vmem>>
      %dma_start3A_537 = arith.constant 1408 : i32
      %dma_start3A_538 = tpu.memref_slice %arg3[%select_n3A, %multiple_of3A_534, %dma_start3A_537] : memref<16x2048x2048xf32, #tpu.memory_space<hbm>> -> memref<1x8x128xf32, #tpu.memory_space<hbm>>
      %dma_start3A_539 = tpu.memref_squeeze %dma_start3A_538 : memref<1x8x128xf32, #tpu.memory_space<hbm>> -> memref<8x128xf32, #tpu.memory_space<hbm>>
      %dma_start3A_540 = arith.constant 1408 : i32
      %dma_start3A_541 = tpu.memref_slice %arg3[%select_n3A, %multiple_of3A_534, %dma_start3A_540] : memref<16x2048x2048xf32, #tpu.memory_space<hbm>> -> memref<1x8x128xf32, #tpu.memory_space<hbm>>
      %dma_start3A_542 = tpu.memref_squeeze %dma_start3A_541 : memref<1x8x128xf32, #tpu.memory_space<hbm>> -> memref<8x128xf32, #tpu.memory_space<hbm>>
      %dma_start3A_543 = arith.constant 0 : i32
      %dma_start3A_544 = tpu.memref_slice %arg6[%multiple_of3A_531, %dma_start3A_543] : memref<784x128xf32, #tpu.memory_space<vmem>> -> memref<8x128xf32, #tpu.memory_space<vmem>>
      tpu.enqueue_dma source(%dma_start3A_544 : memref<8x128xf32, #tpu.memory_space<vmem>>) target(%dma_start3A_542 : memref<8x128xf32, #tpu.memory_space<hbm>>) target_semaphore(%arg7 : memref<!tpu.dma_semaphore, #tpu.memory_space<semaphore_mem>>)
      %add3A_545 = arith.constant 12 : i32
      %add3A_546 = arith.addi %select_n3A_186, %add3A_545 : i32
      %sub3A_547 = arith.subi %add3A_546, %add3A_157 : i32
      %lt3A_548 = arith.constant 0 : i32
      %lt3A_549 = arith.cmpi slt, %sub3A_547, %lt3A_548 : i32
      %gt3A_550 = arith.constant 5 : i32
      %gt3A_551 = arith.cmpi sgt, %sub3A_547, %gt3A_550 : i32
      %mul3A_552 = arith.constant 6 : i32
      %mul3A_553 = arith.muli %select_n3A_127, %mul3A_552 : i32
      %add3A_554 = arith.addi %mul3A_553, %sub3A_547 : i32
      %jit3A_555 = arith.constant 97 : i32
      %select_n3A_556 = arith.select %gt3A_551, %jit3A_555, %add3A_554 : i32
      %jit3A_557 = arith.constant 96 : i32
      %select_n3A_558 = arith.select %lt3A_549, %jit3A_557, %select_n3A_556 : i32
      %mul3A_559 = arith.constant 8 : i32
      %mul3A_560 = arith.muli %select_n3A_558, %mul3A_559 : i32
      %multiple_of3A_561 = tpu.assume_multiple %mul3A_560, 8 : i32
      %mul3A_562 = arith.constant 8 : i32
      %mul3A_563 = arith.muli %mul3A_562, %add3A_109 : i32
      %multiple_of3A_564 = tpu.assume_multiple %mul3A_563, 8 : i32
      %dma_start3A_565 = arith.constant 0 : i32
      %dma_start3A_566 = tpu.memref_slice %arg6[%multiple_of3A_561, %dma_start3A_565] : memref<784x128xf32, #tpu.memory_space<vmem>> -> memref<8x128xf32, #tpu.memory_space<vmem>>
      %dma_start3A_567 = arith.constant 1536 : i32
      %dma_start3A_568 = tpu.memref_slice %arg3[%select_n3A, %multiple_of3A_564, %dma_start3A_567] : memref<16x2048x2048xf32, #tpu.memory_space<hbm>> -> memref<1x8x128xf32, #tpu.memory_space<hbm>>
      %dma_start3A_569 = tpu.memref_squeeze %dma_start3A_568 : memref<1x8x128xf32, #tpu.memory_space<hbm>> -> memref<8x128xf32, #tpu.memory_space<hbm>>
      %dma_start3A_570 = arith.constant 1536 : i32
      %dma_start3A_571 = tpu.memref_slice %arg3[%select_n3A, %multiple_of3A_564, %dma_start3A_570] : memref<16x2048x2048xf32, #tpu.memory_space<hbm>> -> memref<1x8x128xf32, #tpu.memory_space<hbm>>
      %dma_start3A_572 = tpu.memref_squeeze %dma_start3A_571 : memref<1x8x128xf32, #tpu.memory_space<hbm>> -> memref<8x128xf32, #tpu.memory_space<hbm>>
      %dma_start3A_573 = arith.constant 0 : i32
      %dma_start3A_574 = tpu.memref_slice %arg6[%multiple_of3A_561, %dma_start3A_573] : memref<784x128xf32, #tpu.memory_space<vmem>> -> memref<8x128xf32, #tpu.memory_space<vmem>>
      tpu.enqueue_dma source(%dma_start3A_574 : memref<8x128xf32, #tpu.memory_space<vmem>>) target(%dma_start3A_572 : memref<8x128xf32, #tpu.memory_space<hbm>>) target_semaphore(%arg7 : memref<!tpu.dma_semaphore, #tpu.memory_space<semaphore_mem>>)
      %add3A_575 = arith.constant 13 : i32
      %add3A_576 = arith.addi %select_n3A_186, %add3A_575 : i32
      %sub3A_577 = arith.subi %add3A_576, %add3A_157 : i32
      %lt3A_578 = arith.constant 0 : i32
      %lt3A_579 = arith.cmpi slt, %sub3A_577, %lt3A_578 : i32
      %gt3A_580 = arith.constant 5 : i32
      %gt3A_581 = arith.cmpi sgt, %sub3A_577, %gt3A_580 : i32
      %mul3A_582 = arith.constant 6 : i32
      %mul3A_583 = arith.muli %select_n3A_127, %mul3A_582 : i32
      %add3A_584 = arith.addi %mul3A_583, %sub3A_577 : i32
      %jit3A_585 = arith.constant 97 : i32
      %select_n3A_586 = arith.select %gt3A_581, %jit3A_585, %add3A_584 : i32
      %jit3A_587 = arith.constant 96 : i32
      %select_n3A_588 = arith.select %lt3A_579, %jit3A_587, %select_n3A_586 : i32
      %mul3A_589 = arith.constant 8 : i32
      %mul3A_590 = arith.muli %select_n3A_588, %mul3A_589 : i32
      %multiple_of3A_591 = tpu.assume_multiple %mul3A_590, 8 : i32
      %mul3A_592 = arith.constant 8 : i32
      %mul3A_593 = arith.muli %mul3A_592, %add3A_109 : i32
      %multiple_of3A_594 = tpu.assume_multiple %mul3A_593, 8 : i32
      %dma_start3A_595 = arith.constant 0 : i32
      %dma_start3A_596 = tpu.memref_slice %arg6[%multiple_of3A_591, %dma_start3A_595] : memref<784x128xf32, #tpu.memory_space<vmem>> -> memref<8x128xf32, #tpu.memory_space<vmem>>
      %dma_start3A_597 = arith.constant 1664 : i32
      %dma_start3A_598 = tpu.memref_slice %arg3[%select_n3A, %multiple_of3A_594, %dma_start3A_597] : memref<16x2048x2048xf32, #tpu.memory_space<hbm>> -> memref<1x8x128xf32, #tpu.memory_space<hbm>>
      %dma_start3A_599 = tpu.memref_squeeze %dma_start3A_598 : memref<1x8x128xf32, #tpu.memory_space<hbm>> -> memref<8x128xf32, #tpu.memory_space<hbm>>
      %dma_start3A_600 = arith.constant 1664 : i32
      %dma_start3A_601 = tpu.memref_slice %arg3[%select_n3A, %multiple_of3A_594, %dma_start3A_600] : memref<16x2048x2048xf32, #tpu.memory_space<hbm>> -> memref<1x8x128xf32, #tpu.memory_space<hbm>>
      %dma_start3A_602 = tpu.memref_squeeze %dma_start3A_601 : memref<1x8x128xf32, #tpu.memory_space<hbm>> -> memref<8x128xf32, #tpu.memory_space<hbm>>
      %dma_start3A_603 = arith.constant 0 : i32
      %dma_start3A_604 = tpu.memref_slice %arg6[%multiple_of3A_591, %dma_start3A_603] : memref<784x128xf32, #tpu.memory_space<vmem>> -> memref<8x128xf32, #tpu.memory_space<vmem>>
      tpu.enqueue_dma source(%dma_start3A_604 : memref<8x128xf32, #tpu.memory_space<vmem>>) target(%dma_start3A_602 : memref<8x128xf32, #tpu.memory_space<hbm>>) target_semaphore(%arg7 : memref<!tpu.dma_semaphore, #tpu.memory_space<semaphore_mem>>)
      %add3A_605 = arith.constant 14 : i32
      %add3A_606 = arith.addi %select_n3A_186, %add3A_605 : i32
      %sub3A_607 = arith.subi %add3A_606, %add3A_157 : i32
      %lt3A_608 = arith.constant 0 : i32
      %lt3A_609 = arith.cmpi slt, %sub3A_607, %lt3A_608 : i32
      %gt3A_610 = arith.constant 5 : i32
      %gt3A_611 = arith.cmpi sgt, %sub3A_607, %gt3A_610 : i32
      %mul3A_612 = arith.constant 6 : i32
      %mul3A_613 = arith.muli %select_n3A_127, %mul3A_612 : i32
      %add3A_614 = arith.addi %mul3A_613, %sub3A_607 : i32
      %jit3A_615 = arith.constant 97 : i32
      %select_n3A_616 = arith.select %gt3A_611, %jit3A_615, %add3A_614 : i32
      %jit3A_617 = arith.constant 96 : i32
      %select_n3A_618 = arith.select %lt3A_609, %jit3A_617, %select_n3A_616 : i32
      %mul3A_619 = arith.constant 8 : i32
      %mul3A_620 = arith.muli %select_n3A_618, %mul3A_619 : i32
      %multiple_of3A_621 = tpu.assume_multiple %mul3A_620, 8 : i32
      %mul3A_622 = arith.constant 8 : i32
      %mul3A_623 = arith.muli %mul3A_622, %add3A_109 : i32
      %multiple_of3A_624 = tpu.assume_multiple %mul3A_623, 8 : i32
      %dma_start3A_625 = arith.constant 0 : i32
      %dma_start3A_626 = tpu.memref_slice %arg6[%multiple_of3A_621, %dma_start3A_625] : memref<784x128xf32, #tpu.memory_space<vmem>> -> memref<8x128xf32, #tpu.memory_space<vmem>>
      %dma_start3A_627 = arith.constant 1792 : i32
      %dma_start3A_628 = tpu.memref_slice %arg3[%select_n3A, %multiple_of3A_624, %dma_start3A_627] : memref<16x2048x2048xf32, #tpu.memory_space<hbm>> -> memref<1x8x128xf32, #tpu.memory_space<hbm>>
      %dma_start3A_629 = tpu.memref_squeeze %dma_start3A_628 : memref<1x8x128xf32, #tpu.memory_space<hbm>> -> memref<8x128xf32, #tpu.memory_space<hbm>>
      %dma_start3A_630 = arith.constant 1792 : i32
      %dma_start3A_631 = tpu.memref_slice %arg3[%select_n3A, %multiple_of3A_624, %dma_start3A_630] : memref<16x2048x2048xf32, #tpu.memory_space<hbm>> -> memref<1x8x128xf32, #tpu.memory_space<hbm>>
      %dma_start3A_632 = tpu.memref_squeeze %dma_start3A_631 : memref<1x8x128xf32, #tpu.memory_space<hbm>> -> memref<8x128xf32, #tpu.memory_space<hbm>>
      %dma_start3A_633 = arith.constant 0 : i32
      %dma_start3A_634 = tpu.memref_slice %arg6[%multiple_of3A_621, %dma_start3A_633] : memref<784x128xf32, #tpu.memory_space<vmem>> -> memref<8x128xf32, #tpu.memory_space<vmem>>
      tpu.enqueue_dma source(%dma_start3A_634 : memref<8x128xf32, #tpu.memory_space<vmem>>) target(%dma_start3A_632 : memref<8x128xf32, #tpu.memory_space<hbm>>) target_semaphore(%arg7 : memref<!tpu.dma_semaphore, #tpu.memory_space<semaphore_mem>>)
      %add3A_635 = arith.constant 15 : i32
      %add3A_636 = arith.addi %select_n3A_186, %add3A_635 : i32
      %sub3A_637 = arith.subi %add3A_636, %add3A_157 : i32
      %lt3A_638 = arith.constant 0 : i32
      %lt3A_639 = arith.cmpi slt, %sub3A_637, %lt3A_638 : i32
      %gt3A_640 = arith.constant 5 : i32
      %gt3A_641 = arith.cmpi sgt, %sub3A_637, %gt3A_640 : i32
      %mul3A_642 = arith.constant 6 : i32
      %mul3A_643 = arith.muli %select_n3A_127, %mul3A_642 : i32
      %add3A_644 = arith.addi %mul3A_643, %sub3A_637 : i32
      %jit3A_645 = arith.constant 97 : i32
      %select_n3A_646 = arith.select %gt3A_641, %jit3A_645, %add3A_644 : i32
      %jit3A_647 = arith.constant 96 : i32
      %select_n3A_648 = arith.select %lt3A_639, %jit3A_647, %select_n3A_646 : i32
      %mul3A_649 = arith.constant 8 : i32
      %mul3A_650 = arith.muli %select_n3A_648, %mul3A_649 : i32
      %multiple_of3A_651 = tpu.assume_multiple %mul3A_650, 8 : i32
      %mul3A_652 = arith.constant 8 : i32
      %mul3A_653 = arith.muli %mul3A_652, %add3A_109 : i32
      %multiple_of3A_654 = tpu.assume_multiple %mul3A_653, 8 : i32
      %dma_start3A_655 = arith.constant 0 : i32
      %dma_start3A_656 = tpu.memref_slice %arg6[%multiple_of3A_651, %dma_start3A_655] : memref<784x128xf32, #tpu.memory_space<vmem>> -> memref<8x128xf32, #tpu.memory_space<vmem>>
      %dma_start3A_657 = arith.constant 1920 : i32
      %dma_start3A_658 = tpu.memref_slice %arg3[%select_n3A, %multiple_of3A_654, %dma_start3A_657] : memref<16x2048x2048xf32, #tpu.memory_space<hbm>> -> memref<1x8x128xf32, #tpu.memory_space<hbm>>
      %dma_start3A_659 = tpu.memref_squeeze %dma_start3A_658 : memref<1x8x128xf32, #tpu.memory_space<hbm>> -> memref<8x128xf32, #tpu.memory_space<hbm>>
      %dma_start3A_660 = arith.constant 1920 : i32
      %dma_start3A_661 = tpu.memref_slice %arg3[%select_n3A, %multiple_of3A_654, %dma_start3A_660] : memref<16x2048x2048xf32, #tpu.memory_space<hbm>> -> memref<1x8x128xf32, #tpu.memory_space<hbm>>
      %dma_start3A_662 = tpu.memref_squeeze %dma_start3A_661 : memref<1x8x128xf32, #tpu.memory_space<hbm>> -> memref<8x128xf32, #tpu.memory_space<hbm>>
      %dma_start3A_663 = arith.constant 0 : i32
      %dma_start3A_664 = tpu.memref_slice %arg6[%multiple_of3A_651, %dma_start3A_663] : memref<784x128xf32, #tpu.memory_space<vmem>> -> memref<8x128xf32, #tpu.memory_space<vmem>>
      tpu.enqueue_dma source(%dma_start3A_664 : memref<8x128xf32, #tpu.memory_space<vmem>>) target(%dma_start3A_662 : memref<8x128xf32, #tpu.memory_space<hbm>>) target_semaphore(%arg7 : memref<!tpu.dma_semaphore, #tpu.memory_space<semaphore_mem>>)
      %mul3A_665 = arith.constant 2 : i32
      %mul3A_666 = arith.muli %mul3A_665, %scan3A_104 : i32
      %add3A_667 = arith.addi %mul3A_32, %mul3A_666 : i32
      %add3A_668 = arith.constant 1 : i32
      %add3A_669 = arith.addi %add3A_667, %add3A_668 : i32
      %sub3A_670 = arith.constant 255 : i32
      %sub3A_671 = arith.subi %sub3A_670, %add3A_669 : i32
      %jit3A_672 = arith.constant 16 : i32
      %eq3A_673 = arith.constant 0 : i32
      %eq3A_674 = arith.cmpi eq, %jit3A_672, %eq3A_673 : i32
      %jit3A_675 = arith.constant 1 : i32
      %select_n3A_676 = arith.select %eq3A_674, %jit3A_675, %jit3A_672 : i32
      %rem3A_677 = arith.remsi %sub3A_671, %select_n3A_676 : i32
      %ne3A_678 = arith.constant 0 : i32
      %ne3A_679 = arith.cmpi ne, %rem3A_677, %ne3A_678 : i32
      %lt3A_680 = arith.constant 0 : i32
      %lt3A_681 = arith.cmpi slt, %rem3A_677, %lt3A_680 : i32
      %lt3A_682 = arith.constant 0 : i32
      %lt3A_683 = arith.cmpi slt, %select_n3A_676, %lt3A_682 : i32
      %ne3A_684 = arith.xori %lt3A_681, %lt3A_683 : i1
      %and3A_685 = arith.andi %ne3A_684, %ne3A_679 : i1
      %add3A_686 = arith.addi %rem3A_677, %select_n3A_676 : i32
      %select_n3A_687 = arith.select %and3A_685, %add3A_686, %rem3A_677 : i32
      %mul3A_688 = arith.constant 8 : i32
      %mul3A_689 = arith.muli %mul3A_688, %select_n3A_687 : i32
      %sub3A_690 = arith.constant 1658 : i32
      %sub3A_691 = arith.subi %sub3A_690, %mul3A_689 : i32
      %jit3A_692 = arith.constant 128 : i32
      %div3A_693 = arith.divsi %sub3A_691, %jit3A_692 : i32
      %sign3A_694 = arith.constant 0 : i32
      %sign3A_695 = arith.cmpi sgt, %sub3A_691, %sign3A_694 : i32
      %sign3A_696 = arith.extui %sign3A_695 : i1 to i32
      %sign3A_697 = arith.constant 0 : i32
      %sign3A_698 = arith.cmpi slt, %sub3A_691, %sign3A_697 : i32
      %sign3A_699 = arith.extui %sign3A_698 : i1 to i32
      %sign3A_700 = arith.subi %sign3A_696, %sign3A_699 : i32
      %sign3A_701 = arith.constant 0 : i32
      %sign3A_702 = arith.cmpi sgt, %jit3A_692, %sign3A_701 : i32
      %sign3A_703 = arith.extui %sign3A_702 : i1 to i32
      %sign3A_704 = arith.constant 0 : i32
      %sign3A_705 = arith.cmpi slt, %jit3A_692, %sign3A_704 : i32
      %sign3A_706 = arith.extui %sign3A_705 : i1 to i32
      %sign3A_707 = arith.subi %sign3A_703, %sign3A_706 : i32
      %ne3A_708 = arith.cmpi ne, %sign3A_700, %sign3A_707 : i32
      %rem3A_709 = arith.remsi %sub3A_691, %jit3A_692 : i32
      %ne3A_710 = arith.constant 0 : i32
      %ne3A_711 = arith.cmpi ne, %rem3A_709, %ne3A_710 : i32
      %and3A_712 = arith.andi %ne3A_708, %ne3A_711 : i1
      %sub3A_713 = arith.constant 1 : i32
      %sub3A_714 = arith.subi %div3A_693, %sub3A_713 : i32
      %select_n3A_715 = arith.select %and3A_712, %sub3A_714, %div3A_693 : i32
      %add3A_716 = arith.constant 1 : i32
      %add3A_717 = arith.addi %select_n3A_715, %add3A_716 : i32
      %mul3A_718 = arith.constant 8 : i32
      %mul3A_719 = arith.muli %mul3A_718, %add3A_669 : i32
      %sub3A_720 = arith.constant 2040 : i32
      %sub3A_721 = arith.subi %sub3A_720, %mul3A_719 : i32
      %sub3A_722 = arith.subi %sub3A_721, %mul3A_689 : i32
      %jit3A_723 = arith.constant 128 : i32
      %div3A_724 = arith.divsi %sub3A_722, %jit3A_723 : i32
      %sign3A_725 = arith.constant 0 : i32
      %sign3A_726 = arith.cmpi sgt, %sub3A_722, %sign3A_725 : i32
      %sign3A_727 = arith.extui %sign3A_726 : i1 to i32
      %sign3A_728 = arith.constant 0 : i32
      %sign3A_729 = arith.cmpi slt, %sub3A_722, %sign3A_728 : i32
      %sign3A_730 = arith.extui %sign3A_729 : i1 to i32
      %sign3A_731 = arith.subi %sign3A_727, %sign3A_730 : i32
      %sign3A_732 = arith.constant 0 : i32
      %sign3A_733 = arith.cmpi sgt, %jit3A_723, %sign3A_732 : i32
      %sign3A_734 = arith.extui %sign3A_733 : i1 to i32
      %sign3A_735 = arith.constant 0 : i32
      %sign3A_736 = arith.cmpi slt, %jit3A_723, %sign3A_735 : i32
      %sign3A_737 = arith.extui %sign3A_736 : i1 to i32
      %sign3A_738 = arith.subi %sign3A_734, %sign3A_737 : i32
      %ne3A_739 = arith.cmpi ne, %sign3A_731, %sign3A_738 : i32
      %rem3A_740 = arith.remsi %sub3A_722, %jit3A_723 : i32
      %ne3A_741 = arith.constant 0 : i32
      %ne3A_742 = arith.cmpi ne, %rem3A_740, %ne3A_741 : i32
      %and3A_743 = arith.andi %ne3A_739, %ne3A_742 : i1
      %sub3A_744 = arith.constant 1 : i32
      %sub3A_745 = arith.subi %div3A_724, %sub3A_744 : i32
      %select_n3A_746 = arith.select %and3A_743, %sub3A_745, %div3A_724 : i32
      %add3A_747 = arith.constant 0 : i32
      %add3A_748 = arith.addi %select_n3A_746, %add3A_747 : i32
      %sub3A_749 = arith.subi %add3A_748, %add3A_717 : i32
      %lt3A_750 = arith.constant 0 : i32
      %lt3A_751 = arith.cmpi slt, %sub3A_749, %lt3A_750 : i32
      %gt3A_752 = arith.constant 5 : i32
      %gt3A_753 = arith.cmpi sgt, %sub3A_749, %gt3A_752 : i32
      %mul3A_754 = arith.constant 6 : i32
      %mul3A_755 = arith.muli %select_n3A_687, %mul3A_754 : i32
      %add3A_756 = arith.addi %mul3A_755, %sub3A_749 : i32
      %jit3A_757 = arith.constant 97 : i32
      %select_n3A_758 = arith.select %gt3A_753, %jit3A_757, %add3A_756 : i32
      %jit3A_759 = arith.constant 96 : i32
      %select_n3A_760 = arith.select %lt3A_751, %jit3A_759, %select_n3A_758 : i32
      %mul3A_761 = arith.constant 8 : i32
      %mul3A_762 = arith.muli %select_n3A_760, %mul3A_761 : i32
      %multiple_of3A_763 = tpu.assume_multiple %mul3A_762, 8 : i32
      %mul3A_764 = arith.constant 8 : i32
      %mul3A_765 = arith.muli %mul3A_764, %add3A_669 : i32
      %multiple_of3A_766 = tpu.assume_multiple %mul3A_765, 8 : i32
      %dma_start3A_767 = arith.constant 0 : i32
      %dma_start3A_768 = tpu.memref_slice %arg6[%multiple_of3A_763, %dma_start3A_767] : memref<784x128xf32, #tpu.memory_space<vmem>> -> memref<8x128xf32, #tpu.memory_space<vmem>>
      %dma_start3A_769 = arith.constant 0 : i32
      %dma_start3A_770 = tpu.memref_slice %arg3[%select_n3A, %multiple_of3A_766, %dma_start3A_769] : memref<16x2048x2048xf32, #tpu.memory_space<hbm>> -> memref<1x8x128xf32, #tpu.memory_space<hbm>>
      %dma_start3A_771 = tpu.memref_squeeze %dma_start3A_770 : memref<1x8x128xf32, #tpu.memory_space<hbm>> -> memref<8x128xf32, #tpu.memory_space<hbm>>
      %dma_start3A_772 = arith.constant 0 : i32
      %dma_start3A_773 = tpu.memref_slice %arg3[%select_n3A, %multiple_of3A_766, %dma_start3A_772] : memref<16x2048x2048xf32, #tpu.memory_space<hbm>> -> memref<1x8x128xf32, #tpu.memory_space<hbm>>
      %dma_start3A_774 = tpu.memref_squeeze %dma_start3A_773 : memref<1x8x128xf32, #tpu.memory_space<hbm>> -> memref<8x128xf32, #tpu.memory_space<hbm>>
      %dma_start3A_775 = arith.constant 0 : i32
      %dma_start3A_776 = tpu.memref_slice %arg6[%multiple_of3A_763, %dma_start3A_775] : memref<784x128xf32, #tpu.memory_space<vmem>> -> memref<8x128xf32, #tpu.memory_space<vmem>>
      tpu.enqueue_dma source(%dma_start3A_776 : memref<8x128xf32, #tpu.memory_space<vmem>>) target(%dma_start3A_774 : memref<8x128xf32, #tpu.memory_space<hbm>>) target_semaphore(%arg7 : memref<!tpu.dma_semaphore, #tpu.memory_space<semaphore_mem>>)
      %add3A_777 = arith.constant 1 : i32
      %add3A_778 = arith.addi %select_n3A_746, %add3A_777 : i32
      %sub3A_779 = arith.subi %add3A_778, %add3A_717 : i32
      %lt3A_780 = arith.constant 0 : i32
      %lt3A_781 = arith.cmpi slt, %sub3A_779, %lt3A_780 : i32
      %gt3A_782 = arith.constant 5 : i32
      %gt3A_783 = arith.cmpi sgt, %sub3A_779, %gt3A_782 : i32
      %mul3A_784 = arith.constant 6 : i32
      %mul3A_785 = arith.muli %select_n3A_687, %mul3A_784 : i32
      %add3A_786 = arith.addi %mul3A_785, %sub3A_779 : i32
      %jit3A_787 = arith.constant 97 : i32
      %select_n3A_788 = arith.select %gt3A_783, %jit3A_787, %add3A_786 : i32
      %jit3A_789 = arith.constant 96 : i32
      %select_n3A_790 = arith.select %lt3A_781, %jit3A_789, %select_n3A_788 : i32
      %mul3A_791 = arith.constant 8 : i32
      %mul3A_792 = arith.muli %select_n3A_790, %mul3A_791 : i32
      %multiple_of3A_793 = tpu.assume_multiple %mul3A_792, 8 : i32
      %mul3A_794 = arith.constant 8 : i32
      %mul3A_795 = arith.muli %mul3A_794, %add3A_669 : i32
      %multiple_of3A_796 = tpu.assume_multiple %mul3A_795, 8 : i32
      %dma_start3A_797 = arith.constant 0 : i32
      %dma_start3A_798 = tpu.memref_slice %arg6[%multiple_of3A_793, %dma_start3A_797] : memref<784x128xf32, #tpu.memory_space<vmem>> -> memref<8x128xf32, #tpu.memory_space<vmem>>
      %dma_start3A_799 = arith.constant 128 : i32
      %dma_start3A_800 = tpu.memref_slice %arg3[%select_n3A, %multiple_of3A_796, %dma_start3A_799] : memref<16x2048x2048xf32, #tpu.memory_space<hbm>> -> memref<1x8x128xf32, #tpu.memory_space<hbm>>
      %dma_start3A_801 = tpu.memref_squeeze %dma_start3A_800 : memref<1x8x128xf32, #tpu.memory_space<hbm>> -> memref<8x128xf32, #tpu.memory_space<hbm>>
      %dma_start3A_802 = arith.constant 128 : i32
      %dma_start3A_803 = tpu.memref_slice %arg3[%select_n3A, %multiple_of3A_796, %dma_start3A_802] : memref<16x2048x2048xf32, #tpu.memory_space<hbm>> -> memref<1x8x128xf32, #tpu.memory_space<hbm>>
      %dma_start3A_804 = tpu.memref_squeeze %dma_start3A_803 : memref<1x8x128xf32, #tpu.memory_space<hbm>> -> memref<8x128xf32, #tpu.memory_space<hbm>>
      %dma_start3A_805 = arith.constant 0 : i32
      %dma_start3A_806 = tpu.memref_slice %arg6[%multiple_of3A_793, %dma_start3A_805] : memref<784x128xf32, #tpu.memory_space<vmem>> -> memref<8x128xf32, #tpu.memory_space<vmem>>
      tpu.enqueue_dma source(%dma_start3A_806 : memref<8x128xf32, #tpu.memory_space<vmem>>) target(%dma_start3A_804 : memref<8x128xf32, #tpu.memory_space<hbm>>) target_semaphore(%arg7 : memref<!tpu.dma_semaphore, #tpu.memory_space<semaphore_mem>>)
      %add3A_807 = arith.constant 2 : i32
      %add3A_808 = arith.addi %select_n3A_746, %add3A_807 : i32
      %sub3A_809 = arith.subi %add3A_808, %add3A_717 : i32
      %lt3A_810 = arith.constant 0 : i32
      %lt3A_811 = arith.cmpi slt, %sub3A_809, %lt3A_810 : i32
      %gt3A_812 = arith.constant 5 : i32
      %gt3A_813 = arith.cmpi sgt, %sub3A_809, %gt3A_812 : i32
      %mul3A_814 = arith.constant 6 : i32
      %mul3A_815 = arith.muli %select_n3A_687, %mul3A_814 : i32
      %add3A_816 = arith.addi %mul3A_815, %sub3A_809 : i32
      %jit3A_817 = arith.constant 97 : i32
      %select_n3A_818 = arith.select %gt3A_813, %jit3A_817, %add3A_816 : i32
      %jit3A_819 = arith.constant 96 : i32
      %select_n3A_820 = arith.select %lt3A_811, %jit3A_819, %select_n3A_818 : i32
      %mul3A_821 = arith.constant 8 : i32
      %mul3A_822 = arith.muli %select_n3A_820, %mul3A_821 : i32
      %multiple_of3A_823 = tpu.assume_multiple %mul3A_822, 8 : i32
      %mul3A_824 = arith.constant 8 : i32
      %mul3A_825 = arith.muli %mul3A_824, %add3A_669 : i32
      %multiple_of3A_826 = tpu.assume_multiple %mul3A_825, 8 : i32
      %dma_start3A_827 = arith.constant 0 : i32
      %dma_start3A_828 = tpu.memref_slice %arg6[%multiple_of3A_823, %dma_start3A_827] : memref<784x128xf32, #tpu.memory_space<vmem>> -> memref<8x128xf32, #tpu.memory_space<vmem>>
      %dma_start3A_829 = arith.constant 256 : i32
      %dma_start3A_830 = tpu.memref_slice %arg3[%select_n3A, %multiple_of3A_826, %dma_start3A_829] : memref<16x2048x2048xf32, #tpu.memory_space<hbm>> -> memref<1x8x128xf32, #tpu.memory_space<hbm>>
      %dma_start3A_831 = tpu.memref_squeeze %dma_start3A_830 : memref<1x8x128xf32, #tpu.memory_space<hbm>> -> memref<8x128xf32, #tpu.memory_space<hbm>>
      %dma_start3A_832 = arith.constant 256 : i32
      %dma_start3A_833 = tpu.memref_slice %arg3[%select_n3A, %multiple_of3A_826, %dma_start3A_832] : memref<16x2048x2048xf32, #tpu.memory_space<hbm>> -> memref<1x8x128xf32, #tpu.memory_space<hbm>>
      %dma_start3A_834 = tpu.memref_squeeze %dma_start3A_833 : memref<1x8x128xf32, #tpu.memory_space<hbm>> -> memref<8x128xf32, #tpu.memory_space<hbm>>
      %dma_start3A_835 = arith.constant 0 : i32
      %dma_start3A_836 = tpu.memref_slice %arg6[%multiple_of3A_823, %dma_start3A_835] : memref<784x128xf32, #tpu.memory_space<vmem>> -> memref<8x128xf32, #tpu.memory_space<vmem>>
      tpu.enqueue_dma source(%dma_start3A_836 : memref<8x128xf32, #tpu.memory_space<vmem>>) target(%dma_start3A_834 : memref<8x128xf32, #tpu.memory_space<hbm>>) target_semaphore(%arg7 : memref<!tpu.dma_semaphore, #tpu.memory_space<semaphore_mem>>)
      %add3A_837 = arith.constant 3 : i32
      %add3A_838 = arith.addi %select_n3A_746, %add3A_837 : i32
      %sub3A_839 = arith.subi %add3A_838, %add3A_717 : i32
      %lt3A_840 = arith.constant 0 : i32
      %lt3A_841 = arith.cmpi slt, %sub3A_839, %lt3A_840 : i32
      %gt3A_842 = arith.constant 5 : i32
      %gt3A_843 = arith.cmpi sgt, %sub3A_839, %gt3A_842 : i32
      %mul3A_844 = arith.constant 6 : i32
      %mul3A_845 = arith.muli %select_n3A_687, %mul3A_844 : i32
      %add3A_846 = arith.addi %mul3A_845, %sub3A_839 : i32
      %jit3A_847 = arith.constant 97 : i32
      %select_n3A_848 = arith.select %gt3A_843, %jit3A_847, %add3A_846 : i32
      %jit3A_849 = arith.constant 96 : i32
      %select_n3A_850 = arith.select %lt3A_841, %jit3A_849, %select_n3A_848 : i32
      %mul3A_851 = arith.constant 8 : i32
      %mul3A_852 = arith.muli %select_n3A_850, %mul3A_851 : i32
      %multiple_of3A_853 = tpu.assume_multiple %mul3A_852, 8 : i32
      %mul3A_854 = arith.constant 8 : i32
      %mul3A_855 = arith.muli %mul3A_854, %add3A_669 : i32
      %multiple_of3A_856 = tpu.assume_multiple %mul3A_855, 8 : i32
      %dma_start3A_857 = arith.constant 0 : i32
      %dma_start3A_858 = tpu.memref_slice %arg6[%multiple_of3A_853, %dma_start3A_857] : memref<784x128xf32, #tpu.memory_space<vmem>> -> memref<8x128xf32, #tpu.memory_space<vmem>>
      %dma_start3A_859 = arith.constant 384 : i32
      %dma_start3A_860 = tpu.memref_slice %arg3[%select_n3A, %multiple_of3A_856, %dma_start3A_859] : memref<16x2048x2048xf32, #tpu.memory_space<hbm>> -> memref<1x8x128xf32, #tpu.memory_space<hbm>>
      %dma_start3A_861 = tpu.memref_squeeze %dma_start3A_860 : memref<1x8x128xf32, #tpu.memory_space<hbm>> -> memref<8x128xf32, #tpu.memory_space<hbm>>
      %dma_start3A_862 = arith.constant 384 : i32
      %dma_start3A_863 = tpu.memref_slice %arg3[%select_n3A, %multiple_of3A_856, %dma_start3A_862] : memref<16x2048x2048xf32, #tpu.memory_space<hbm>> -> memref<1x8x128xf32, #tpu.memory_space<hbm>>
      %dma_start3A_864 = tpu.memref_squeeze %dma_start3A_863 : memref<1x8x128xf32, #tpu.memory_space<hbm>> -> memref<8x128xf32, #tpu.memory_space<hbm>>
      %dma_start3A_865 = arith.constant 0 : i32
      %dma_start3A_866 = tpu.memref_slice %arg6[%multiple_of3A_853, %dma_start3A_865] : memref<784x128xf32, #tpu.memory_space<vmem>> -> memref<8x128xf32, #tpu.memory_space<vmem>>
      tpu.enqueue_dma source(%dma_start3A_866 : memref<8x128xf32, #tpu.memory_space<vmem>>) target(%dma_start3A_864 : memref<8x128xf32, #tpu.memory_space<hbm>>) target_semaphore(%arg7 : memref<!tpu.dma_semaphore, #tpu.memory_space<semaphore_mem>>)
      %add3A_867 = arith.constant 4 : i32
      %add3A_868 = arith.addi %select_n3A_746, %add3A_867 : i32
      %sub3A_869 = arith.subi %add3A_868, %add3A_717 : i32
      %lt3A_870 = arith.constant 0 : i32
      %lt3A_871 = arith.cmpi slt, %sub3A_869, %lt3A_870 : i32
      %gt3A_872 = arith.constant 5 : i32
      %gt3A_873 = arith.cmpi sgt, %sub3A_869, %gt3A_872 : i32
      %mul3A_874 = arith.constant 6 : i32
      %mul3A_875 = arith.muli %select_n3A_687, %mul3A_874 : i32
      %add3A_876 = arith.addi %mul3A_875, %sub3A_869 : i32
      %jit3A_877 = arith.constant 97 : i32
      %select_n3A_878 = arith.select %gt3A_873, %jit3A_877, %add3A_876 : i32
      %jit3A_879 = arith.constant 96 : i32
      %select_n3A_880 = arith.select %lt3A_871, %jit3A_879, %select_n3A_878 : i32
      %mul3A_881 = arith.constant 8 : i32
      %mul3A_882 = arith.muli %select_n3A_880, %mul3A_881 : i32
      %multiple_of3A_883 = tpu.assume_multiple %mul3A_882, 8 : i32
      %mul3A_884 = arith.constant 8 : i32
      %mul3A_885 = arith.muli %mul3A_884, %add3A_669 : i32
      %multiple_of3A_886 = tpu.assume_multiple %mul3A_885, 8 : i32
      %dma_start3A_887 = arith.constant 0 : i32
      %dma_start3A_888 = tpu.memref_slice %arg6[%multiple_of3A_883, %dma_start3A_887] : memref<784x128xf32, #tpu.memory_space<vmem>> -> memref<8x128xf32, #tpu.memory_space<vmem>>
      %dma_start3A_889 = arith.constant 512 : i32
      %dma_start3A_890 = tpu.memref_slice %arg3[%select_n3A, %multiple_of3A_886, %dma_start3A_889] : memref<16x2048x2048xf32, #tpu.memory_space<hbm>> -> memref<1x8x128xf32, #tpu.memory_space<hbm>>
      %dma_start3A_891 = tpu.memref_squeeze %dma_start3A_890 : memref<1x8x128xf32, #tpu.memory_space<hbm>> -> memref<8x128xf32, #tpu.memory_space<hbm>>
      %dma_start3A_892 = arith.constant 512 : i32
      %dma_start3A_893 = tpu.memref_slice %arg3[%select_n3A, %multiple_of3A_886, %dma_start3A_892] : memref<16x2048x2048xf32, #tpu.memory_space<hbm>> -> memref<1x8x128xf32, #tpu.memory_space<hbm>>
      %dma_start3A_894 = tpu.memref_squeeze %dma_start3A_893 : memref<1x8x128xf32, #tpu.memory_space<hbm>> -> memref<8x128xf32, #tpu.memory_space<hbm>>
      %dma_start3A_895 = arith.constant 0 : i32
      %dma_start3A_896 = tpu.memref_slice %arg6[%multiple_of3A_883, %dma_start3A_895] : memref<784x128xf32, #tpu.memory_space<vmem>> -> memref<8x128xf32, #tpu.memory_space<vmem>>
      tpu.enqueue_dma source(%dma_start3A_896 : memref<8x128xf32, #tpu.memory_space<vmem>>) target(%dma_start3A_894 : memref<8x128xf32, #tpu.memory_space<hbm>>) target_semaphore(%arg7 : memref<!tpu.dma_semaphore, #tpu.memory_space<semaphore_mem>>)
      %add3A_897 = arith.constant 5 : i32
      %add3A_898 = arith.addi %select_n3A_746, %add3A_897 : i32
      %sub3A_899 = arith.subi %add3A_898, %add3A_717 : i32
      %lt3A_900 = arith.constant 0 : i32
      %lt3A_901 = arith.cmpi slt, %sub3A_899, %lt3A_900 : i32
      %gt3A_902 = arith.constant 5 : i32
      %gt3A_903 = arith.cmpi sgt, %sub3A_899, %gt3A_902 : i32
      %mul3A_904 = arith.constant 6 : i32
      %mul3A_905 = arith.muli %select_n3A_687, %mul3A_904 : i32
      %add3A_906 = arith.addi %mul3A_905, %sub3A_899 : i32
      %jit3A_907 = arith.constant 97 : i32
      %select_n3A_908 = arith.select %gt3A_903, %jit3A_907, %add3A_906 : i32
      %jit3A_909 = arith.constant 96 : i32
      %select_n3A_910 = arith.select %lt3A_901, %jit3A_909, %select_n3A_908 : i32
      %mul3A_911 = arith.constant 8 : i32
      %mul3A_912 = arith.muli %select_n3A_910, %mul3A_911 : i32
      %multiple_of3A_913 = tpu.assume_multiple %mul3A_912, 8 : i32
      %mul3A_914 = arith.constant 8 : i32
      %mul3A_915 = arith.muli %mul3A_914, %add3A_669 : i32
      %multiple_of3A_916 = tpu.assume_multiple %mul3A_915, 8 : i32
      %dma_start3A_917 = arith.constant 0 : i32
      %dma_start3A_918 = tpu.memref_slice %arg6[%multiple_of3A_913, %dma_start3A_917] : memref<784x128xf32, #tpu.memory_space<vmem>> -> memref<8x128xf32, #tpu.memory_space<vmem>>
      %dma_start3A_919 = arith.constant 640 : i32
      %dma_start3A_920 = tpu.memref_slice %arg3[%select_n3A, %multiple_of3A_916, %dma_start3A_919] : memref<16x2048x2048xf32, #tpu.memory_space<hbm>> -> memref<1x8x128xf32, #tpu.memory_space<hbm>>
      %dma_start3A_921 = tpu.memref_squeeze %dma_start3A_920 : memref<1x8x128xf32, #tpu.memory_space<hbm>> -> memref<8x128xf32, #tpu.memory_space<hbm>>
      %dma_start3A_922 = arith.constant 640 : i32
      %dma_start3A_923 = tpu.memref_slice %arg3[%select_n3A, %multiple_of3A_916, %dma_start3A_922] : memref<16x2048x2048xf32, #tpu.memory_space<hbm>> -> memref<1x8x128xf32, #tpu.memory_space<hbm>>
      %dma_start3A_924 = tpu.memref_squeeze %dma_start3A_923 : memref<1x8x128xf32, #tpu.memory_space<hbm>> -> memref<8x128xf32, #tpu.memory_space<hbm>>
      %dma_start3A_925 = arith.constant 0 : i32
      %dma_start3A_926 = tpu.memref_slice %arg6[%multiple_of3A_913, %dma_start3A_925] : memref<784x128xf32, #tpu.memory_space<vmem>> -> memref<8x128xf32, #tpu.memory_space<vmem>>
      tpu.enqueue_dma source(%dma_start3A_926 : memref<8x128xf32, #tpu.memory_space<vmem>>) target(%dma_start3A_924 : memref<8x128xf32, #tpu.memory_space<hbm>>) target_semaphore(%arg7 : memref<!tpu.dma_semaphore, #tpu.memory_space<semaphore_mem>>)
      %add3A_927 = arith.constant 6 : i32
      %add3A_928 = arith.addi %select_n3A_746, %add3A_927 : i32
      %sub3A_929 = arith.subi %add3A_928, %add3A_717 : i32
      %lt3A_930 = arith.constant 0 : i32
      %lt3A_931 = arith.cmpi slt, %sub3A_929, %lt3A_930 : i32
      %gt3A_932 = arith.constant 5 : i32
      %gt3A_933 = arith.cmpi sgt, %sub3A_929, %gt3A_932 : i32
      %mul3A_934 = arith.constant 6 : i32
      %mul3A_935 = arith.muli %select_n3A_687, %mul3A_934 : i32
      %add3A_936 = arith.addi %mul3A_935, %sub3A_929 : i32
      %jit3A_937 = arith.constant 97 : i32
      %select_n3A_938 = arith.select %gt3A_933, %jit3A_937, %add3A_936 : i32
      %jit3A_939 = arith.constant 96 : i32
      %select_n3A_940 = arith.select %lt3A_931, %jit3A_939, %select_n3A_938 : i32
      %mul3A_941 = arith.constant 8 : i32
      %mul3A_942 = arith.muli %select_n3A_940, %mul3A_941 : i32
      %multiple_of3A_943 = tpu.assume_multiple %mul3A_942, 8 : i32
      %mul3A_944 = arith.constant 8 : i32
      %mul3A_945 = arith.muli %mul3A_944, %add3A_669 : i32
      %multiple_of3A_946 = tpu.assume_multiple %mul3A_945, 8 : i32
      %dma_start3A_947 = arith.constant 0 : i32
      %dma_start3A_948 = tpu.memref_slice %arg6[%multiple_of3A_943, %dma_start3A_947] : memref<784x128xf32, #tpu.memory_space<vmem>> -> memref<8x128xf32, #tpu.memory_space<vmem>>
      %dma_start3A_949 = arith.constant 768 : i32
      %dma_start3A_950 = tpu.memref_slice %arg3[%select_n3A, %multiple_of3A_946, %dma_start3A_949] : memref<16x2048x2048xf32, #tpu.memory_space<hbm>> -> memref<1x8x128xf32, #tpu.memory_space<hbm>>
      %dma_start3A_951 = tpu.memref_squeeze %dma_start3A_950 : memref<1x8x128xf32, #tpu.memory_space<hbm>> -> memref<8x128xf32, #tpu.memory_space<hbm>>
      %dma_start3A_952 = arith.constant 768 : i32
      %dma_start3A_953 = tpu.memref_slice %arg3[%select_n3A, %multiple_of3A_946, %dma_start3A_952] : memref<16x2048x2048xf32, #tpu.memory_space<hbm>> -> memref<1x8x128xf32, #tpu.memory_space<hbm>>
      %dma_start3A_954 = tpu.memref_squeeze %dma_start3A_953 : memref<1x8x128xf32, #tpu.memory_space<hbm>> -> memref<8x128xf32, #tpu.memory_space<hbm>>
      %dma_start3A_955 = arith.constant 0 : i32
      %dma_start3A_956 = tpu.memref_slice %arg6[%multiple_of3A_943, %dma_start3A_955] : memref<784x128xf32, #tpu.memory_space<vmem>> -> memref<8x128xf32, #tpu.memory_space<vmem>>
      tpu.enqueue_dma source(%dma_start3A_956 : memref<8x128xf32, #tpu.memory_space<vmem>>) target(%dma_start3A_954 : memref<8x128xf32, #tpu.memory_space<hbm>>) target_semaphore(%arg7 : memref<!tpu.dma_semaphore, #tpu.memory_space<semaphore_mem>>)
      %add3A_957 = arith.constant 7 : i32
      %add3A_958 = arith.addi %select_n3A_746, %add3A_957 : i32
      %sub3A_959 = arith.subi %add3A_958, %add3A_717 : i32
      %lt3A_960 = arith.constant 0 : i32
      %lt3A_961 = arith.cmpi slt, %sub3A_959, %lt3A_960 : i32
      %gt3A_962 = arith.constant 5 : i32
      %gt3A_963 = arith.cmpi sgt, %sub3A_959, %gt3A_962 : i32
      %mul3A_964 = arith.constant 6 : i32
      %mul3A_965 = arith.muli %select_n3A_687, %mul3A_964 : i32
      %add3A_966 = arith.addi %mul3A_965, %sub3A_959 : i32
      %jit3A_967 = arith.constant 97 : i32
      %select_n3A_968 = arith.select %gt3A_963, %jit3A_967, %add3A_966 : i32
      %jit3A_969 = arith.constant 96 : i32
      %select_n3A_970 = arith.select %lt3A_961, %jit3A_969, %select_n3A_968 : i32
      %mul3A_971 = arith.constant 8 : i32
      %mul3A_972 = arith.muli %select_n3A_970, %mul3A_971 : i32
      %multiple_of3A_973 = tpu.assume_multiple %mul3A_972, 8 : i32
      %mul3A_974 = arith.constant 8 : i32
      %mul3A_975 = arith.muli %mul3A_974, %add3A_669 : i32
      %multiple_of3A_976 = tpu.assume_multiple %mul3A_975, 8 : i32
      %dma_start3A_977 = arith.constant 0 : i32
      %dma_start3A_978 = tpu.memref_slice %arg6[%multiple_of3A_973, %dma_start3A_977] : memref<784x128xf32, #tpu.memory_space<vmem>> -> memref<8x128xf32, #tpu.memory_space<vmem>>
      %dma_start3A_979 = arith.constant 896 : i32
      %dma_start3A_980 = tpu.memref_slice %arg3[%select_n3A, %multiple_of3A_976, %dma_start3A_979] : memref<16x2048x2048xf32, #tpu.memory_space<hbm>> -> memref<1x8x128xf32, #tpu.memory_space<hbm>>
      %dma_start3A_981 = tpu.memref_squeeze %dma_start3A_980 : memref<1x8x128xf32, #tpu.memory_space<hbm>> -> memref<8x128xf32, #tpu.memory_space<hbm>>
      %dma_start3A_982 = arith.constant 896 : i32
      %dma_start3A_983 = tpu.memref_slice %arg3[%select_n3A, %multiple_of3A_976, %dma_start3A_982] : memref<16x2048x2048xf32, #tpu.memory_space<hbm>> -> memref<1x8x128xf32, #tpu.memory_space<hbm>>
      %dma_start3A_984 = tpu.memref_squeeze %dma_start3A_983 : memref<1x8x128xf32, #tpu.memory_space<hbm>> -> memref<8x128xf32, #tpu.memory_space<hbm>>
      %dma_start3A_985 = arith.constant 0 : i32
      %dma_start3A_986 = tpu.memref_slice %arg6[%multiple_of3A_973, %dma_start3A_985] : memref<784x128xf32, #tpu.memory_space<vmem>> -> memref<8x128xf32, #tpu.memory_space<vmem>>
      tpu.enqueue_dma source(%dma_start3A_986 : memref<8x128xf32, #tpu.memory_space<vmem>>) target(%dma_start3A_984 : memref<8x128xf32, #tpu.memory_space<hbm>>) target_semaphore(%arg7 : memref<!tpu.dma_semaphore, #tpu.memory_space<semaphore_mem>>)
      %add3A_987 = arith.constant 8 : i32
      %add3A_988 = arith.addi %select_n3A_746, %add3A_987 : i32
      %sub3A_989 = arith.subi %add3A_988, %add3A_717 : i32
      %lt3A_990 = arith.constant 0 : i32
      %lt3A_991 = arith.cmpi slt, %sub3A_989, %lt3A_990 : i32
      %gt3A_992 = arith.constant 5 : i32
      %gt3A_993 = arith.cmpi sgt, %sub3A_989, %gt3A_992 : i32
      %mul3A_994 = arith.constant 6 : i32
      %mul3A_995 = arith.muli %select_n3A_687, %mul3A_994 : i32
      %add3A_996 = arith.addi %mul3A_995, %sub3A_989 : i32
      %jit3A_997 = arith.constant 97 : i32
      %select_n3A_998 = arith.select %gt3A_993, %jit3A_997, %add3A_996 : i32
      %jit3A_999 = arith.constant 96 : i32
      %select_n3A_1000 = arith.select %lt3A_991, %jit3A_999, %select_n3A_998 : i32
      %mul3A_1001 = arith.constant 8 : i32
      %mul3A_1002 = arith.muli %select_n3A_1000, %mul3A_1001 : i32
      %multiple_of3A_1003 = tpu.assume_multiple %mul3A_1002, 8 : i32
      %mul3A_1004 = arith.constant 8 : i32
      %mul3A_1005 = arith.muli %mul3A_1004, %add3A_669 : i32
      %multiple_of3A_1006 = tpu.assume_multiple %mul3A_1005, 8 : i32
      %dma_start3A_1007 = arith.constant 0 : i32
      %dma_start3A_1008 = tpu.memref_slice %arg6[%multiple_of3A_1003, %dma_start3A_1007] : memref<784x128xf32, #tpu.memory_space<vmem>> -> memref<8x128xf32, #tpu.memory_space<vmem>>
      %dma_start3A_1009 = arith.constant 1024 : i32
      %dma_start3A_1010 = tpu.memref_slice %arg3[%select_n3A, %multiple_of3A_1006, %dma_start3A_1009] : memref<16x2048x2048xf32, #tpu.memory_space<hbm>> -> memref<1x8x128xf32, #tpu.memory_space<hbm>>
      %dma_start3A_1011 = tpu.memref_squeeze %dma_start3A_1010 : memref<1x8x128xf32, #tpu.memory_space<hbm>> -> memref<8x128xf32, #tpu.memory_space<hbm>>
      %dma_start3A_1012 = arith.constant 1024 : i32
      %dma_start3A_1013 = tpu.memref_slice %arg3[%select_n3A, %multiple_of3A_1006, %dma_start3A_1012] : memref<16x2048x2048xf32, #tpu.memory_space<hbm>> -> memref<1x8x128xf32, #tpu.memory_space<hbm>>
      %dma_start3A_1014 = tpu.memref_squeeze %dma_start3A_1013 : memref<1x8x128xf32, #tpu.memory_space<hbm>> -> memref<8x128xf32, #tpu.memory_space<hbm>>
      %dma_start3A_1015 = arith.constant 0 : i32
      %dma_start3A_1016 = tpu.memref_slice %arg6[%multiple_of3A_1003, %dma_start3A_1015] : memref<784x128xf32, #tpu.memory_space<vmem>> -> memref<8x128xf32, #tpu.memory_space<vmem>>
      tpu.enqueue_dma source(%dma_start3A_1016 : memref<8x128xf32, #tpu.memory_space<vmem>>) target(%dma_start3A_1014 : memref<8x128xf32, #tpu.memory_space<hbm>>) target_semaphore(%arg7 : memref<!tpu.dma_semaphore, #tpu.memory_space<semaphore_mem>>)
      %add3A_1017 = arith.constant 9 : i32
      %add3A_1018 = arith.addi %select_n3A_746, %add3A_1017 : i32
      %sub3A_1019 = arith.subi %add3A_1018, %add3A_717 : i32
      %lt3A_1020 = arith.constant 0 : i32
      %lt3A_1021 = arith.cmpi slt, %sub3A_1019, %lt3A_1020 : i32
      %gt3A_1022 = arith.constant 5 : i32
      %gt3A_1023 = arith.cmpi sgt, %sub3A_1019, %gt3A_1022 : i32
      %mul3A_1024 = arith.constant 6 : i32
      %mul3A_1025 = arith.muli %select_n3A_687, %mul3A_1024 : i32
      %add3A_1026 = arith.addi %mul3A_1025, %sub3A_1019 : i32
      %jit3A_1027 = arith.constant 97 : i32
      %select_n3A_1028 = arith.select %gt3A_1023, %jit3A_1027, %add3A_1026 : i32
      %jit3A_1029 = arith.constant 96 : i32
      %select_n3A_1030 = arith.select %lt3A_1021, %jit3A_1029, %select_n3A_1028 : i32
      %mul3A_1031 = arith.constant 8 : i32
      %mul3A_1032 = arith.muli %select_n3A_1030, %mul3A_1031 : i32
      %multiple_of3A_1033 = tpu.assume_multiple %mul3A_1032, 8 : i32
      %mul3A_1034 = arith.constant 8 : i32
      %mul3A_1035 = arith.muli %mul3A_1034, %add3A_669 : i32
      %multiple_of3A_1036 = tpu.assume_multiple %mul3A_1035, 8 : i32
      %dma_start3A_1037 = arith.constant 0 : i32
      %dma_start3A_1038 = tpu.memref_slice %arg6[%multiple_of3A_1033, %dma_start3A_1037] : memref<784x128xf32, #tpu.memory_space<vmem>> -> memref<8x128xf32, #tpu.memory_space<vmem>>
      %dma_start3A_1039 = arith.constant 1152 : i32
      %dma_start3A_1040 = tpu.memref_slice %arg3[%select_n3A, %multiple_of3A_1036, %dma_start3A_1039] : memref<16x2048x2048xf32, #tpu.memory_space<hbm>> -> memref<1x8x128xf32, #tpu.memory_space<hbm>>
      %dma_start3A_1041 = tpu.memref_squeeze %dma_start3A_1040 : memref<1x8x128xf32, #tpu.memory_space<hbm>> -> memref<8x128xf32, #tpu.memory_space<hbm>>
      %dma_start3A_1042 = arith.constant 1152 : i32
      %dma_start3A_1043 = tpu.memref_slice %arg3[%select_n3A, %multiple_of3A_1036, %dma_start3A_1042] : memref<16x2048x2048xf32, #tpu.memory_space<hbm>> -> memref<1x8x128xf32, #tpu.memory_space<hbm>>
      %dma_start3A_1044 = tpu.memref_squeeze %dma_start3A_1043 : memref<1x8x128xf32, #tpu.memory_space<hbm>> -> memref<8x128xf32, #tpu.memory_space<hbm>>
      %dma_start3A_1045 = arith.constant 0 : i32
      %dma_start3A_1046 = tpu.memref_slice %arg6[%multiple_of3A_1033, %dma_start3A_1045] : memref<784x128xf32, #tpu.memory_space<vmem>> -> memref<8x128xf32, #tpu.memory_space<vmem>>
      tpu.enqueue_dma source(%dma_start3A_1046 : memref<8x128xf32, #tpu.memory_space<vmem>>) target(%dma_start3A_1044 : memref<8x128xf32, #tpu.memory_space<hbm>>) target_semaphore(%arg7 : memref<!tpu.dma_semaphore, #tpu.memory_space<semaphore_mem>>)
      %add3A_1047 = arith.constant 10 : i32
      %add3A_1048 = arith.addi %select_n3A_746, %add3A_1047 : i32
      %sub3A_1049 = arith.subi %add3A_1048, %add3A_717 : i32
      %lt3A_1050 = arith.constant 0 : i32
      %lt3A_1051 = arith.cmpi slt, %sub3A_1049, %lt3A_1050 : i32
      %gt3A_1052 = arith.constant 5 : i32
      %gt3A_1053 = arith.cmpi sgt, %sub3A_1049, %gt3A_1052 : i32
      %mul3A_1054 = arith.constant 6 : i32
      %mul3A_1055 = arith.muli %select_n3A_687, %mul3A_1054 : i32
      %add3A_1056 = arith.addi %mul3A_1055, %sub3A_1049 : i32
      %jit3A_1057 = arith.constant 97 : i32
      %select_n3A_1058 = arith.select %gt3A_1053, %jit3A_1057, %add3A_1056 : i32
      %jit3A_1059 = arith.constant 96 : i32
      %select_n3A_1060 = arith.select %lt3A_1051, %jit3A_1059, %select_n3A_1058 : i32
      %mul3A_1061 = arith.constant 8 : i32
      %mul3A_1062 = arith.muli %select_n3A_1060, %mul3A_1061 : i32
      %multiple_of3A_1063 = tpu.assume_multiple %mul3A_1062, 8 : i32
      %mul3A_1064 = arith.constant 8 : i32
      %mul3A_1065 = arith.muli %mul3A_1064, %add3A_669 : i32
      %multiple_of3A_1066 = tpu.assume_multiple %mul3A_1065, 8 : i32
      %dma_start3A_1067 = arith.constant 0 : i32
      %dma_start3A_1068 = tpu.memref_slice %arg6[%multiple_of3A_1063, %dma_start3A_1067] : memref<784x128xf32, #tpu.memory_space<vmem>> -> memref<8x128xf32, #tpu.memory_space<vmem>>
      %dma_start3A_1069 = arith.constant 1280 : i32
      %dma_start3A_1070 = tpu.memref_slice %arg3[%select_n3A, %multiple_of3A_1066, %dma_start3A_1069] : memref<16x2048x2048xf32, #tpu.memory_space<hbm>> -> memref<1x8x128xf32, #tpu.memory_space<hbm>>
      %dma_start3A_1071 = tpu.memref_squeeze %dma_start3A_1070 : memref<1x8x128xf32, #tpu.memory_space<hbm>> -> memref<8x128xf32, #tpu.memory_space<hbm>>
      %dma_start3A_1072 = arith.constant 1280 : i32
      %dma_start3A_1073 = tpu.memref_slice %arg3[%select_n3A, %multiple_of3A_1066, %dma_start3A_1072] : memref<16x2048x2048xf32, #tpu.memory_space<hbm>> -> memref<1x8x128xf32, #tpu.memory_space<hbm>>
      %dma_start3A_1074 = tpu.memref_squeeze %dma_start3A_1073 : memref<1x8x128xf32, #tpu.memory_space<hbm>> -> memref<8x128xf32, #tpu.memory_space<hbm>>
      %dma_start3A_1075 = arith.constant 0 : i32
      %dma_start3A_1076 = tpu.memref_slice %arg6[%multiple_of3A_1063, %dma_start3A_1075] : memref<784x128xf32, #tpu.memory_space<vmem>> -> memref<8x128xf32, #tpu.memory_space<vmem>>
      tpu.enqueue_dma source(%dma_start3A_1076 : memref<8x128xf32, #tpu.memory_space<vmem>>) target(%dma_start3A_1074 : memref<8x128xf32, #tpu.memory_space<hbm>>) target_semaphore(%arg7 : memref<!tpu.dma_semaphore, #tpu.memory_space<semaphore_mem>>)
      %add3A_1077 = arith.constant 11 : i32
      %add3A_1078 = arith.addi %select_n3A_746, %add3A_1077 : i32
      %sub3A_1079 = arith.subi %add3A_1078, %add3A_717 : i32
      %lt3A_1080 = arith.constant 0 : i32
      %lt3A_1081 = arith.cmpi slt, %sub3A_1079, %lt3A_1080 : i32
      %gt3A_1082 = arith.constant 5 : i32
      %gt3A_1083 = arith.cmpi sgt, %sub3A_1079, %gt3A_1082 : i32
      %mul3A_1084 = arith.constant 6 : i32
      %mul3A_1085 = arith.muli %select_n3A_687, %mul3A_1084 : i32
      %add3A_1086 = arith.addi %mul3A_1085, %sub3A_1079 : i32
      %jit3A_1087 = arith.constant 97 : i32
      %select_n3A_1088 = arith.select %gt3A_1083, %jit3A_1087, %add3A_1086 : i32
      %jit3A_1089 = arith.constant 96 : i32
      %select_n3A_1090 = arith.select %lt3A_1081, %jit3A_1089, %select_n3A_1088 : i32
      %mul3A_1091 = arith.constant 8 : i32
      %mul3A_1092 = arith.muli %select_n3A_1090, %mul3A_1091 : i32
      %multiple_of3A_1093 = tpu.assume_multiple %mul3A_1092, 8 : i32
      %mul3A_1094 = arith.constant 8 : i32
      %mul3A_1095 = arith.muli %mul3A_1094, %add3A_669 : i32
      %multiple_of3A_1096 = tpu.assume_multiple %mul3A_1095, 8 : i32
      %dma_start3A_1097 = arith.constant 0 : i32
      %dma_start3A_1098 = tpu.memref_slice %arg6[%multiple_of3A_1093, %dma_start3A_1097] : memref<784x128xf32, #tpu.memory_space<vmem>> -> memref<8x128xf32, #tpu.memory_space<vmem>>
      %dma_start3A_1099 = arith.constant 1408 : i32
      %dma_start3A_1100 = tpu.memref_slice %arg3[%select_n3A, %multiple_of3A_1096, %dma_start3A_1099] : memref<16x2048x2048xf32, #tpu.memory_space<hbm>> -> memref<1x8x128xf32, #tpu.memory_space<hbm>>
      %dma_start3A_1101 = tpu.memref_squeeze %dma_start3A_1100 : memref<1x8x128xf32, #tpu.memory_space<hbm>> -> memref<8x128xf32, #tpu.memory_space<hbm>>
      %dma_start3A_1102 = arith.constant 1408 : i32
      %dma_start3A_1103 = tpu.memref_slice %arg3[%select_n3A, %multiple_of3A_1096, %dma_start3A_1102] : memref<16x2048x2048xf32, #tpu.memory_space<hbm>> -> memref<1x8x128xf32, #tpu.memory_space<hbm>>
      %dma_start3A_1104 = tpu.memref_squeeze %dma_start3A_1103 : memref<1x8x128xf32, #tpu.memory_space<hbm>> -> memref<8x128xf32, #tpu.memory_space<hbm>>
      %dma_start3A_1105 = arith.constant 0 : i32
      %dma_start3A_1106 = tpu.memref_slice %arg6[%multiple_of3A_1093, %dma_start3A_1105] : memref<784x128xf32, #tpu.memory_space<vmem>> -> memref<8x128xf32, #tpu.memory_space<vmem>>
      tpu.enqueue_dma source(%dma_start3A_1106 : memref<8x128xf32, #tpu.memory_space<vmem>>) target(%dma_start3A_1104 : memref<8x128xf32, #tpu.memory_space<hbm>>) target_semaphore(%arg7 : memref<!tpu.dma_semaphore, #tpu.memory_space<semaphore_mem>>)
      %add3A_1107 = arith.constant 12 : i32
      %add3A_1108 = arith.addi %select_n3A_746, %add3A_1107 : i32
      %sub3A_1109 = arith.subi %add3A_1108, %add3A_717 : i32
      %lt3A_1110 = arith.constant 0 : i32
      %lt3A_1111 = arith.cmpi slt, %sub3A_1109, %lt3A_1110 : i32
      %gt3A_1112 = arith.constant 5 : i32
      %gt3A_1113 = arith.cmpi sgt, %sub3A_1109, %gt3A_1112 : i32
      %mul3A_1114 = arith.constant 6 : i32
      %mul3A_1115 = arith.muli %select_n3A_687, %mul3A_1114 : i32
      %add3A_1116 = arith.addi %mul3A_1115, %sub3A_1109 : i32
      %jit3A_1117 = arith.constant 97 : i32
      %select_n3A_1118 = arith.select %gt3A_1113, %jit3A_1117, %add3A_1116 : i32
      %jit3A_1119 = arith.constant 96 : i32
      %select_n3A_1120 = arith.select %lt3A_1111, %jit3A_1119, %select_n3A_1118 : i32
      %mul3A_1121 = arith.constant 8 : i32
      %mul3A_1122 = arith.muli %select_n3A_1120, %mul3A_1121 : i32
      %multiple_of3A_1123 = tpu.assume_multiple %mul3A_1122, 8 : i32
      %mul3A_1124 = arith.constant 8 : i32
      %mul3A_1125 = arith.muli %mul3A_1124, %add3A_669 : i32
      %multiple_of3A_1126 = tpu.assume_multiple %mul3A_1125, 8 : i32
      %dma_start3A_1127 = arith.constant 0 : i32
      %dma_start3A_1128 = tpu.memref_slice %arg6[%multiple_of3A_1123, %dma_start3A_1127] : memref<784x128xf32, #tpu.memory_space<vmem>> -> memref<8x128xf32, #tpu.memory_space<vmem>>
      %dma_start3A_1129 = arith.constant 1536 : i32
      %dma_start3A_1130 = tpu.memref_slice %arg3[%select_n3A, %multiple_of3A_1126, %dma_start3A_1129] : memref<16x2048x2048xf32, #tpu.memory_space<hbm>> -> memref<1x8x128xf32, #tpu.memory_space<hbm>>
      %dma_start3A_1131 = tpu.memref_squeeze %dma_start3A_1130 : memref<1x8x128xf32, #tpu.memory_space<hbm>> -> memref<8x128xf32, #tpu.memory_space<hbm>>
      %dma_start3A_1132 = arith.constant 1536 : i32
      %dma_start3A_1133 = tpu.memref_slice %arg3[%select_n3A, %multiple_of3A_1126, %dma_start3A_1132] : memref<16x2048x2048xf32, #tpu.memory_space<hbm>> -> memref<1x8x128xf32, #tpu.memory_space<hbm>>
      %dma_start3A_1134 = tpu.memref_squeeze %dma_start3A_1133 : memref<1x8x128xf32, #tpu.memory_space<hbm>> -> memref<8x128xf32, #tpu.memory_space<hbm>>
      %dma_start3A_1135 = arith.constant 0 : i32
      %dma_start3A_1136 = tpu.memref_slice %arg6[%multiple_of3A_1123, %dma_start3A_1135] : memref<784x128xf32, #tpu.memory_space<vmem>> -> memref<8x128xf32, #tpu.memory_space<vmem>>
      tpu.enqueue_dma source(%dma_start3A_1136 : memref<8x128xf32, #tpu.memory_space<vmem>>) target(%dma_start3A_1134 : memref<8x128xf32, #tpu.memory_space<hbm>>) target_semaphore(%arg7 : memref<!tpu.dma_semaphore, #tpu.memory_space<semaphore_mem>>)
      %add3A_1137 = arith.constant 13 : i32
      %add3A_1138 = arith.addi %select_n3A_746, %add3A_1137 : i32
      %sub3A_1139 = arith.subi %add3A_1138, %add3A_717 : i32
      %lt3A_1140 = arith.constant 0 : i32
      %lt3A_1141 = arith.cmpi slt, %sub3A_1139, %lt3A_1140 : i32
      %gt3A_1142 = arith.constant 5 : i32
      %gt3A_1143 = arith.cmpi sgt, %sub3A_1139, %gt3A_1142 : i32
      %mul3A_1144 = arith.constant 6 : i32
      %mul3A_1145 = arith.muli %select_n3A_687, %mul3A_1144 : i32
      %add3A_1146 = arith.addi %mul3A_1145, %sub3A_1139 : i32
      %jit3A_1147 = arith.constant 97 : i32
      %select_n3A_1148 = arith.select %gt3A_1143, %jit3A_1147, %add3A_1146 : i32
      %jit3A_1149 = arith.constant 96 : i32
      %select_n3A_1150 = arith.select %lt3A_1141, %jit3A_1149, %select_n3A_1148 : i32
      %mul3A_1151 = arith.constant 8 : i32
      %mul3A_1152 = arith.muli %select_n3A_1150, %mul3A_1151 : i32
      %multiple_of3A_1153 = tpu.assume_multiple %mul3A_1152, 8 : i32
      %mul3A_1154 = arith.constant 8 : i32
      %mul3A_1155 = arith.muli %mul3A_1154, %add3A_669 : i32
      %multiple_of3A_1156 = tpu.assume_multiple %mul3A_1155, 8 : i32
      %dma_start3A_1157 = arith.constant 0 : i32
      %dma_start3A_1158 = tpu.memref_slice %arg6[%multiple_of3A_1153, %dma_start3A_1157] : memref<784x128xf32, #tpu.memory_space<vmem>> -> memref<8x128xf32, #tpu.memory_space<vmem>>
      %dma_start3A_1159 = arith.constant 1664 : i32
      %dma_start3A_1160 = tpu.memref_slice %arg3[%select_n3A, %multiple_of3A_1156, %dma_start3A_1159] : memref<16x2048x2048xf32, #tpu.memory_space<hbm>> -> memref<1x8x128xf32, #tpu.memory_space<hbm>>
      %dma_start3A_1161 = tpu.memref_squeeze %dma_start3A_1160 : memref<1x8x128xf32, #tpu.memory_space<hbm>> -> memref<8x128xf32, #tpu.memory_space<hbm>>
      %dma_start3A_1162 = arith.constant 1664 : i32
      %dma_start3A_1163 = tpu.memref_slice %arg3[%select_n3A, %multiple_of3A_1156, %dma_start3A_1162] : memref<16x2048x2048xf32, #tpu.memory_space<hbm>> -> memref<1x8x128xf32, #tpu.memory_space<hbm>>
      %dma_start3A_1164 = tpu.memref_squeeze %dma_start3A_1163 : memref<1x8x128xf32, #tpu.memory_space<hbm>> -> memref<8x128xf32, #tpu.memory_space<hbm>>
      %dma_start3A_1165 = arith.constant 0 : i32
      %dma_start3A_1166 = tpu.memref_slice %arg6[%multiple_of3A_1153, %dma_start3A_1165] : memref<784x128xf32, #tpu.memory_space<vmem>> -> memref<8x128xf32, #tpu.memory_space<vmem>>
      tpu.enqueue_dma source(%dma_start3A_1166 : memref<8x128xf32, #tpu.memory_space<vmem>>) target(%dma_start3A_1164 : memref<8x128xf32, #tpu.memory_space<hbm>>) target_semaphore(%arg7 : memref<!tpu.dma_semaphore, #tpu.memory_space<semaphore_mem>>)
      %add3A_1167 = arith.constant 14 : i32
      %add3A_1168 = arith.addi %select_n3A_746, %add3A_1167 : i32
      %sub3A_1169 = arith.subi %add3A_1168, %add3A_717 : i32
      %lt3A_1170 = arith.constant 0 : i32
      %lt3A_1171 = arith.cmpi slt, %sub3A_1169, %lt3A_1170 : i32
      %gt3A_1172 = arith.constant 5 : i32
      %gt3A_1173 = arith.cmpi sgt, %sub3A_1169, %gt3A_1172 : i32
      %mul3A_1174 = arith.constant 6 : i32
      %mul3A_1175 = arith.muli %select_n3A_687, %mul3A_1174 : i32
      %add3A_1176 = arith.addi %mul3A_1175, %sub3A_1169 : i32
      %jit3A_1177 = arith.constant 97 : i32
      %select_n3A_1178 = arith.select %gt3A_1173, %jit3A_1177, %add3A_1176 : i32
      %jit3A_1179 = arith.constant 96 : i32
      %select_n3A_1180 = arith.select %lt3A_1171, %jit3A_1179, %select_n3A_1178 : i32
      %mul3A_1181 = arith.constant 8 : i32
      %mul3A_1182 = arith.muli %select_n3A_1180, %mul3A_1181 : i32
      %multiple_of3A_1183 = tpu.assume_multiple %mul3A_1182, 8 : i32
      %mul3A_1184 = arith.constant 8 : i32
      %mul3A_1185 = arith.muli %mul3A_1184, %add3A_669 : i32
      %multiple_of3A_1186 = tpu.assume_multiple %mul3A_1185, 8 : i32
      %dma_start3A_1187 = arith.constant 0 : i32
      %dma_start3A_1188 = tpu.memref_slice %arg6[%multiple_of3A_1183, %dma_start3A_1187] : memref<784x128xf32, #tpu.memory_space<vmem>> -> memref<8x128xf32, #tpu.memory_space<vmem>>
      %dma_start3A_1189 = arith.constant 1792 : i32
      %dma_start3A_1190 = tpu.memref_slice %arg3[%select_n3A, %multiple_of3A_1186, %dma_start3A_1189] : memref<16x2048x2048xf32, #tpu.memory_space<hbm>> -> memref<1x8x128xf32, #tpu.memory_space<hbm>>
      %dma_start3A_1191 = tpu.memref_squeeze %dma_start3A_1190 : memref<1x8x128xf32, #tpu.memory_space<hbm>> -> memref<8x128xf32, #tpu.memory_space<hbm>>
      %dma_start3A_1192 = arith.constant 1792 : i32
      %dma_start3A_1193 = tpu.memref_slice %arg3[%select_n3A, %multiple_of3A_1186, %dma_start3A_1192] : memref<16x2048x2048xf32, #tpu.memory_space<hbm>> -> memref<1x8x128xf32, #tpu.memory_space<hbm>>
      %dma_start3A_1194 = tpu.memref_squeeze %dma_start3A_1193 : memref<1x8x128xf32, #tpu.memory_space<hbm>> -> memref<8x128xf32, #tpu.memory_space<hbm>>
      %dma_start3A_1195 = arith.constant 0 : i32
      %dma_start3A_1196 = tpu.memref_slice %arg6[%multiple_of3A_1183, %dma_start3A_1195] : memref<784x128xf32, #tpu.memory_space<vmem>> -> memref<8x128xf32, #tpu.memory_space<vmem>>
      tpu.enqueue_dma source(%dma_start3A_1196 : memref<8x128xf32, #tpu.memory_space<vmem>>) target(%dma_start3A_1194 : memref<8x128xf32, #tpu.memory_space<hbm>>) target_semaphore(%arg7 : memref<!tpu.dma_semaphore, #tpu.memory_space<semaphore_mem>>)
      %add3A_1197 = arith.constant 15 : i32
      %add3A_1198 = arith.addi %select_n3A_746, %add3A_1197 : i32
      %sub3A_1199 = arith.subi %add3A_1198, %add3A_717 : i32
      %lt3A_1200 = arith.constant 0 : i32
      %lt3A_1201 = arith.cmpi slt, %sub3A_1199, %lt3A_1200 : i32
      %gt3A_1202 = arith.constant 5 : i32
      %gt3A_1203 = arith.cmpi sgt, %sub3A_1199, %gt3A_1202 : i32
      %mul3A_1204 = arith.constant 6 : i32
      %mul3A_1205 = arith.muli %select_n3A_687, %mul3A_1204 : i32
      %add3A_1206 = arith.addi %mul3A_1205, %sub3A_1199 : i32
      %jit3A_1207 = arith.constant 97 : i32
      %select_n3A_1208 = arith.select %gt3A_1203, %jit3A_1207, %add3A_1206 : i32
      %jit3A_1209 = arith.constant 96 : i32
      %select_n3A_1210 = arith.select %lt3A_1201, %jit3A_1209, %select_n3A_1208 : i32
      %mul3A_1211 = arith.constant 8 : i32
      %mul3A_1212 = arith.muli %select_n3A_1210, %mul3A_1211 : i32
      %multiple_of3A_1213 = tpu.assume_multiple %mul3A_1212, 8 : i32
      %mul3A_1214 = arith.constant 8 : i32
      %mul3A_1215 = arith.muli %mul3A_1214, %add3A_669 : i32
      %multiple_of3A_1216 = tpu.assume_multiple %mul3A_1215, 8 : i32
      %dma_start3A_1217 = arith.constant 0 : i32
      %dma_start3A_1218 = tpu.memref_slice %arg6[%multiple_of3A_1213, %dma_start3A_1217] : memref<784x128xf32, #tpu.memory_space<vmem>> -> memref<8x128xf32, #tpu.memory_space<vmem>>
      %dma_start3A_1219 = arith.constant 1920 : i32
      %dma_start3A_1220 = tpu.memref_slice %arg3[%select_n3A, %multiple_of3A_1216, %dma_start3A_1219] : memref<16x2048x2048xf32, #tpu.memory_space<hbm>> -> memref<1x8x128xf32, #tpu.memory_space<hbm>>
      %dma_start3A_1221 = tpu.memref_squeeze %dma_start3A_1220 : memref<1x8x128xf32, #tpu.memory_space<hbm>> -> memref<8x128xf32, #tpu.memory_space<hbm>>
      %dma_start3A_1222 = arith.constant 1920 : i32
      %dma_start3A_1223 = tpu.memref_slice %arg3[%select_n3A, %multiple_of3A_1216, %dma_start3A_1222] : memref<16x2048x2048xf32, #tpu.memory_space<hbm>> -> memref<1x8x128xf32, #tpu.memory_space<hbm>>
      %dma_start3A_1224 = tpu.memref_squeeze %dma_start3A_1223 : memref<1x8x128xf32, #tpu.memory_space<hbm>> -> memref<8x128xf32, #tpu.memory_space<hbm>>
      %dma_start3A_1225 = arith.constant 0 : i32
      %dma_start3A_1226 = tpu.memref_slice %arg6[%multiple_of3A_1213, %dma_start3A_1225] : memref<784x128xf32, #tpu.memory_space<vmem>> -> memref<8x128xf32, #tpu.memory_space<vmem>>
      tpu.enqueue_dma source(%dma_start3A_1226 : memref<8x128xf32, #tpu.memory_space<vmem>>) target(%dma_start3A_1224 : memref<8x128xf32, #tpu.memory_space<hbm>>) target_semaphore(%arg7 : memref<!tpu.dma_semaphore, #tpu.memory_space<semaphore_mem>>)
      %dma_wait3A = arith.constant 0 : i32
      %dma_wait3A_1227 = tpu.memref_slice %arg6[%multiple_of3A_202, %dma_wait3A] : memref<784x128xf32, #tpu.memory_space<vmem>> -> memref<8x128xf32, #tpu.memory_space<vmem>>
      %dma_wait3A_1228 = arith.constant 0 : i32
      %dma_wait3A_1229 = tpu.memref_slice %arg3[%select_n3A, %multiple_of3A_205, %dma_wait3A_1228] : memref<16x2048x2048xf32, #tpu.memory_space<hbm>> -> memref<1x8x128xf32, #tpu.memory_space<hbm>>
      %dma_wait3A_1230 = tpu.memref_squeeze %dma_wait3A_1229 : memref<1x8x128xf32, #tpu.memory_space<hbm>> -> memref<8x128xf32, #tpu.memory_space<hbm>>
      %dma_wait3A_1231 = arith.constant 0 : i32
      %dma_wait3A_1232 = tpu.memref_slice %arg3[%select_n3A, %multiple_of3A_205, %dma_wait3A_1231] : memref<16x2048x2048xf32, #tpu.memory_space<hbm>> -> memref<1x8x128xf32, #tpu.memory_space<hbm>>
      %dma_wait3A_1233 = tpu.memref_squeeze %dma_wait3A_1232 : memref<1x8x128xf32, #tpu.memory_space<hbm>> -> memref<8x128xf32, #tpu.memory_space<hbm>>
      %dma_wait3A_1234 = arith.constant 0 : i32
      %dma_wait3A_1235 = tpu.memref_slice %arg6[%multiple_of3A_202, %dma_wait3A_1234] : memref<784x128xf32, #tpu.memory_space<vmem>> -> memref<8x128xf32, #tpu.memory_space<vmem>>
      tpu.wait_dma2 semaphore(%arg7 : memref<!tpu.dma_semaphore, #tpu.memory_space<semaphore_mem>>) src(%dma_wait3A_1235 : memref<8x128xf32, #tpu.memory_space<vmem>>) dst(%dma_wait3A_1233 : memref<8x128xf32, #tpu.memory_space<hbm>>)
      %dma_wait3A_1236 = arith.constant 0 : i32
      %dma_wait3A_1237 = tpu.memref_slice %arg6[%multiple_of3A_231, %dma_wait3A_1236] : memref<784x128xf32, #tpu.memory_space<vmem>> -> memref<8x128xf32, #tpu.memory_space<vmem>>
      %dma_wait3A_1238 = arith.constant 128 : i32
      %dma_wait3A_1239 = tpu.memref_slice %arg3[%select_n3A, %multiple_of3A_234, %dma_wait3A_1238] : memref<16x2048x2048xf32, #tpu.memory_space<hbm>> -> memref<1x8x128xf32, #tpu.memory_space<hbm>>
      %dma_wait3A_1240 = tpu.memref_squeeze %dma_wait3A_1239 : memref<1x8x128xf32, #tpu.memory_space<hbm>> -> memref<8x128xf32, #tpu.memory_space<hbm>>
      %dma_wait3A_1241 = arith.constant 128 : i32
      %dma_wait3A_1242 = tpu.memref_slice %arg3[%select_n3A, %multiple_of3A_234, %dma_wait3A_1241] : memref<16x2048x2048xf32, #tpu.memory_space<hbm>> -> memref<1x8x128xf32, #tpu.memory_space<hbm>>
      %dma_wait3A_1243 = tpu.memref_squeeze %dma_wait3A_1242 : memref<1x8x128xf32, #tpu.memory_space<hbm>> -> memref<8x128xf32, #tpu.memory_space<hbm>>
      %dma_wait3A_1244 = arith.constant 0 : i32
      %dma_wait3A_1245 = tpu.memref_slice %arg6[%multiple_of3A_231, %dma_wait3A_1244] : memref<784x128xf32, #tpu.memory_space<vmem>> -> memref<8x128xf32, #tpu.memory_space<vmem>>
      tpu.wait_dma2 semaphore(%arg7 : memref<!tpu.dma_semaphore, #tpu.memory_space<semaphore_mem>>) src(%dma_wait3A_1245 : memref<8x128xf32, #tpu.memory_space<vmem>>) dst(%dma_wait3A_1243 : memref<8x128xf32, #tpu.memory_space<hbm>>)
      %dma_wait3A_1246 = arith.constant 0 : i32
      %dma_wait3A_1247 = tpu.memref_slice %arg6[%multiple_of3A_261, %dma_wait3A_1246] : memref<784x128xf32, #tpu.memory_space<vmem>> -> memref<8x128xf32, #tpu.memory_space<vmem>>
      %dma_wait3A_1248 = arith.constant 256 : i32
      %dma_wait3A_1249 = tpu.memref_slice %arg3[%select_n3A, %multiple_of3A_264, %dma_wait3A_1248] : memref<16x2048x2048xf32, #tpu.memory_space<hbm>> -> memref<1x8x128xf32, #tpu.memory_space<hbm>>
      %dma_wait3A_1250 = tpu.memref_squeeze %dma_wait3A_1249 : memref<1x8x128xf32, #tpu.memory_space<hbm>> -> memref<8x128xf32, #tpu.memory_space<hbm>>
      %dma_wait3A_1251 = arith.constant 256 : i32
      %dma_wait3A_1252 = tpu.memref_slice %arg3[%select_n3A, %multiple_of3A_264, %dma_wait3A_1251] : memref<16x2048x2048xf32, #tpu.memory_space<hbm>> -> memref<1x8x128xf32, #tpu.memory_space<hbm>>
      %dma_wait3A_1253 = tpu.memref_squeeze %dma_wait3A_1252 : memref<1x8x128xf32, #tpu.memory_space<hbm>> -> memref<8x128xf32, #tpu.memory_space<hbm>>
      %dma_wait3A_1254 = arith.constant 0 : i32
      %dma_wait3A_1255 = tpu.memref_slice %arg6[%multiple_of3A_261, %dma_wait3A_1254] : memref<784x128xf32, #tpu.memory_space<vmem>> -> memref<8x128xf32, #tpu.memory_space<vmem>>
      tpu.wait_dma2 semaphore(%arg7 : memref<!tpu.dma_semaphore, #tpu.memory_space<semaphore_mem>>) src(%dma_wait3A_1255 : memref<8x128xf32, #tpu.memory_space<vmem>>) dst(%dma_wait3A_1253 : memref<8x128xf32, #tpu.memory_space<hbm>>)
      %dma_wait3A_1256 = arith.constant 0 : i32
      %dma_wait3A_1257 = tpu.memref_slice %arg6[%multiple_of3A_291, %dma_wait3A_1256] : memref<784x128xf32, #tpu.memory_space<vmem>> -> memref<8x128xf32, #tpu.memory_space<vmem>>
      %dma_wait3A_1258 = arith.constant 384 : i32
      %dma_wait3A_1259 = tpu.memref_slice %arg3[%select_n3A, %multiple_of3A_294, %dma_wait3A_1258] : memref<16x2048x2048xf32, #tpu.memory_space<hbm>> -> memref<1x8x128xf32, #tpu.memory_space<hbm>>
      %dma_wait3A_1260 = tpu.memref_squeeze %dma_wait3A_1259 : memref<1x8x128xf32, #tpu.memory_space<hbm>> -> memref<8x128xf32, #tpu.memory_space<hbm>>
      %dma_wait3A_1261 = arith.constant 384 : i32
      %dma_wait3A_1262 = tpu.memref_slice %arg3[%select_n3A, %multiple_of3A_294, %dma_wait3A_1261] : memref<16x2048x2048xf32, #tpu.memory_space<hbm>> -> memref<1x8x128xf32, #tpu.memory_space<hbm>>
      %dma_wait3A_1263 = tpu.memref_squeeze %dma_wait3A_1262 : memref<1x8x128xf32, #tpu.memory_space<hbm>> -> memref<8x128xf32, #tpu.memory_space<hbm>>
      %dma_wait3A_1264 = arith.constant 0 : i32
      %dma_wait3A_1265 = tpu.memref_slice %arg6[%multiple_of3A_291, %dma_wait3A_1264] : memref<784x128xf32, #tpu.memory_space<vmem>> -> memref<8x128xf32, #tpu.memory_space<vmem>>
      tpu.wait_dma2 semaphore(%arg7 : memref<!tpu.dma_semaphore, #tpu.memory_space<semaphore_mem>>) src(%dma_wait3A_1265 : memref<8x128xf32, #tpu.memory_space<vmem>>) dst(%dma_wait3A_1263 : memref<8x128xf32, #tpu.memory_space<hbm>>)
      %dma_wait3A_1266 = arith.constant 0 : i32
      %dma_wait3A_1267 = tpu.memref_slice %arg6[%multiple_of3A_321, %dma_wait3A_1266] : memref<784x128xf32, #tpu.memory_space<vmem>> -> memref<8x128xf32, #tpu.memory_space<vmem>>
      %dma_wait3A_1268 = arith.constant 512 : i32
      %dma_wait3A_1269 = tpu.memref_slice %arg3[%select_n3A, %multiple_of3A_324, %dma_wait3A_1268] : memref<16x2048x2048xf32, #tpu.memory_space<hbm>> -> memref<1x8x128xf32, #tpu.memory_space<hbm>>
      %dma_wait3A_1270 = tpu.memref_squeeze %dma_wait3A_1269 : memref<1x8x128xf32, #tpu.memory_space<hbm>> -> memref<8x128xf32, #tpu.memory_space<hbm>>
      %dma_wait3A_1271 = arith.constant 512 : i32
      %dma_wait3A_1272 = tpu.memref_slice %arg3[%select_n3A, %multiple_of3A_324, %dma_wait3A_1271] : memref<16x2048x2048xf32, #tpu.memory_space<hbm>> -> memref<1x8x128xf32, #tpu.memory_space<hbm>>
      %dma_wait3A_1273 = tpu.memref_squeeze %dma_wait3A_1272 : memref<1x8x128xf32, #tpu.memory_space<hbm>> -> memref<8x128xf32, #tpu.memory_space<hbm>>
      %dma_wait3A_1274 = arith.constant 0 : i32
      %dma_wait3A_1275 = tpu.memref_slice %arg6[%multiple_of3A_321, %dma_wait3A_1274] : memref<784x128xf32, #tpu.memory_space<vmem>> -> memref<8x128xf32, #tpu.memory_space<vmem>>
      tpu.wait_dma2 semaphore(%arg7 : memref<!tpu.dma_semaphore, #tpu.memory_space<semaphore_mem>>) src(%dma_wait3A_1275 : memref<8x128xf32, #tpu.memory_space<vmem>>) dst(%dma_wait3A_1273 : memref<8x128xf32, #tpu.memory_space<hbm>>)
      %dma_wait3A_1276 = arith.constant 0 : i32
      %dma_wait3A_1277 = tpu.memref_slice %arg6[%multiple_of3A_351, %dma_wait3A_1276] : memref<784x128xf32, #tpu.memory_space<vmem>> -> memref<8x128xf32, #tpu.memory_space<vmem>>
      %dma_wait3A_1278 = arith.constant 640 : i32
      %dma_wait3A_1279 = tpu.memref_slice %arg3[%select_n3A, %multiple_of3A_354, %dma_wait3A_1278] : memref<16x2048x2048xf32, #tpu.memory_space<hbm>> -> memref<1x8x128xf32, #tpu.memory_space<hbm>>
      %dma_wait3A_1280 = tpu.memref_squeeze %dma_wait3A_1279 : memref<1x8x128xf32, #tpu.memory_space<hbm>> -> memref<8x128xf32, #tpu.memory_space<hbm>>
      %dma_wait3A_1281 = arith.constant 640 : i32
      %dma_wait3A_1282 = tpu.memref_slice %arg3[%select_n3A, %multiple_of3A_354, %dma_wait3A_1281] : memref<16x2048x2048xf32, #tpu.memory_space<hbm>> -> memref<1x8x128xf32, #tpu.memory_space<hbm>>
      %dma_wait3A_1283 = tpu.memref_squeeze %dma_wait3A_1282 : memref<1x8x128xf32, #tpu.memory_space<hbm>> -> memref<8x128xf32, #tpu.memory_space<hbm>>
      %dma_wait3A_1284 = arith.constant 0 : i32
      %dma_wait3A_1285 = tpu.memref_slice %arg6[%multiple_of3A_351, %dma_wait3A_1284] : memref<784x128xf32, #tpu.memory_space<vmem>> -> memref<8x128xf32, #tpu.memory_space<vmem>>
      tpu.wait_dma2 semaphore(%arg7 : memref<!tpu.dma_semaphore, #tpu.memory_space<semaphore_mem>>) src(%dma_wait3A_1285 : memref<8x128xf32, #tpu.memory_space<vmem>>) dst(%dma_wait3A_1283 : memref<8x128xf32, #tpu.memory_space<hbm>>)
      %dma_wait3A_1286 = arith.constant 0 : i32
      %dma_wait3A_1287 = tpu.memref_slice %arg6[%multiple_of3A_381, %dma_wait3A_1286] : memref<784x128xf32, #tpu.memory_space<vmem>> -> memref<8x128xf32, #tpu.memory_space<vmem>>
      %dma_wait3A_1288 = arith.constant 768 : i32
      %dma_wait3A_1289 = tpu.memref_slice %arg3[%select_n3A, %multiple_of3A_384, %dma_wait3A_1288] : memref<16x2048x2048xf32, #tpu.memory_space<hbm>> -> memref<1x8x128xf32, #tpu.memory_space<hbm>>
      %dma_wait3A_1290 = tpu.memref_squeeze %dma_wait3A_1289 : memref<1x8x128xf32, #tpu.memory_space<hbm>> -> memref<8x128xf32, #tpu.memory_space<hbm>>
      %dma_wait3A_1291 = arith.constant 768 : i32
      %dma_wait3A_1292 = tpu.memref_slice %arg3[%select_n3A, %multiple_of3A_384, %dma_wait3A_1291] : memref<16x2048x2048xf32, #tpu.memory_space<hbm>> -> memref<1x8x128xf32, #tpu.memory_space<hbm>>
      %dma_wait3A_1293 = tpu.memref_squeeze %dma_wait3A_1292 : memref<1x8x128xf32, #tpu.memory_space<hbm>> -> memref<8x128xf32, #tpu.memory_space<hbm>>
      %dma_wait3A_1294 = arith.constant 0 : i32
      %dma_wait3A_1295 = tpu.memref_slice %arg6[%multiple_of3A_381, %dma_wait3A_1294] : memref<784x128xf32, #tpu.memory_space<vmem>> -> memref<8x128xf32, #tpu.memory_space<vmem>>
      tpu.wait_dma2 semaphore(%arg7 : memref<!tpu.dma_semaphore, #tpu.memory_space<semaphore_mem>>) src(%dma_wait3A_1295 : memref<8x128xf32, #tpu.memory_space<vmem>>) dst(%dma_wait3A_1293 : memref<8x128xf32, #tpu.memory_space<hbm>>)
      %dma_wait3A_1296 = arith.constant 0 : i32
      %dma_wait3A_1297 = tpu.memref_slice %arg6[%multiple_of3A_411, %dma_wait3A_1296] : memref<784x128xf32, #tpu.memory_space<vmem>> -> memref<8x128xf32, #tpu.memory_space<vmem>>
      %dma_wait3A_1298 = arith.constant 896 : i32
      %dma_wait3A_1299 = tpu.memref_slice %arg3[%select_n3A, %multiple_of3A_414, %dma_wait3A_1298] : memref<16x2048x2048xf32, #tpu.memory_space<hbm>> -> memref<1x8x128xf32, #tpu.memory_space<hbm>>
      %dma_wait3A_1300 = tpu.memref_squeeze %dma_wait3A_1299 : memref<1x8x128xf32, #tpu.memory_space<hbm>> -> memref<8x128xf32, #tpu.memory_space<hbm>>
      %dma_wait3A_1301 = arith.constant 896 : i32
      %dma_wait3A_1302 = tpu.memref_slice %arg3[%select_n3A, %multiple_of3A_414, %dma_wait3A_1301] : memref<16x2048x2048xf32, #tpu.memory_space<hbm>> -> memref<1x8x128xf32, #tpu.memory_space<hbm>>
      %dma_wait3A_1303 = tpu.memref_squeeze %dma_wait3A_1302 : memref<1x8x128xf32, #tpu.memory_space<hbm>> -> memref<8x128xf32, #tpu.memory_space<hbm>>
      %dma_wait3A_1304 = arith.constant 0 : i32
      %dma_wait3A_1305 = tpu.memref_slice %arg6[%multiple_of3A_411, %dma_wait3A_1304] : memref<784x128xf32, #tpu.memory_space<vmem>> -> memref<8x128xf32, #tpu.memory_space<vmem>>
      tpu.wait_dma2 semaphore(%arg7 : memref<!tpu.dma_semaphore, #tpu.memory_space<semaphore_mem>>) src(%dma_wait3A_1305 : memref<8x128xf32, #tpu.memory_space<vmem>>) dst(%dma_wait3A_1303 : memref<8x128xf32, #tpu.memory_space<hbm>>)
      %dma_wait3A_1306 = arith.constant 0 : i32
      %dma_wait3A_1307 = tpu.memref_slice %arg6[%multiple_of3A_441, %dma_wait3A_1306] : memref<784x128xf32, #tpu.memory_space<vmem>> -> memref<8x128xf32, #tpu.memory_space<vmem>>
      %dma_wait3A_1308 = arith.constant 1024 : i32
      %dma_wait3A_1309 = tpu.memref_slice %arg3[%select_n3A, %multiple_of3A_444, %dma_wait3A_1308] : memref<16x2048x2048xf32, #tpu.memory_space<hbm>> -> memref<1x8x128xf32, #tpu.memory_space<hbm>>
      %dma_wait3A_1310 = tpu.memref_squeeze %dma_wait3A_1309 : memref<1x8x128xf32, #tpu.memory_space<hbm>> -> memref<8x128xf32, #tpu.memory_space<hbm>>
      %dma_wait3A_1311 = arith.constant 1024 : i32
      %dma_wait3A_1312 = tpu.memref_slice %arg3[%select_n3A, %multiple_of3A_444, %dma_wait3A_1311] : memref<16x2048x2048xf32, #tpu.memory_space<hbm>> -> memref<1x8x128xf32, #tpu.memory_space<hbm>>
      %dma_wait3A_1313 = tpu.memref_squeeze %dma_wait3A_1312 : memref<1x8x128xf32, #tpu.memory_space<hbm>> -> memref<8x128xf32, #tpu.memory_space<hbm>>
      %dma_wait3A_1314 = arith.constant 0 : i32
      %dma_wait3A_1315 = tpu.memref_slice %arg6[%multiple_of3A_441, %dma_wait3A_1314] : memref<784x128xf32, #tpu.memory_space<vmem>> -> memref<8x128xf32, #tpu.memory_space<vmem>>
      tpu.wait_dma2 semaphore(%arg7 : memref<!tpu.dma_semaphore, #tpu.memory_space<semaphore_mem>>) src(%dma_wait3A_1315 : memref<8x128xf32, #tpu.memory_space<vmem>>) dst(%dma_wait3A_1313 : memref<8x128xf32, #tpu.memory_space<hbm>>)
      %dma_wait3A_1316 = arith.constant 0 : i32
      %dma_wait3A_1317 = tpu.memref_slice %arg6[%multiple_of3A_471, %dma_wait3A_1316] : memref<784x128xf32, #tpu.memory_space<vmem>> -> memref<8x128xf32, #tpu.memory_space<vmem>>
      %dma_wait3A_1318 = arith.constant 1152 : i32
      %dma_wait3A_1319 = tpu.memref_slice %arg3[%select_n3A, %multiple_of3A_474, %dma_wait3A_1318] : memref<16x2048x2048xf32, #tpu.memory_space<hbm>> -> memref<1x8x128xf32, #tpu.memory_space<hbm>>
      %dma_wait3A_1320 = tpu.memref_squeeze %dma_wait3A_1319 : memref<1x8x128xf32, #tpu.memory_space<hbm>> -> memref<8x128xf32, #tpu.memory_space<hbm>>
      %dma_wait3A_1321 = arith.constant 1152 : i32
      %dma_wait3A_1322 = tpu.memref_slice %arg3[%select_n3A, %multiple_of3A_474, %dma_wait3A_1321] : memref<16x2048x2048xf32, #tpu.memory_space<hbm>> -> memref<1x8x128xf32, #tpu.memory_space<hbm>>
      %dma_wait3A_1323 = tpu.memref_squeeze %dma_wait3A_1322 : memref<1x8x128xf32, #tpu.memory_space<hbm>> -> memref<8x128xf32, #tpu.memory_space<hbm>>
      %dma_wait3A_1324 = arith.constant 0 : i32
      %dma_wait3A_1325 = tpu.memref_slice %arg6[%multiple_of3A_471, %dma_wait3A_1324] : memref<784x128xf32, #tpu.memory_space<vmem>> -> memref<8x128xf32, #tpu.memory_space<vmem>>
      tpu.wait_dma2 semaphore(%arg7 : memref<!tpu.dma_semaphore, #tpu.memory_space<semaphore_mem>>) src(%dma_wait3A_1325 : memref<8x128xf32, #tpu.memory_space<vmem>>) dst(%dma_wait3A_1323 : memref<8x128xf32, #tpu.memory_space<hbm>>)
      %dma_wait3A_1326 = arith.constant 0 : i32
      %dma_wait3A_1327 = tpu.memref_slice %arg6[%multiple_of3A_501, %dma_wait3A_1326] : memref<784x128xf32, #tpu.memory_space<vmem>> -> memref<8x128xf32, #tpu.memory_space<vmem>>
      %dma_wait3A_1328 = arith.constant 1280 : i32
      %dma_wait3A_1329 = tpu.memref_slice %arg3[%select_n3A, %multiple_of3A_504, %dma_wait3A_1328] : memref<16x2048x2048xf32, #tpu.memory_space<hbm>> -> memref<1x8x128xf32, #tpu.memory_space<hbm>>
      %dma_wait3A_1330 = tpu.memref_squeeze %dma_wait3A_1329 : memref<1x8x128xf32, #tpu.memory_space<hbm>> -> memref<8x128xf32, #tpu.memory_space<hbm>>
      %dma_wait3A_1331 = arith.constant 1280 : i32
      %dma_wait3A_1332 = tpu.memref_slice %arg3[%select_n3A, %multiple_of3A_504, %dma_wait3A_1331] : memref<16x2048x2048xf32, #tpu.memory_space<hbm>> -> memref<1x8x128xf32, #tpu.memory_space<hbm>>
      %dma_wait3A_1333 = tpu.memref_squeeze %dma_wait3A_1332 : memref<1x8x128xf32, #tpu.memory_space<hbm>> -> memref<8x128xf32, #tpu.memory_space<hbm>>
      %dma_wait3A_1334 = arith.constant 0 : i32
      %dma_wait3A_1335 = tpu.memref_slice %arg6[%multiple_of3A_501, %dma_wait3A_1334] : memref<784x128xf32, #tpu.memory_space<vmem>> -> memref<8x128xf32, #tpu.memory_space<vmem>>
      tpu.wait_dma2 semaphore(%arg7 : memref<!tpu.dma_semaphore, #tpu.memory_space<semaphore_mem>>) src(%dma_wait3A_1335 : memref<8x128xf32, #tpu.memory_space<vmem>>) dst(%dma_wait3A_1333 : memref<8x128xf32, #tpu.memory_space<hbm>>)
      %dma_wait3A_1336 = arith.constant 0 : i32
      %dma_wait3A_1337 = tpu.memref_slice %arg6[%multiple_of3A_531, %dma_wait3A_1336] : memref<784x128xf32, #tpu.memory_space<vmem>> -> memref<8x128xf32, #tpu.memory_space<vmem>>
      %dma_wait3A_1338 = arith.constant 1408 : i32
      %dma_wait3A_1339 = tpu.memref_slice %arg3[%select_n3A, %multiple_of3A_534, %dma_wait3A_1338] : memref<16x2048x2048xf32, #tpu.memory_space<hbm>> -> memref<1x8x128xf32, #tpu.memory_space<hbm>>
      %dma_wait3A_1340 = tpu.memref_squeeze %dma_wait3A_1339 : memref<1x8x128xf32, #tpu.memory_space<hbm>> -> memref<8x128xf32, #tpu.memory_space<hbm>>
      %dma_wait3A_1341 = arith.constant 1408 : i32
      %dma_wait3A_1342 = tpu.memref_slice %arg3[%select_n3A, %multiple_of3A_534, %dma_wait3A_1341] : memref<16x2048x2048xf32, #tpu.memory_space<hbm>> -> memref<1x8x128xf32, #tpu.memory_space<hbm>>
      %dma_wait3A_1343 = tpu.memref_squeeze %dma_wait3A_1342 : memref<1x8x128xf32, #tpu.memory_space<hbm>> -> memref<8x128xf32, #tpu.memory_space<hbm>>
      %dma_wait3A_1344 = arith.constant 0 : i32
      %dma_wait3A_1345 = tpu.memref_slice %arg6[%multiple_of3A_531, %dma_wait3A_1344] : memref<784x128xf32, #tpu.memory_space<vmem>> -> memref<8x128xf32, #tpu.memory_space<vmem>>
      tpu.wait_dma2 semaphore(%arg7 : memref<!tpu.dma_semaphore, #tpu.memory_space<semaphore_mem>>) src(%dma_wait3A_1345 : memref<8x128xf32, #tpu.memory_space<vmem>>) dst(%dma_wait3A_1343 : memref<8x128xf32, #tpu.memory_space<hbm>>)
      %dma_wait3A_1346 = arith.constant 0 : i32
      %dma_wait3A_1347 = tpu.memref_slice %arg6[%multiple_of3A_561, %dma_wait3A_1346] : memref<784x128xf32, #tpu.memory_space<vmem>> -> memref<8x128xf32, #tpu.memory_space<vmem>>
      %dma_wait3A_1348 = arith.constant 1536 : i32
      %dma_wait3A_1349 = tpu.memref_slice %arg3[%select_n3A, %multiple_of3A_564, %dma_wait3A_1348] : memref<16x2048x2048xf32, #tpu.memory_space<hbm>> -> memref<1x8x128xf32, #tpu.memory_space<hbm>>
      %dma_wait3A_1350 = tpu.memref_squeeze %dma_wait3A_1349 : memref<1x8x128xf32, #tpu.memory_space<hbm>> -> memref<8x128xf32, #tpu.memory_space<hbm>>
      %dma_wait3A_1351 = arith.constant 1536 : i32
      %dma_wait3A_1352 = tpu.memref_slice %arg3[%select_n3A, %multiple_of3A_564, %dma_wait3A_1351] : memref<16x2048x2048xf32, #tpu.memory_space<hbm>> -> memref<1x8x128xf32, #tpu.memory_space<hbm>>
      %dma_wait3A_1353 = tpu.memref_squeeze %dma_wait3A_1352 : memref<1x8x128xf32, #tpu.memory_space<hbm>> -> memref<8x128xf32, #tpu.memory_space<hbm>>
      %dma_wait3A_1354 = arith.constant 0 : i32
      %dma_wait3A_1355 = tpu.memref_slice %arg6[%multiple_of3A_561, %dma_wait3A_1354] : memref<784x128xf32, #tpu.memory_space<vmem>> -> memref<8x128xf32, #tpu.memory_space<vmem>>
      tpu.wait_dma2 semaphore(%arg7 : memref<!tpu.dma_semaphore, #tpu.memory_space<semaphore_mem>>) src(%dma_wait3A_1355 : memref<8x128xf32, #tpu.memory_space<vmem>>) dst(%dma_wait3A_1353 : memref<8x128xf32, #tpu.memory_space<hbm>>)
      %dma_wait3A_1356 = arith.constant 0 : i32
      %dma_wait3A_1357 = tpu.memref_slice %arg6[%multiple_of3A_591, %dma_wait3A_1356] : memref<784x128xf32, #tpu.memory_space<vmem>> -> memref<8x128xf32, #tpu.memory_space<vmem>>
      %dma_wait3A_1358 = arith.constant 1664 : i32
      %dma_wait3A_1359 = tpu.memref_slice %arg3[%select_n3A, %multiple_of3A_594, %dma_wait3A_1358] : memref<16x2048x2048xf32, #tpu.memory_space<hbm>> -> memref<1x8x128xf32, #tpu.memory_space<hbm>>
      %dma_wait3A_1360 = tpu.memref_squeeze %dma_wait3A_1359 : memref<1x8x128xf32, #tpu.memory_space<hbm>> -> memref<8x128xf32, #tpu.memory_space<hbm>>
      %dma_wait3A_1361 = arith.constant 1664 : i32
      %dma_wait3A_1362 = tpu.memref_slice %arg3[%select_n3A, %multiple_of3A_594, %dma_wait3A_1361] : memref<16x2048x2048xf32, #tpu.memory_space<hbm>> -> memref<1x8x128xf32, #tpu.memory_space<hbm>>
      %dma_wait3A_1363 = tpu.memref_squeeze %dma_wait3A_1362 : memref<1x8x128xf32, #tpu.memory_space<hbm>> -> memref<8x128xf32, #tpu.memory_space<hbm>>
      %dma_wait3A_1364 = arith.constant 0 : i32
      %dma_wait3A_1365 = tpu.memref_slice %arg6[%multiple_of3A_591, %dma_wait3A_1364] : memref<784x128xf32, #tpu.memory_space<vmem>> -> memref<8x128xf32, #tpu.memory_space<vmem>>
      tpu.wait_dma2 semaphore(%arg7 : memref<!tpu.dma_semaphore, #tpu.memory_space<semaphore_mem>>) src(%dma_wait3A_1365 : memref<8x128xf32, #tpu.memory_space<vmem>>) dst(%dma_wait3A_1363 : memref<8x128xf32, #tpu.memory_space<hbm>>)
      %dma_wait3A_1366 = arith.constant 0 : i32
      %dma_wait3A_1367 = tpu.memref_slice %arg6[%multiple_of3A_621, %dma_wait3A_1366] : memref<784x128xf32, #tpu.memory_space<vmem>> -> memref<8x128xf32, #tpu.memory_space<vmem>>
      %dma_wait3A_1368 = arith.constant 1792 : i32
      %dma_wait3A_1369 = tpu.memref_slice %arg3[%select_n3A, %multiple_of3A_624, %dma_wait3A_1368] : memref<16x2048x2048xf32, #tpu.memory_space<hbm>> -> memref<1x8x128xf32, #tpu.memory_space<hbm>>
      %dma_wait3A_1370 = tpu.memref_squeeze %dma_wait3A_1369 : memref<1x8x128xf32, #tpu.memory_space<hbm>> -> memref<8x128xf32, #tpu.memory_space<hbm>>
      %dma_wait3A_1371 = arith.constant 1792 : i32
      %dma_wait3A_1372 = tpu.memref_slice %arg3[%select_n3A, %multiple_of3A_624, %dma_wait3A_1371] : memref<16x2048x2048xf32, #tpu.memory_space<hbm>> -> memref<1x8x128xf32, #tpu.memory_space<hbm>>
      %dma_wait3A_1373 = tpu.memref_squeeze %dma_wait3A_1372 : memref<1x8x128xf32, #tpu.memory_space<hbm>> -> memref<8x128xf32, #tpu.memory_space<hbm>>
      %dma_wait3A_1374 = arith.constant 0 : i32
      %dma_wait3A_1375 = tpu.memref_slice %arg6[%multiple_of3A_621, %dma_wait3A_1374] : memref<784x128xf32, #tpu.memory_space<vmem>> -> memref<8x128xf32, #tpu.memory_space<vmem>>
      tpu.wait_dma2 semaphore(%arg7 : memref<!tpu.dma_semaphore, #tpu.memory_space<semaphore_mem>>) src(%dma_wait3A_1375 : memref<8x128xf32, #tpu.memory_space<vmem>>) dst(%dma_wait3A_1373 : memref<8x128xf32, #tpu.memory_space<hbm>>)
      %dma_wait3A_1376 = arith.constant 0 : i32
      %dma_wait3A_1377 = tpu.memref_slice %arg6[%multiple_of3A_651, %dma_wait3A_1376] : memref<784x128xf32, #tpu.memory_space<vmem>> -> memref<8x128xf32, #tpu.memory_space<vmem>>
      %dma_wait3A_1378 = arith.constant 1920 : i32
      %dma_wait3A_1379 = tpu.memref_slice %arg3[%select_n3A, %multiple_of3A_654, %dma_wait3A_1378] : memref<16x2048x2048xf32, #tpu.memory_space<hbm>> -> memref<1x8x128xf32, #tpu.memory_space<hbm>>
      %dma_wait3A_1380 = tpu.memref_squeeze %dma_wait3A_1379 : memref<1x8x128xf32, #tpu.memory_space<hbm>> -> memref<8x128xf32, #tpu.memory_space<hbm>>
      %dma_wait3A_1381 = arith.constant 1920 : i32
      %dma_wait3A_1382 = tpu.memref_slice %arg3[%select_n3A, %multiple_of3A_654, %dma_wait3A_1381] : memref<16x2048x2048xf32, #tpu.memory_space<hbm>> -> memref<1x8x128xf32, #tpu.memory_space<hbm>>
      %dma_wait3A_1383 = tpu.memref_squeeze %dma_wait3A_1382 : memref<1x8x128xf32, #tpu.memory_space<hbm>> -> memref<8x128xf32, #tpu.memory_space<hbm>>
      %dma_wait3A_1384 = arith.constant 0 : i32
      %dma_wait3A_1385 = tpu.memref_slice %arg6[%multiple_of3A_651, %dma_wait3A_1384] : memref<784x128xf32, #tpu.memory_space<vmem>> -> memref<8x128xf32, #tpu.memory_space<vmem>>
      tpu.wait_dma2 semaphore(%arg7 : memref<!tpu.dma_semaphore, #tpu.memory_space<semaphore_mem>>) src(%dma_wait3A_1385 : memref<8x128xf32, #tpu.memory_space<vmem>>) dst(%dma_wait3A_1383 : memref<8x128xf32, #tpu.memory_space<hbm>>)
      %dma_wait3A_1386 = arith.constant 0 : i32
      %dma_wait3A_1387 = tpu.memref_slice %arg6[%multiple_of3A_763, %dma_wait3A_1386] : memref<784x128xf32, #tpu.memory_space<vmem>> -> memref<8x128xf32, #tpu.memory_space<vmem>>
      %dma_wait3A_1388 = arith.constant 0 : i32
      %dma_wait3A_1389 = tpu.memref_slice %arg3[%select_n3A, %multiple_of3A_766, %dma_wait3A_1388] : memref<16x2048x2048xf32, #tpu.memory_space<hbm>> -> memref<1x8x128xf32, #tpu.memory_space<hbm>>
      %dma_wait3A_1390 = tpu.memref_squeeze %dma_wait3A_1389 : memref<1x8x128xf32, #tpu.memory_space<hbm>> -> memref<8x128xf32, #tpu.memory_space<hbm>>
      %dma_wait3A_1391 = arith.constant 0 : i32
      %dma_wait3A_1392 = tpu.memref_slice %arg3[%select_n3A, %multiple_of3A_766, %dma_wait3A_1391] : memref<16x2048x2048xf32, #tpu.memory_space<hbm>> -> memref<1x8x128xf32, #tpu.memory_space<hbm>>
      %dma_wait3A_1393 = tpu.memref_squeeze %dma_wait3A_1392 : memref<1x8x128xf32, #tpu.memory_space<hbm>> -> memref<8x128xf32, #tpu.memory_space<hbm>>
      %dma_wait3A_1394 = arith.constant 0 : i32
      %dma_wait3A_1395 = tpu.memref_slice %arg6[%multiple_of3A_763, %dma_wait3A_1394] : memref<784x128xf32, #tpu.memory_space<vmem>> -> memref<8x128xf32, #tpu.memory_space<vmem>>
      tpu.wait_dma2 semaphore(%arg7 : memref<!tpu.dma_semaphore, #tpu.memory_space<semaphore_mem>>) src(%dma_wait3A_1395 : memref<8x128xf32, #tpu.memory_space<vmem>>) dst(%dma_wait3A_1393 : memref<8x128xf32, #tpu.memory_space<hbm>>)
      %dma_wait3A_1396 = arith.constant 0 : i32
      %dma_wait3A_1397 = tpu.memref_slice %arg6[%multiple_of3A_793, %dma_wait3A_1396] : memref<784x128xf32, #tpu.memory_space<vmem>> -> memref<8x128xf32, #tpu.memory_space<vmem>>
      %dma_wait3A_1398 = arith.constant 128 : i32
      %dma_wait3A_1399 = tpu.memref_slice %arg3[%select_n3A, %multiple_of3A_796, %dma_wait3A_1398] : memref<16x2048x2048xf32, #tpu.memory_space<hbm>> -> memref<1x8x128xf32, #tpu.memory_space<hbm>>
      %dma_wait3A_1400 = tpu.memref_squeeze %dma_wait3A_1399 : memref<1x8x128xf32, #tpu.memory_space<hbm>> -> memref<8x128xf32, #tpu.memory_space<hbm>>
      %dma_wait3A_1401 = arith.constant 128 : i32
      %dma_wait3A_1402 = tpu.memref_slice %arg3[%select_n3A, %multiple_of3A_796, %dma_wait3A_1401] : memref<16x2048x2048xf32, #tpu.memory_space<hbm>> -> memref<1x8x128xf32, #tpu.memory_space<hbm>>
      %dma_wait3A_1403 = tpu.memref_squeeze %dma_wait3A_1402 : memref<1x8x128xf32, #tpu.memory_space<hbm>> -> memref<8x128xf32, #tpu.memory_space<hbm>>
      %dma_wait3A_1404 = arith.constant 0 : i32
      %dma_wait3A_1405 = tpu.memref_slice %arg6[%multiple_of3A_793, %dma_wait3A_1404] : memref<784x128xf32, #tpu.memory_space<vmem>> -> memref<8x128xf32, #tpu.memory_space<vmem>>
      tpu.wait_dma2 semaphore(%arg7 : memref<!tpu.dma_semaphore, #tpu.memory_space<semaphore_mem>>) src(%dma_wait3A_1405 : memref<8x128xf32, #tpu.memory_space<vmem>>) dst(%dma_wait3A_1403 : memref<8x128xf32, #tpu.memory_space<hbm>>)
      %dma_wait3A_1406 = arith.constant 0 : i32
      %dma_wait3A_1407 = tpu.memref_slice %arg6[%multiple_of3A_823, %dma_wait3A_1406] : memref<784x128xf32, #tpu.memory_space<vmem>> -> memref<8x128xf32, #tpu.memory_space<vmem>>
      %dma_wait3A_1408 = arith.constant 256 : i32
      %dma_wait3A_1409 = tpu.memref_slice %arg3[%select_n3A, %multiple_of3A_826, %dma_wait3A_1408] : memref<16x2048x2048xf32, #tpu.memory_space<hbm>> -> memref<1x8x128xf32, #tpu.memory_space<hbm>>
      %dma_wait3A_1410 = tpu.memref_squeeze %dma_wait3A_1409 : memref<1x8x128xf32, #tpu.memory_space<hbm>> -> memref<8x128xf32, #tpu.memory_space<hbm>>
      %dma_wait3A_1411 = arith.constant 256 : i32
      %dma_wait3A_1412 = tpu.memref_slice %arg3[%select_n3A, %multiple_of3A_826, %dma_wait3A_1411] : memref<16x2048x2048xf32, #tpu.memory_space<hbm>> -> memref<1x8x128xf32, #tpu.memory_space<hbm>>
      %dma_wait3A_1413 = tpu.memref_squeeze %dma_wait3A_1412 : memref<1x8x128xf32, #tpu.memory_space<hbm>> -> memref<8x128xf32, #tpu.memory_space<hbm>>
      %dma_wait3A_1414 = arith.constant 0 : i32
      %dma_wait3A_1415 = tpu.memref_slice %arg6[%multiple_of3A_823, %dma_wait3A_1414] : memref<784x128xf32, #tpu.memory_space<vmem>> -> memref<8x128xf32, #tpu.memory_space<vmem>>
      tpu.wait_dma2 semaphore(%arg7 : memref<!tpu.dma_semaphore, #tpu.memory_space<semaphore_mem>>) src(%dma_wait3A_1415 : memref<8x128xf32, #tpu.memory_space<vmem>>) dst(%dma_wait3A_1413 : memref<8x128xf32, #tpu.memory_space<hbm>>)
      %dma_wait3A_1416 = arith.constant 0 : i32
      %dma_wait3A_1417 = tpu.memref_slice %arg6[%multiple_of3A_853, %dma_wait3A_1416] : memref<784x128xf32, #tpu.memory_space<vmem>> -> memref<8x128xf32, #tpu.memory_space<vmem>>
      %dma_wait3A_1418 = arith.constant 384 : i32
      %dma_wait3A_1419 = tpu.memref_slice %arg3[%select_n3A, %multiple_of3A_856, %dma_wait3A_1418] : memref<16x2048x2048xf32, #tpu.memory_space<hbm>> -> memref<1x8x128xf32, #tpu.memory_space<hbm>>
      %dma_wait3A_1420 = tpu.memref_squeeze %dma_wait3A_1419 : memref<1x8x128xf32, #tpu.memory_space<hbm>> -> memref<8x128xf32, #tpu.memory_space<hbm>>
      %dma_wait3A_1421 = arith.constant 384 : i32
      %dma_wait3A_1422 = tpu.memref_slice %arg3[%select_n3A, %multiple_of3A_856, %dma_wait3A_1421] : memref<16x2048x2048xf32, #tpu.memory_space<hbm>> -> memref<1x8x128xf32, #tpu.memory_space<hbm>>
      %dma_wait3A_1423 = tpu.memref_squeeze %dma_wait3A_1422 : memref<1x8x128xf32, #tpu.memory_space<hbm>> -> memref<8x128xf32, #tpu.memory_space<hbm>>
      %dma_wait3A_1424 = arith.constant 0 : i32
      %dma_wait3A_1425 = tpu.memref_slice %arg6[%multiple_of3A_853, %dma_wait3A_1424] : memref<784x128xf32, #tpu.memory_space<vmem>> -> memref<8x128xf32, #tpu.memory_space<vmem>>
      tpu.wait_dma2 semaphore(%arg7 : memref<!tpu.dma_semaphore, #tpu.memory_space<semaphore_mem>>) src(%dma_wait3A_1425 : memref<8x128xf32, #tpu.memory_space<vmem>>) dst(%dma_wait3A_1423 : memref<8x128xf32, #tpu.memory_space<hbm>>)
      %dma_wait3A_1426 = arith.constant 0 : i32
      %dma_wait3A_1427 = tpu.memref_slice %arg6[%multiple_of3A_883, %dma_wait3A_1426] : memref<784x128xf32, #tpu.memory_space<vmem>> -> memref<8x128xf32, #tpu.memory_space<vmem>>
      %dma_wait3A_1428 = arith.constant 512 : i32
      %dma_wait3A_1429 = tpu.memref_slice %arg3[%select_n3A, %multiple_of3A_886, %dma_wait3A_1428] : memref<16x2048x2048xf32, #tpu.memory_space<hbm>> -> memref<1x8x128xf32, #tpu.memory_space<hbm>>
      %dma_wait3A_1430 = tpu.memref_squeeze %dma_wait3A_1429 : memref<1x8x128xf32, #tpu.memory_space<hbm>> -> memref<8x128xf32, #tpu.memory_space<hbm>>
      %dma_wait3A_1431 = arith.constant 512 : i32
      %dma_wait3A_1432 = tpu.memref_slice %arg3[%select_n3A, %multiple_of3A_886, %dma_wait3A_1431] : memref<16x2048x2048xf32, #tpu.memory_space<hbm>> -> memref<1x8x128xf32, #tpu.memory_space<hbm>>
      %dma_wait3A_1433 = tpu.memref_squeeze %dma_wait3A_1432 : memref<1x8x128xf32, #tpu.memory_space<hbm>> -> memref<8x128xf32, #tpu.memory_space<hbm>>
      %dma_wait3A_1434 = arith.constant 0 : i32
      %dma_wait3A_1435 = tpu.memref_slice %arg6[%multiple_of3A_883, %dma_wait3A_1434] : memref<784x128xf32, #tpu.memory_space<vmem>> -> memref<8x128xf32, #tpu.memory_space<vmem>>
      tpu.wait_dma2 semaphore(%arg7 : memref<!tpu.dma_semaphore, #tpu.memory_space<semaphore_mem>>) src(%dma_wait3A_1435 : memref<8x128xf32, #tpu.memory_space<vmem>>) dst(%dma_wait3A_1433 : memref<8x128xf32, #tpu.memory_space<hbm>>)
      %dma_wait3A_1436 = arith.constant 0 : i32
      %dma_wait3A_1437 = tpu.memref_slice %arg6[%multiple_of3A_913, %dma_wait3A_1436] : memref<784x128xf32, #tpu.memory_space<vmem>> -> memref<8x128xf32, #tpu.memory_space<vmem>>
      %dma_wait3A_1438 = arith.constant 640 : i32
      %dma_wait3A_1439 = tpu.memref_slice %arg3[%select_n3A, %multiple_of3A_916, %dma_wait3A_1438] : memref<16x2048x2048xf32, #tpu.memory_space<hbm>> -> memref<1x8x128xf32, #tpu.memory_space<hbm>>
      %dma_wait3A_1440 = tpu.memref_squeeze %dma_wait3A_1439 : memref<1x8x128xf32, #tpu.memory_space<hbm>> -> memref<8x128xf32, #tpu.memory_space<hbm>>
      %dma_wait3A_1441 = arith.constant 640 : i32
      %dma_wait3A_1442 = tpu.memref_slice %arg3[%select_n3A, %multiple_of3A_916, %dma_wait3A_1441] : memref<16x2048x2048xf32, #tpu.memory_space<hbm>> -> memref<1x8x128xf32, #tpu.memory_space<hbm>>
      %dma_wait3A_1443 = tpu.memref_squeeze %dma_wait3A_1442 : memref<1x8x128xf32, #tpu.memory_space<hbm>> -> memref<8x128xf32, #tpu.memory_space<hbm>>
      %dma_wait3A_1444 = arith.constant 0 : i32
      %dma_wait3A_1445 = tpu.memref_slice %arg6[%multiple_of3A_913, %dma_wait3A_1444] : memref<784x128xf32, #tpu.memory_space<vmem>> -> memref<8x128xf32, #tpu.memory_space<vmem>>
      tpu.wait_dma2 semaphore(%arg7 : memref<!tpu.dma_semaphore, #tpu.memory_space<semaphore_mem>>) src(%dma_wait3A_1445 : memref<8x128xf32, #tpu.memory_space<vmem>>) dst(%dma_wait3A_1443 : memref<8x128xf32, #tpu.memory_space<hbm>>)
      %dma_wait3A_1446 = arith.constant 0 : i32
      %dma_wait3A_1447 = tpu.memref_slice %arg6[%multiple_of3A_943, %dma_wait3A_1446] : memref<784x128xf32, #tpu.memory_space<vmem>> -> memref<8x128xf32, #tpu.memory_space<vmem>>
      %dma_wait3A_1448 = arith.constant 768 : i32
      %dma_wait3A_1449 = tpu.memref_slice %arg3[%select_n3A, %multiple_of3A_946, %dma_wait3A_1448] : memref<16x2048x2048xf32, #tpu.memory_space<hbm>> -> memref<1x8x128xf32, #tpu.memory_space<hbm>>
      %dma_wait3A_1450 = tpu.memref_squeeze %dma_wait3A_1449 : memref<1x8x128xf32, #tpu.memory_space<hbm>> -> memref<8x128xf32, #tpu.memory_space<hbm>>
      %dma_wait3A_1451 = arith.constant 768 : i32
      %dma_wait3A_1452 = tpu.memref_slice %arg3[%select_n3A, %multiple_of3A_946, %dma_wait3A_1451] : memref<16x2048x2048xf32, #tpu.memory_space<hbm>> -> memref<1x8x128xf32, #tpu.memory_space<hbm>>
      %dma_wait3A_1453 = tpu.memref_squeeze %dma_wait3A_1452 : memref<1x8x128xf32, #tpu.memory_space<hbm>> -> memref<8x128xf32, #tpu.memory_space<hbm>>
      %dma_wait3A_1454 = arith.constant 0 : i32
      %dma_wait3A_1455 = tpu.memref_slice %arg6[%multiple_of3A_943, %dma_wait3A_1454] : memref<784x128xf32, #tpu.memory_space<vmem>> -> memref<8x128xf32, #tpu.memory_space<vmem>>
      tpu.wait_dma2 semaphore(%arg7 : memref<!tpu.dma_semaphore, #tpu.memory_space<semaphore_mem>>) src(%dma_wait3A_1455 : memref<8x128xf32, #tpu.memory_space<vmem>>) dst(%dma_wait3A_1453 : memref<8x128xf32, #tpu.memory_space<hbm>>)
      %dma_wait3A_1456 = arith.constant 0 : i32
      %dma_wait3A_1457 = tpu.memref_slice %arg6[%multiple_of3A_973, %dma_wait3A_1456] : memref<784x128xf32, #tpu.memory_space<vmem>> -> memref<8x128xf32, #tpu.memory_space<vmem>>
      %dma_wait3A_1458 = arith.constant 896 : i32
      %dma_wait3A_1459 = tpu.memref_slice %arg3[%select_n3A, %multiple_of3A_976, %dma_wait3A_1458] : memref<16x2048x2048xf32, #tpu.memory_space<hbm>> -> memref<1x8x128xf32, #tpu.memory_space<hbm>>
      %dma_wait3A_1460 = tpu.memref_squeeze %dma_wait3A_1459 : memref<1x8x128xf32, #tpu.memory_space<hbm>> -> memref<8x128xf32, #tpu.memory_space<hbm>>
      %dma_wait3A_1461 = arith.constant 896 : i32
      %dma_wait3A_1462 = tpu.memref_slice %arg3[%select_n3A, %multiple_of3A_976, %dma_wait3A_1461] : memref<16x2048x2048xf32, #tpu.memory_space<hbm>> -> memref<1x8x128xf32, #tpu.memory_space<hbm>>
      %dma_wait3A_1463 = tpu.memref_squeeze %dma_wait3A_1462 : memref<1x8x128xf32, #tpu.memory_space<hbm>> -> memref<8x128xf32, #tpu.memory_space<hbm>>
      %dma_wait3A_1464 = arith.constant 0 : i32
      %dma_wait3A_1465 = tpu.memref_slice %arg6[%multiple_of3A_973, %dma_wait3A_1464] : memref<784x128xf32, #tpu.memory_space<vmem>> -> memref<8x128xf32, #tpu.memory_space<vmem>>
      tpu.wait_dma2 semaphore(%arg7 : memref<!tpu.dma_semaphore, #tpu.memory_space<semaphore_mem>>) src(%dma_wait3A_1465 : memref<8x128xf32, #tpu.memory_space<vmem>>) dst(%dma_wait3A_1463 : memref<8x128xf32, #tpu.memory_space<hbm>>)
      %dma_wait3A_1466 = arith.constant 0 : i32
      %dma_wait3A_1467 = tpu.memref_slice %arg6[%multiple_of3A_1003, %dma_wait3A_1466] : memref<784x128xf32, #tpu.memory_space<vmem>> -> memref<8x128xf32, #tpu.memory_space<vmem>>
      %dma_wait3A_1468 = arith.constant 1024 : i32
      %dma_wait3A_1469 = tpu.memref_slice %arg3[%select_n3A, %multiple_of3A_1006, %dma_wait3A_1468] : memref<16x2048x2048xf32, #tpu.memory_space<hbm>> -> memref<1x8x128xf32, #tpu.memory_space<hbm>>
      %dma_wait3A_1470 = tpu.memref_squeeze %dma_wait3A_1469 : memref<1x8x128xf32, #tpu.memory_space<hbm>> -> memref<8x128xf32, #tpu.memory_space<hbm>>
      %dma_wait3A_1471 = arith.constant 1024 : i32
      %dma_wait3A_1472 = tpu.memref_slice %arg3[%select_n3A, %multiple_of3A_1006, %dma_wait3A_1471] : memref<16x2048x2048xf32, #tpu.memory_space<hbm>> -> memref<1x8x128xf32, #tpu.memory_space<hbm>>
      %dma_wait3A_1473 = tpu.memref_squeeze %dma_wait3A_1472 : memref<1x8x128xf32, #tpu.memory_space<hbm>> -> memref<8x128xf32, #tpu.memory_space<hbm>>
      %dma_wait3A_1474 = arith.constant 0 : i32
      %dma_wait3A_1475 = tpu.memref_slice %arg6[%multiple_of3A_1003, %dma_wait3A_1474] : memref<784x128xf32, #tpu.memory_space<vmem>> -> memref<8x128xf32, #tpu.memory_space<vmem>>
      tpu.wait_dma2 semaphore(%arg7 : memref<!tpu.dma_semaphore, #tpu.memory_space<semaphore_mem>>) src(%dma_wait3A_1475 : memref<8x128xf32, #tpu.memory_space<vmem>>) dst(%dma_wait3A_1473 : memref<8x128xf32, #tpu.memory_space<hbm>>)
      %dma_wait3A_1476 = arith.constant 0 : i32
      %dma_wait3A_1477 = tpu.memref_slice %arg6[%multiple_of3A_1033, %dma_wait3A_1476] : memref<784x128xf32, #tpu.memory_space<vmem>> -> memref<8x128xf32, #tpu.memory_space<vmem>>
      %dma_wait3A_1478 = arith.constant 1152 : i32
      %dma_wait3A_1479 = tpu.memref_slice %arg3[%select_n3A, %multiple_of3A_1036, %dma_wait3A_1478] : memref<16x2048x2048xf32, #tpu.memory_space<hbm>> -> memref<1x8x128xf32, #tpu.memory_space<hbm>>
      %dma_wait3A_1480 = tpu.memref_squeeze %dma_wait3A_1479 : memref<1x8x128xf32, #tpu.memory_space<hbm>> -> memref<8x128xf32, #tpu.memory_space<hbm>>
      %dma_wait3A_1481 = arith.constant 1152 : i32
      %dma_wait3A_1482 = tpu.memref_slice %arg3[%select_n3A, %multiple_of3A_1036, %dma_wait3A_1481] : memref<16x2048x2048xf32, #tpu.memory_space<hbm>> -> memref<1x8x128xf32, #tpu.memory_space<hbm>>
      %dma_wait3A_1483 = tpu.memref_squeeze %dma_wait3A_1482 : memref<1x8x128xf32, #tpu.memory_space<hbm>> -> memref<8x128xf32, #tpu.memory_space<hbm>>
      %dma_wait3A_1484 = arith.constant 0 : i32
      %dma_wait3A_1485 = tpu.memref_slice %arg6[%multiple_of3A_1033, %dma_wait3A_1484] : memref<784x128xf32, #tpu.memory_space<vmem>> -> memref<8x128xf32, #tpu.memory_space<vmem>>
      tpu.wait_dma2 semaphore(%arg7 : memref<!tpu.dma_semaphore, #tpu.memory_space<semaphore_mem>>) src(%dma_wait3A_1485 : memref<8x128xf32, #tpu.memory_space<vmem>>) dst(%dma_wait3A_1483 : memref<8x128xf32, #tpu.memory_space<hbm>>)
      %dma_wait3A_1486 = arith.constant 0 : i32
      %dma_wait3A_1487 = tpu.memref_slice %arg6[%multiple_of3A_1063, %dma_wait3A_1486] : memref<784x128xf32, #tpu.memory_space<vmem>> -> memref<8x128xf32, #tpu.memory_space<vmem>>
      %dma_wait3A_1488 = arith.constant 1280 : i32
      %dma_wait3A_1489 = tpu.memref_slice %arg3[%select_n3A, %multiple_of3A_1066, %dma_wait3A_1488] : memref<16x2048x2048xf32, #tpu.memory_space<hbm>> -> memref<1x8x128xf32, #tpu.memory_space<hbm>>
      %dma_wait3A_1490 = tpu.memref_squeeze %dma_wait3A_1489 : memref<1x8x128xf32, #tpu.memory_space<hbm>> -> memref<8x128xf32, #tpu.memory_space<hbm>>
      %dma_wait3A_1491 = arith.constant 1280 : i32
      %dma_wait3A_1492 = tpu.memref_slice %arg3[%select_n3A, %multiple_of3A_1066, %dma_wait3A_1491] : memref<16x2048x2048xf32, #tpu.memory_space<hbm>> -> memref<1x8x128xf32, #tpu.memory_space<hbm>>
      %dma_wait3A_1493 = tpu.memref_squeeze %dma_wait3A_1492 : memref<1x8x128xf32, #tpu.memory_space<hbm>> -> memref<8x128xf32, #tpu.memory_space<hbm>>
      %dma_wait3A_1494 = arith.constant 0 : i32
      %dma_wait3A_1495 = tpu.memref_slice %arg6[%multiple_of3A_1063, %dma_wait3A_1494] : memref<784x128xf32, #tpu.memory_space<vmem>> -> memref<8x128xf32, #tpu.memory_space<vmem>>
      tpu.wait_dma2 semaphore(%arg7 : memref<!tpu.dma_semaphore, #tpu.memory_space<semaphore_mem>>) src(%dma_wait3A_1495 : memref<8x128xf32, #tpu.memory_space<vmem>>) dst(%dma_wait3A_1493 : memref<8x128xf32, #tpu.memory_space<hbm>>)
      %dma_wait3A_1496 = arith.constant 0 : i32
      %dma_wait3A_1497 = tpu.memref_slice %arg6[%multiple_of3A_1093, %dma_wait3A_1496] : memref<784x128xf32, #tpu.memory_space<vmem>> -> memref<8x128xf32, #tpu.memory_space<vmem>>
      %dma_wait3A_1498 = arith.constant 1408 : i32
      %dma_wait3A_1499 = tpu.memref_slice %arg3[%select_n3A, %multiple_of3A_1096, %dma_wait3A_1498] : memref<16x2048x2048xf32, #tpu.memory_space<hbm>> -> memref<1x8x128xf32, #tpu.memory_space<hbm>>
      %dma_wait3A_1500 = tpu.memref_squeeze %dma_wait3A_1499 : memref<1x8x128xf32, #tpu.memory_space<hbm>> -> memref<8x128xf32, #tpu.memory_space<hbm>>
      %dma_wait3A_1501 = arith.constant 1408 : i32
      %dma_wait3A_1502 = tpu.memref_slice %arg3[%select_n3A, %multiple_of3A_1096, %dma_wait3A_1501] : memref<16x2048x2048xf32, #tpu.memory_space<hbm>> -> memref<1x8x128xf32, #tpu.memory_space<hbm>>
      %dma_wait3A_1503 = tpu.memref_squeeze %dma_wait3A_1502 : memref<1x8x128xf32, #tpu.memory_space<hbm>> -> memref<8x128xf32, #tpu.memory_space<hbm>>
      %dma_wait3A_1504 = arith.constant 0 : i32
      %dma_wait3A_1505 = tpu.memref_slice %arg6[%multiple_of3A_1093, %dma_wait3A_1504] : memref<784x128xf32, #tpu.memory_space<vmem>> -> memref<8x128xf32, #tpu.memory_space<vmem>>
      tpu.wait_dma2 semaphore(%arg7 : memref<!tpu.dma_semaphore, #tpu.memory_space<semaphore_mem>>) src(%dma_wait3A_1505 : memref<8x128xf32, #tpu.memory_space<vmem>>) dst(%dma_wait3A_1503 : memref<8x128xf32, #tpu.memory_space<hbm>>)
      %dma_wait3A_1506 = arith.constant 0 : i32
      %dma_wait3A_1507 = tpu.memref_slice %arg6[%multiple_of3A_1123, %dma_wait3A_1506] : memref<784x128xf32, #tpu.memory_space<vmem>> -> memref<8x128xf32, #tpu.memory_space<vmem>>
      %dma_wait3A_1508 = arith.constant 1536 : i32
      %dma_wait3A_1509 = tpu.memref_slice %arg3[%select_n3A, %multiple_of3A_1126, %dma_wait3A_1508] : memref<16x2048x2048xf32, #tpu.memory_space<hbm>> -> memref<1x8x128xf32, #tpu.memory_space<hbm>>
      %dma_wait3A_1510 = tpu.memref_squeeze %dma_wait3A_1509 : memref<1x8x128xf32, #tpu.memory_space<hbm>> -> memref<8x128xf32, #tpu.memory_space<hbm>>
      %dma_wait3A_1511 = arith.constant 1536 : i32
      %dma_wait3A_1512 = tpu.memref_slice %arg3[%select_n3A, %multiple_of3A_1126, %dma_wait3A_1511] : memref<16x2048x2048xf32, #tpu.memory_space<hbm>> -> memref<1x8x128xf32, #tpu.memory_space<hbm>>
      %dma_wait3A_1513 = tpu.memref_squeeze %dma_wait3A_1512 : memref<1x8x128xf32, #tpu.memory_space<hbm>> -> memref<8x128xf32, #tpu.memory_space<hbm>>
      %dma_wait3A_1514 = arith.constant 0 : i32
      %dma_wait3A_1515 = tpu.memref_slice %arg6[%multiple_of3A_1123, %dma_wait3A_1514] : memref<784x128xf32, #tpu.memory_space<vmem>> -> memref<8x128xf32, #tpu.memory_space<vmem>>
      tpu.wait_dma2 semaphore(%arg7 : memref<!tpu.dma_semaphore, #tpu.memory_space<semaphore_mem>>) src(%dma_wait3A_1515 : memref<8x128xf32, #tpu.memory_space<vmem>>) dst(%dma_wait3A_1513 : memref<8x128xf32, #tpu.memory_space<hbm>>)
      %dma_wait3A_1516 = arith.constant 0 : i32
      %dma_wait3A_1517 = tpu.memref_slice %arg6[%multiple_of3A_1153, %dma_wait3A_1516] : memref<784x128xf32, #tpu.memory_space<vmem>> -> memref<8x128xf32, #tpu.memory_space<vmem>>
      %dma_wait3A_1518 = arith.constant 1664 : i32
      %dma_wait3A_1519 = tpu.memref_slice %arg3[%select_n3A, %multiple_of3A_1156, %dma_wait3A_1518] : memref<16x2048x2048xf32, #tpu.memory_space<hbm>> -> memref<1x8x128xf32, #tpu.memory_space<hbm>>
      %dma_wait3A_1520 = tpu.memref_squeeze %dma_wait3A_1519 : memref<1x8x128xf32, #tpu.memory_space<hbm>> -> memref<8x128xf32, #tpu.memory_space<hbm>>
      %dma_wait3A_1521 = arith.constant 1664 : i32
      %dma_wait3A_1522 = tpu.memref_slice %arg3[%select_n3A, %multiple_of3A_1156, %dma_wait3A_1521] : memref<16x2048x2048xf32, #tpu.memory_space<hbm>> -> memref<1x8x128xf32, #tpu.memory_space<hbm>>
      %dma_wait3A_1523 = tpu.memref_squeeze %dma_wait3A_1522 : memref<1x8x128xf32, #tpu.memory_space<hbm>> -> memref<8x128xf32, #tpu.memory_space<hbm>>
      %dma_wait3A_1524 = arith.constant 0 : i32
      %dma_wait3A_1525 = tpu.memref_slice %arg6[%multiple_of3A_1153, %dma_wait3A_1524] : memref<784x128xf32, #tpu.memory_space<vmem>> -> memref<8x128xf32, #tpu.memory_space<vmem>>
      tpu.wait_dma2 semaphore(%arg7 : memref<!tpu.dma_semaphore, #tpu.memory_space<semaphore_mem>>) src(%dma_wait3A_1525 : memref<8x128xf32, #tpu.memory_space<vmem>>) dst(%dma_wait3A_1523 : memref<8x128xf32, #tpu.memory_space<hbm>>)
      %dma_wait3A_1526 = arith.constant 0 : i32
      %dma_wait3A_1527 = tpu.memref_slice %arg6[%multiple_of3A_1183, %dma_wait3A_1526] : memref<784x128xf32, #tpu.memory_space<vmem>> -> memref<8x128xf32, #tpu.memory_space<vmem>>
      %dma_wait3A_1528 = arith.constant 1792 : i32
      %dma_wait3A_1529 = tpu.memref_slice %arg3[%select_n3A, %multiple_of3A_1186, %dma_wait3A_1528] : memref<16x2048x2048xf32, #tpu.memory_space<hbm>> -> memref<1x8x128xf32, #tpu.memory_space<hbm>>
      %dma_wait3A_1530 = tpu.memref_squeeze %dma_wait3A_1529 : memref<1x8x128xf32, #tpu.memory_space<hbm>> -> memref<8x128xf32, #tpu.memory_space<hbm>>
      %dma_wait3A_1531 = arith.constant 1792 : i32
      %dma_wait3A_1532 = tpu.memref_slice %arg3[%select_n3A, %multiple_of3A_1186, %dma_wait3A_1531] : memref<16x2048x2048xf32, #tpu.memory_space<hbm>> -> memref<1x8x128xf32, #tpu.memory_space<hbm>>
      %dma_wait3A_1533 = tpu.memref_squeeze %dma_wait3A_1532 : memref<1x8x128xf32, #tpu.memory_space<hbm>> -> memref<8x128xf32, #tpu.memory_space<hbm>>
      %dma_wait3A_1534 = arith.constant 0 : i32
      %dma_wait3A_1535 = tpu.memref_slice %arg6[%multiple_of3A_1183, %dma_wait3A_1534] : memref<784x128xf32, #tpu.memory_space<vmem>> -> memref<8x128xf32, #tpu.memory_space<vmem>>
      tpu.wait_dma2 semaphore(%arg7 : memref<!tpu.dma_semaphore, #tpu.memory_space<semaphore_mem>>) src(%dma_wait3A_1535 : memref<8x128xf32, #tpu.memory_space<vmem>>) dst(%dma_wait3A_1533 : memref<8x128xf32, #tpu.memory_space<hbm>>)
      %dma_wait3A_1536 = arith.constant 0 : i32
      %dma_wait3A_1537 = tpu.memref_slice %arg6[%multiple_of3A_1213, %dma_wait3A_1536] : memref<784x128xf32, #tpu.memory_space<vmem>> -> memref<8x128xf32, #tpu.memory_space<vmem>>
      %dma_wait3A_1538 = arith.constant 1920 : i32
      %dma_wait3A_1539 = tpu.memref_slice %arg3[%select_n3A, %multiple_of3A_1216, %dma_wait3A_1538] : memref<16x2048x2048xf32, #tpu.memory_space<hbm>> -> memref<1x8x128xf32, #tpu.memory_space<hbm>>
      %dma_wait3A_1540 = tpu.memref_squeeze %dma_wait3A_1539 : memref<1x8x128xf32, #tpu.memory_space<hbm>> -> memref<8x128xf32, #tpu.memory_space<hbm>>
      %dma_wait3A_1541 = arith.constant 1920 : i32
      %dma_wait3A_1542 = tpu.memref_slice %arg3[%select_n3A, %multiple_of3A_1216, %dma_wait3A_1541] : memref<16x2048x2048xf32, #tpu.memory_space<hbm>> -> memref<1x8x128xf32, #tpu.memory_space<hbm>>
      %dma_wait3A_1543 = tpu.memref_squeeze %dma_wait3A_1542 : memref<1x8x128xf32, #tpu.memory_space<hbm>> -> memref<8x128xf32, #tpu.memory_space<hbm>>
      %dma_wait3A_1544 = arith.constant 0 : i32
      %dma_wait3A_1545 = tpu.memref_slice %arg6[%multiple_of3A_1213, %dma_wait3A_1544] : memref<784x128xf32, #tpu.memory_space<vmem>> -> memref<8x128xf32, #tpu.memory_space<vmem>>
      tpu.wait_dma2 semaphore(%arg7 : memref<!tpu.dma_semaphore, #tpu.memory_space<semaphore_mem>>) src(%dma_wait3A_1545 : memref<8x128xf32, #tpu.memory_space<vmem>>) dst(%dma_wait3A_1543 : memref<8x128xf32, #tpu.memory_space<hbm>>)
    }
    %scan3A_103 = arith.constant 64 : i32
    return
  }
}

</mosaic_0001>

<sc_bundles>
// kernel: kernel.3.cloned.1.call-start
scs
__scs_entry_jumppad:
0x0: {  	(pc) =	sbr.rel $0x88, $3  }
0x1: {  	(tag) =	ssettag $0x0;
	lr =	simm.s32 $0x1  }
0x2: {  	[smem:$0x3FA0] =	sst lr;
	_ =	strace $0xD0000000  }
0x3: {  	_ = 	snop  }
0x4: {  	_ = 	snop  }
0x5: {  	_ = 	snop  }
0x6: {  	_ = 	snop  }
0x7: {  	_ = 	snop  }
__scs_overlays_trampoline_lowered:
0x8: {  	[smem:$0x3FAF] =	sst s0  }
0x9: {  	[smem:$0x3FB0] =	sst s1  }
0xa: {  	[smem:$0x3FB1] =	sst s2  }
0xb: {  	[smem:$0x3FB2] =	sst s3  }
0xc: {  	[smem:$0x3FB3] =	sst s4  }
0xd: {  	[smem:$0x3FB4] =	sst s5  }
0xe: {  	[smem:$0x3FB5] =	sst s6  }
0xf: {  	[smem:$0x3FB6] =	sst s7  }
0x10: {  	[smem:$0x3FB7] =	sst s8  }
0x11: {  	[smem:$0x3FB8] =	sst s9;
	s0 =	simm.s32 @!p0 $0x0  }
0x12: {  	s1 =	sld [smem:$0x3F9E];
	s0 =	simm.s32 @p0 $0x1  }
0x13: {  	[smem:$0x3FB9] =	sst s0;
	s0 =	simm.s32 @!p1 $0x0  }
0x14: {  	s2 =	sld [smem:$0x3F9D];
	s0 =	simm.s32 @p1 $0x1  }
0x15: {  	[smem:$0x3FBA] =	sst s0;
	s0 =	simm.s32 @!p2 $0x0  }
0x16: {  	s3 =	sld [smem:$0x3FDB];
	s0 =	simm.s32 @p2 $0x1  }
0x17: {  	s4 =	simm.s32 $0x1BF5;
	[smem:$0x3FBC] =	sst s0  }
0x18: {  	s0 =	sld [smem:$0x3F9F];
	_ =	swait.ge [sflag:s4], $0x0  }
0x19: {  	s7 =	sld [smem:$0x3FA0]  }
0x1a: {  	s8 =	sadd.s32 $0xFFFFE003, lr  }
0x1b: {  	s9 =	sadd.s32 $0xFFFFFEF7, lr;
	s5 =	simm.s32 $0xFFFFFFFF;
	p2 =	slt.u32 s8, $0xFFFFF086  }
0x1c: {  	p1 =	slt.u32 s9, $0xF7A;
	s5 =	simm.s32 @!p2 $0x0  }
0x1d: {  	s5 =	simm.s32 @p1 $0x1;
	p0 =	seq.s32 s7, s2  }
0x1e: {  	s7 =	smul.u32 @!p0 $0xF7A, s2;
	p2 =	seq.s32 @!p0 s5, $0x0  }
0x1f: {  	s9 =	smul.u32 $0xF7A, s1;
	s8 =	simm.s32 @!p0 $0x1BF5;
	p2 =	por !p2, p0  }
0x20: {  	[sflag:s8] =	ssyncset.s32 @!p0 $0xFFFFF086;
	s6 =	sadd.s32 @!p0 s3, s7;
	s7 =	simm.s32 @!p0 $0x108  }
0x21: {  	s3 =	sadd.s32 s3, s9;
	s6 =	sadd.s32 @!p0 $0x88, s6;
	s7 =	simm.s32 @p2 $0x1082  }
0x22: {  	[simem:s7], [sflag:s8] =	dma.local @!p0 [hbm:s6], $0xF7A  }
0x23: {  	s9 =	sor.u32 $0xD0000000, s2;
	s6 =	simm.s32 $0x108;
	_ =	swait.ge @!p0 [sflag:s8], $0x0  }
0x24: {  	s3 =	sadd.s32 $0x88, s3;
	s6 =	simm.s32 @!p1 $0x1082;
	[sflag:s4] =	ssyncset.s32 $0xFFFFF086  }
0x25: {  	[simem:s6], [sflag:s4] =	dma.local [hbm:s3], $0xF7A  }
0x26: {  	[smem:$0x3FA0] =	sst s1;
	(tag) =	ssettag s2;
	_ =	strace s9  }
0x27: {  	s1 =	sld [smem:$0x3FB0]  }
0x28: {  	s2 =	sld [smem:$0x3FB1]  }
0x29: {  	s4 =	sld [smem:$0x3FB3]  }
0x2a: {  	p0 =	seq.s32 s5, $0x0;
	s5 =	sld [smem:$0x3FB4]  }
0x2b: {  	s6 =	sld [smem:$0x3FB5]  }
0x2c: {  	s7 =	sld [smem:$0x3FB6]  }
0x2d: {  	s3 =	simm.s32 $0x108;
	s8 =	sld [smem:$0x3FB7]  }
0x2e: {  	s3 =	simm.s32 @!p0 $0x1082;
	s9 =	sld [smem:$0x3FB8]  }
0x2f: {  	lr =	sadd.s32 s0, s3;
	s0 =	sld [smem:$0x3FAF]  }
0x30: {  	s3 =	sld [smem:$0x3FB2]  }
0x31: {  	[smem:$0x3FBB] =	sst s10  }
0x32: {  	s10 =	sld [smem:$0x3FB9];
	_ =	sdelay $0x3  }
0x33: {  	p0 =	seq.s32 s10, $0x1;
	s10 =	sld [smem:$0x3FBB];
	_ =	sdelay $0x3  }
0x34: {  	[smem:$0x3FBB] =	sst s10  }
0x35: {  	s10 =	sld [smem:$0x3FBA];
	_ =	sdelay $0x3  }
0x36: {  	p1 =	seq.s32 s10, $0x1;
	s10 =	sld [smem:$0x3FBB];
	_ =	sdelay $0x3  }
0x37: {  	[smem:$0x3FBB] =	sst s10  }
0x38: {  	s10 =	sld [smem:$0x3FBC]  }
0x39: {  	_ = 	snop;
	(pc) =	sbr.ind lr, $3  }
0x3a: {  	_ = 	snop  }
0x3b: {  	_ = 	snop  }
0x3c: {  	p2 =	seq.s32 s10, $0x1;
	s10 =	sld [smem:$0x3FBB]  }
0x3d: {  	_ =	shalt  }
0x3e: {  	_ =	shalt  }
0x3f: {  	_ =	shalt  }
0x40: {  	_ =	shalt  }
0x41: {  	_ =	shalt  }
0x42: {  	_ =	shalt  }
0x43: {  	_ =	shalt  }
0x44: {  	_ =	shalt  }
0x45: {  	_ =	shalt  }
0x46: {  	_ =	shalt  }
0x47: {  	_ =	shalt  }
0x48: {  	_ =	shalt  }
0x49: {  	_ =	shalt  }
0x4a: {  	_ =	shalt  }
0x4b: {  	_ =	shalt  }
0x4c: {  	_ =	shalt  }
0x4d: {  	_ =	shalt  }
0x4e: {  	_ =	shalt  }
0x4f: {  	_ =	shalt  }
0x50: {  	_ =	shalt  }
0x51: {  	_ =	shalt  }
0x52: {  	_ =	shalt  }
0x53: {  	_ =	shalt  }
0x54: {  	_ =	shalt  }
0x55: {  	_ =	shalt  }
0x56: {  	_ =	shalt  }
0x57: {  	_ =	shalt  }
0x58: {  	_ =	shalt  }
0x59: {  	_ =	shalt  }
0x5a: {  	_ =	shalt  }
0x5b: {  	_ =	shalt  }
0x5c: {  	_ =	shalt  }
0x5d: {  	_ =	shalt  }
0x5e: {  	_ =	shalt  }
0x5f: {  	_ =	shalt  }
0x60: {  	_ =	shalt  }
0x61: {  	_ =	shalt  }
0x62: {  	_ =	shalt  }
0x63: {  	_ =	shalt  }
0x64: {  	_ =	shalt  }
0x65: {  	_ =	shalt  }
0x66: {  	_ =	shalt  }
0x67: {  	_ =	shalt  }
0x68: {  	_ =	shalt  }
0x69: {  	_ =	shalt  }
0x6a: {  	_ =	shalt  }
0x6b: {  	_ =	shalt  }
0x6c: {  	_ =	shalt  }
0x6d: {  	_ =	shalt  }
0x6e: {  	_ =	shalt  }
0x6f: {  	_ =	shalt  }
0x70: {  	_ =	shalt  }
0x71: {  	_ =	shalt  }
0x72: {  	_ =	shalt  }
0x73: {  	_ =	shalt  }
0x74: {  	_ =	shalt  }
0x75: {  	_ =	shalt  }
0x76: {  	_ =	shalt  }
0x77: {  	_ =	shalt  }
0x78: {  	_ =	shalt  }
0x79: {  	_ =	shalt  }
0x7a: {  	_ =	shalt  }
0x7b: {  	_ =	shalt  }
0x7c: {  	_ =	shalt  }
0x7d: {  	_ =	shalt  }
0x7e: {  	_ =	shalt  }
0x7f: {  	_ =	shalt  }
0x80: {  	_ =	shalt  }
0x81: {  	_ =	shalt  }
0x82: {  	_ =	shalt  }
0x83: {  	_ =	shalt  }
0x84: {  	_ =	shalt  }
0x85: {  	_ =	shalt  }
0x86: {  	_ =	shalt  }
0x87: {  	_ =	shalt  }
.Lfunc_end0:
.L_simem_size_0:
called_computation_lowered:
.L_overlay_start_0:
0x88: {  	s2 =	sld [smem:$0x3FD9]  }
0x89: {  	s3 =	sld [smem:$0x3FFE];
	_ =	sdelay $0x1  }
0x8a: {  	s1 =	srdreg.scid  }
0x8b: {  	s0 =	sand.u32 $0x1, s1  }
0x8c: {  	s17 =	sshll.u32 s0, $0xA;
	s2 =	sadd.s32 s3, s2  }
0x8d: {  	s2 =	sadd.s32 s2, s17  }
0x8e: {  	[smem:$0x3FC7] =	sst s2  }
0x8f: {  	_ = 	snop  }
0x90: {  	s2 =	sld [smem:$0x3FD0];
	(tm) =	ssettm $0x1  }
0x91: {  	s18 =	sld [smem:$0x3FFB];
	_ =	sdelay $0x3  }
0x92: {  	_ =	strace s18  }
0x93: {  	s3 =	sld [smem:$0x3FFC];
	_ =	sdelay $0x3  }
0x94: {  	_ =	strace s3  }
0x95: {  	s3 =	sld [smem:$0x3FFD];
	_ =	sdelay $0x3  }
0x96: {  	_ =	strace s3  }
0x97: {  	_ =	strace $0x8FFFFFFF  }
0x98: {  	s19 =	sld [smem:$0x3FDB];
	_ =	sdelay $0x1  }
0x99: {  	s4 =	simm.s32 $_scs_section_size  }
0x9a: {  	s5 =	simm.s32 $_size__tile_overlayer_lowered;
	s6 =	simm.s32 $_tile_overlayer_lowered  }
0x9b: {  	s22 =	simm.s32 $0x1BFF;
	s21 =	sshll.u32 s6, $0x1;
	s3 =	sadd.s32 s4, s19  }
0x9c: {  	s7 =	simm.s32 $0x0;
	s20 =	sshll.u32 s5, $0x1;
	s5 =	sadd.s32 s21, s3  }
0x9d: {  	[timem:s7], [sflag:s22] =	dma.local [hbm:s5], s20  }
0x9e: {  	_ =	swait.ge [sflag:s22], s20  }
0x9f: {  	s4 =	ssub.s32 $0x0, s20;
	[sflag:s22] =	ssyncset.done $0x0  }
0xa0: {  	[sflag:s22] =	ssyncadd.s32 s4;
	_ =	sdelay $0x1  }
0xa1: {  	s23 =	simm.s32 $0x1B8B  }
0xa2: {  	_ =	swait.ge [sflag:s23], $0x1  }
0xa3: {  	[sflag:s23] =	ssyncset.done $0x0  }
0xa4: {  	s25 =	simm.s32 $0x1B8E;
	s24 =	sld [smem:$0x3FFE];
	[sflag:s23] =	ssyncadd.s32 $0xFFFFFFFF  }
0xa5: {  	s26 =	simm.s32 $execute0_lowered;
	[smem:$0x3FD2] =	sst s25  }
0xa6: {  	s5 =	sshll.u32 s26, $0x1;
	_ =	strace $0x80000046;
	[dreg:$0x1] =	wrdreg $0xFFFFFFFF  }
0xa7: {  	s28 =	simm.s32 $_size_execute0_lowered;
	s3 =	sadd.s32 s3, s5;
	[dreg:$0x0] =	wrdreg $0x0  }
0xa8: {  	s5 =	sshll.u32 s28, $0x1;
	[dreg:$0x2] =	wrdreg s3  }
0xa9: {  	[dreg:$0x3] =	wrdreg s5  }
0xaa: {  	[dreg:$0x4] =	wrdreg $0xC0  }
0xab: {  	_ =	task [dreg:s7], $0x5FFFF  }
0xac: {  	[dreg:$0x1] =	wrdreg $0xFFFFFFFF  }
0xad: {  	[dreg:$0x0] =	wrdreg $0x60  }
0xae: {  	[dreg:$0x2] =	wrdreg s24  }
0xaf: {  	[dreg:$0x3] =	wrdreg s2  }
0xb0: {  	[dreg:$0x4] =	wrdreg $0x9  }
0xb1: {  	_ =	task.clear_ibuf [dreg:s7], $0x5FFFF;
	_ =	strace $0x90000046  }
0xb2: {  	s29 =	simm.s32 $0x9;
	_ =	strace $0x80000048  }
0xb3: {  	_ =	swait.ge [sflag:s29], $0x1  }
0xb4: {  	[sflag:s29] =	ssyncadd.s32 $0xFFFFFFFF  }
0xb5: {  	_ =	strace $0x90000048  }
0xb6: {  	_ =	sfence  }
0xb7: {  	s30 =	sld [smem:$0x0];
	_ =	sdelay $0x2  }
0xb8: {  	s31 =	sshll.u32 s1, $0xD;
	s1 =	sshrl.u32 s1, $0x2  }
0xb9: {  	s3 =	sand.u32 $0x4000, s31;
	s1 =	sadd.s32 s1, s30  }
0xba: {  	s0 =	sor.u32 s3, s0;
	s1 =	sshll.u32 s1, $0x11  }
0xbb: {  	s0 =	sor.u32 s1, s0  }
0xbc: {  	s0 =	sadd.s32 $0x8F2B, s0  }
0xbd: {  	[sflag:s0] =	ssyncadd.remote.s32 $0x1  }
0xbe: {  	_ =	sfence.sel $0xFFFF  }
0xbf: {  	[dreg:$0x0] =	wrdreg $0xFFFFFFFF;
	(pc) =	sbr.abs _section_cstart, $3  }
0xc0: {  	[dreg:$0x1] =	wrdreg $0xFFFFFFFF  }
0xc1: {  	_ =	task.clear_ibuf [dreg:s7], $0x2FFFF;
	_ =	strace $0x9FFFFFFF  }
0xc2: {  	(tm) =	ssettm $0x7FFFFFFF  }
0xc3: {  	_ =	shalt  }
tec
execute0_lowered:
.L_overlay_start_1:
0x0: {  	(tag) =	ssettag $0x1  }
0x1: {  	s0 =	srdreg.scid;
	s2 =	simm.s32 $0x1;
	s4 =	rddreg [dreg:$0x0]  }
0x2: {  	s5 =	rddreg [dreg:$0x1];
	s3 =	sand.u32 $0x1, s0;
	s0 =	stileid.u32  }
0x3: {  	s1 =	sshll.u32 s3, $0x4;
	s6 =	sand.u32 $0x1, s0;
	s3 =	ssub.s32 $0x2, s3  }
0x4: {  	s29 =	sshll.u32 s0, $0x7;
	s1 =	sor.u32 s0, s1;
	p1 =	seq.s32 s6, $0x1  }
0x5: {  	s9 =	sshll.u32 s6, $0x15;
	s10 =	sshrl.u32 s3, $0x1;
	p0 =	seq.s32 s1, $0x0  }
0x6: {  	s30 =	sshll.u32 s6, $0x12;
	s6 =	sshll.u32 s6, $0xA;
	p0 =	por !p0, !p1  }
0x7: {  	s1 =	sshrl.u32 s1, $0x1;
	s10 =	ssub.s32 s3, s10;
	p0 =	por !p0, !p0  }
0x8: {  	s3 =	simm.s32 $0x1;
	s6 =	sxor.u32 $0x7F0, s6;
	s2 =	simm.s32 @!p0 $0x0  }
0x9: {  	s7 =	ssub.s32 s1, s2;
	s1 =	rddreg [dreg:$0x2];
	s2 =	simm.s32 $0x0  }
0xa: {  	s8 =	sshll.u32 s7, $0x6;
	[smem:$0x7FF] =	sst s2;
	s7 =	sshll.u32 s7, $0x16  }
0xb: {  	s8 =	sand.u32 $0x1FFFFFC0, s8;
	_ =	strace $0x80000047;
	s7 =	sor.u32 s9, s7  }
0xc: {  	[dreg:$0x3] =	wrdreg s30;
	s4 =	sadd.s32 s8, s4;
	s8 =	sand.u32 $0x80, s29  }
0xd: {  	s9 =	sor.u32 $0x4000, s7;
	s7 =	sshrl.u32 s7, $0x3;
	[dreg:$0x4] =	wrdreg s8  }
0xe: {  	s31 =	sshrl.u32 s9, $0x3;
	s4 =	sadd.s32 $0x400, s4;
	s7 =	sadd.s32 s7, s5  }
0xf: {  	s8 =	sadd.s32 s31, s5;
	s5 =	smax.u32 s10, $0x1;
	[dreg:$0x5] =	wrdreg s7  }
0x10: {  	v0 =	vimm.s32 $0x0;
	v1 =	vimm.s32 $0xE;
	s7 =	simm.s32 $0x2;
	[dreg:$0x6] =	wrdreg s8;
	s8 =	simm.s32 $0x0  }
.LBB2_1:
0x11: {  	[tilespmem:s2], [sflag:$0x2] =	stream.linear.gather [hbm4b:s4+s2], $0x200, $0x38;
	[tilespmem:$0x19A00] =	vst v63  }
0x12: {  	_ =	swait.ge [sflag:s7], $0x200  }
0x13: {  	[sflag:s7] =	ssyncset.done $0x0  }
0x14: {  	[sflag:s7] =	ssyncadd.s32 $0xFFFFFE00  }
0x15: {  	v2 =	vld [tilespmem:$0x0]  }
0x16: {  	v4 =	vld [tilespmem:$0x1F0];
	_ =	sdelay $0x4  }
0x17: {  	v3 =	vperm.xlane v2, v0;
	v2 =	vperm.xlane v4, v1  }
0x18: {  	s9 =	simm.s32 $0x40;
	s10 =	simm.s32 $0x0  }
.LBB2_2:
0x19: {  	p0 =	sne.s32 s9, $0x1BC0;
	[tilespmem:s10+$0x200] =	vst v3;
	s10 =	smov.u32 s9;
	s9 =	sadd.s32 $0x40, s9  }
.Ltmp0:
0x1a: {  	(pc) =	sbr.rel @p0 .LBB2_2-.Ltmp0, $2  }
0x1b: {  	_ =	sdelay $0x2  }
0x1c: {  	s10 =	sshra.s32 s10, $0x2  }
0x1d: {  	[tilespmem:s10+$0x200] =	vst v3;
	s9 =	simm.s32 $0x0  }
0x1e: {  	v3 =	vld [tilespmem:s9+$0x0];
	_ =	sdelay $0x2  }
0x1f: {  	s10 =	simm.s32 $0x10;
	s11 =	simm.s32 $0x0;
	s12 =	sand.u32 $0x1F0, s9  }
.LBB2_4:
0x20: {  	p0 =	sne.s32 s10, $0x1F0  }
0x21: {  	[tilespmem:s12+$0x900] =	vst v3;
	s11 =	sadd.s32 $0x10, s11;
	s12 =	smov.u32 s10;
	s10 =	sadd.s32 $0x10, s10  }
.Ltmp1:
0x22: {  	v3 =	vld [tilespmem:s11+$0x0];
	(pc) =	sbr.rel @p0 .LBB2_4-.Ltmp1, $2  }
0x23: {  	_ =	sdelay $0x2  }
0x24: {  	s12 =	sand.u32 $0x1F0, s12  }
0x25: {  	[tilespmem:s12+$0x900] =	vst v3;
	s10 =	simm.s32 $0x10;
	s14 =	sand.u32 $0x7F0, s9  }
.LBB2_6:
0x26: {  	p0 =	sne.s32 s10, $0x6F0;
	[tilespmem:s14+$0xB00] =	vst v2;
	s9 =	smov.u32 s10;
	s10 =	sadd.s32 $0x10, s10  }
.Ltmp2:
0x27: {  	(pc) =	sbr.rel @p0 .LBB2_6-.Ltmp2, $2  }
0x28: {  	_ =	sdelay $0x2  }
0x29: {  	s14 =	sand.u32 $0x7F0, s9  }
0x2a: {  	s10 =	simm.s32 $0x0  }
0x2b: {  	s9 =	smul.u32 $0xAAAB, s10;
	_ =	sdelay $0x1  }
0x2c: {  	s11 =	sshrl.u32 s9, $0x18  }
0x2d: {  	s9 =	smul.u32 $0x180, s11;
	_ =	sdelay $0x1  }
0x2e: {  	s12 =	ssub.s32 $0x0, s9  }
0x2f: {  	s9 =	sand.u32 $0xFFC0, s12  }
0x30: {  	s16 =	sshrl.u32 s9, $0x6  }
0x31: {  	s15 =	simm.s32 $0x1;
	s13 =	sshll.u32 s11, $0x3;
	s9 =	sshll.u32 s16, $0x7  }
0x32: {  	s15 =	smul.u32 $0xAAAB, s15;
	s9 =	ssub.s32 s9, s13  }
0x33: {  	s9 =	sadd.s32 $0x6F8, s9  }
0x34: {  	s17 =	sshrl.u32 s12, $0x3;
	s18 =	sand.u32 $0xFFFFFF80, s9;
	s9 =	sshrl.u32 s15, $0x18  }
0x35: {  	s17 =	sand.u32 $0x7, s17;
	s13 =	sadd.s32 s13, s18;
	s15 =	smul.u32 $0x180, s9  }
0x36: {  	s20 =	smul.u32 $0x6, s11;
	s12 =	sshll.u32 s12, $0x4;
	s13 =	sor.u32 s13, s17  }
0x37: {  	s19 =	sand.u32 $0x70, s12;
	s29 =	sxor.u32 $0x7, s13;
	s13 =	ssub.s32 $0x1, s15  }
0x38: {  	[tilespmem:s14+$0xB00] =	vst v2;
	s16 =	sadd.s32 s16, s20;
	s18 =	sadd.s32 s19, s29;
	s30 =	sand.u32 $0xFFC0, s13  }
0x39: {  	s14 =	simm.s32 $0x3;
	s16 =	sshll.u32 s16, $0xA;
	s11 =	sshrl.u32 s30, $0x6;
	v2 =	vld [tilespmem:s18+$0x200]  }
0x3a: {  	s17 =	sshll.u32 s17, $0x7;
	s15 =	sshll.u32 s9, $0x3;
	s31 =	sshll.u32 s11, $0x7  }
0x3b: {  	s12 =	simm.s32 $0x2;
	s16 =	sor.u32 s17, s16;
	s20 =	ssub.s32 s31, s15  }
0x3c: {  	s17 =	smul.u32 $0xAAAB, s12;
	s16 =	sor.u32 s19, s16;
	s18 =	sadd.s32 $0x6F8, s20  }
.LBB2_8:
0x3d: {  	p0 =	sne.s32 s14, $0x17FF;
	s19 =	sshrl.u32 s13, $0x3  }
0x3e: {  	s18 =	sand.u32 $0xFFFFFF80, s18;
	[tilespmem:s16+$0x1200] =	vst v2;
	s16 =	smov.u32 s12;
	s12 =	smov.u32 s14  }
0x3f: {  	s17 =	sshrl.u32 s17, $0x18;
	s19 =	sand.u32 $0x7, s19;
	s15 =	sadd.s32 s15, s18  }
0x40: {  	s13 =	sshll.u32 s13, $0x4;
	s18 =	smul.u32 $0x180, s17;
	s15 =	sor.u32 s15, s19  }
0x41: {  	s20 =	sand.u32 $0x70, s13;
	s15 =	sxor.u32 $0x7, s15  }
0x42: {  	s13 =	ssub.s32 s16, s18;
	s16 =	smul.u32 $0x6, s9;
	s15 =	sadd.s32 s20, s15  }
.Ltmp3:
0x43: {  	s9 =	smov.u32 s17;
	s18 =	sand.u32 $0xFFC0, s13;
	v2 =	vld [tilespmem:s15+$0x200];
	(pc) =	sbr.rel @p0 .LBB2_8-.Ltmp3, $4  }
0x44: {  	s15 =	sshll.u32 s9, $0x3;
	s16 =	sadd.s32 s11, s16;
	s11 =	sshrl.u32 s18, $0x6  }
0x45: {  	s19 =	sshll.u32 s19, $0x7;
	s18 =	sshll.u32 s11, $0x7;
	s16 =	sshll.u32 s16, $0xA  }
0x46: {  	s17 =	smul.u32 $0xAAAB, s14;
	s18 =	ssub.s32 s18, s15;
	s16 =	sor.u32 s19, s16  }
0x47: {  	s14 =	sadd.s32 $0x1, s14;
	s18 =	sadd.s32 $0x6F8, s18;
	s16 =	sor.u32 s20, s16  }
0x48: {  	s14 =	sshrl.u32 s17, $0x18  }
0x49: {  	s17 =	smul.u32 $0x180, s14  }
0x4a: {  	s19 =	sshrl.u32 s13, $0x3;
	s18 =	sand.u32 $0xFFFFFF80, s18  }
0x4b: {  	s30 =	sshll.u32 s13, $0x4;
	s9 =	smul.u32 $0x6, s9;
	s12 =	ssub.s32 s12, s17  }
0x4c: {  	s19 =	sand.u32 $0x7, s19;
	s15 =	sadd.s32 s15, s18;
	s17 =	sand.u32 $0xFFC0, s12  }
0x4d: {  	s13 =	sand.u32 $0x70, s30;
	s15 =	sor.u32 s15, s19;
	s17 =	sshrl.u32 s17, $0x6  }
0x4e: {  	s31 =	sshll.u32 s14, $0x3;
	s15 =	sxor.u32 $0x7, s15;
	s20 =	sshll.u32 s17, $0x7  }
0x4f: {  	[tilespmem:s16+$0x1200] =	vst v2;
	s15 =	sadd.s32 s13, s15;
	s21 =	ssub.s32 s20, s31  }
0x50: {  	s9 =	sadd.s32 s11, s9;
	v2 =	vld [tilespmem:s15+$0x200];
	s22 =	sadd.s32 $0x6F8, s21  }
0x51: {  	s24 =	sshll.u32 s19, $0x7;
	s23 =	sshrl.u32 s12, $0x3;
	s11 =	sand.u32 $0xFFFFFF80, s22  }
0x52: {  	s9 =	sshll.u32 s9, $0xA;
	s15 =	sand.u32 $0x7, s23;
	s11 =	sadd.s32 s31, s11  }
0x53: {  	s9 =	sor.u32 s24, s9;
	s12 =	sshll.u32 s12, $0x4;
	s11 =	sor.u32 s11, s15  }
0x54: {  	s9 =	sor.u32 s13, s9;
	s12 =	sand.u32 $0x70, s12;
	s11 =	sxor.u32 $0x7, s11  }
0x55: {  	s26 =	smul.u32 $0x6, s14;
	[tilespmem:s9+$0x1200] =	vst v2;
	s25 =	sadd.s32 s12, s11  }
0x56: {  	v2 =	vld [tilespmem:s25+$0x200]  }
0x57: {  	s28 =	sadd.s32 s17, s26  }
0x58: {  	s29 =	sshll.u32 s15, $0x7;
	s9 =	sshll.u32 s28, $0xA  }
0x59: {  	s9 =	sor.u32 s29, s9  }
0x5a: {  	s9 =	sor.u32 s12, s9  }
0x5b: {  	[tilespmem:s9+$0x1200] =	vst v2  }
0x5c: {  	v2 =	vld [tilespmem:$0x200];
	_ =	sdelay $0x1  }
0x5d: {  	s30 =	sand.u32 $0xE00, s10  }
0x5e: {  	s31 =	sand.u32 $0x70, s10;
	s9 =	sshrl.u32 s30, $0x2  }
0x5f: {  	s9 =	sor.u32 s31, s9  }
0x60: {  	s11 =	simm.s32 $0x40;
	[tilespmem:s9+$0x19200] =	vst v2  }
.LBB2_10:
0x61: {  	v2 =	vld [tilespmem:$0x200];
	p0 =	sne.s32 s11, $0xFC0;
	s9 =	smov.u32 s11;
	s11 =	sadd.s32 $0x40, s11  }
.Ltmp4:
0x62: {  	(pc) =	sbr.rel @p0 .LBB2_10-.Ltmp4, $4  }
0x63: {  	s10 =	sadd.s32 $0x10, s10;
	s9 =	sand.u32 $0xE00, s9  }
0x64: {  	s12 =	sand.u32 $0x70, s10;
	s9 =	sshrl.u32 s9, $0x2  }
0x65: {  	s9 =	sor.u32 s12, s9  }
0x66: {  	[tilespmem:s9+$0x19200] =	vst v2;
	s9 =	simm.s32 $0x0  }
0x67: {  	v2 =	vld [tilespmem:$0x11F0];
	_ =	sdelay $0x1  }
0x68: {  	s10 =	sand.u32 $0xE00, s9  }
0x69: {  	s11 =	sand.u32 $0x70, s9;
	s10 =	sshrl.u32 s10, $0x2  }
0x6a: {  	s11 =	sor.u32 s11, s10  }
0x6b: {  	s10 =	simm.s32 $0x40;
	[tilespmem:s11+$0x19600] =	vst v2;
	s11 =	simm.s32 $0x0  }
.LBB2_12:
0x6c: {  	v2 =	vld [tilespmem:$0x11F0];
	p0 =	sne.s32 s10, $0xFC0;
	s12 =	smov.u32 s10;
	s10 =	sadd.s32 $0x40, s10  }
.Ltmp5:
0x6d: {  	(pc) =	sbr.rel @p0 .LBB2_12-.Ltmp5, $4  }
0x6e: {  	s11 =	sadd.s32 $0x10, s11;
	s12 =	sand.u32 $0xE00, s12  }
0x6f: {  	s13 =	sand.u32 $0x70, s11;
	s12 =	sshrl.u32 s12, $0x2  }
0x70: {  	s12 =	sor.u32 s13, s12  }
0x71: {  	[tilespmem:s12+$0x19600] =	vst v2  }
0x72: {  	s10 =	simm.s32 $0xE;
	s11 =	smov.u32 s6;
	s12 =	simm.s32 $0x0  }
.LBB2_14:
0x73: {  	s13 =	rddreg [dreg:$0x4];
	s15 =	sand.u32 $0xE, s9  }
0x74: {  	s14 =	rddreg [dreg:$0x3];
	s15 =	sxor.u32 $0xF, s15;
	s16 =	sadd.s32 s9, s13  }
0x75: {  	s13 =	sadd.s32 s12, s14;
	s17 =	sshll.u32 s15, $0xB;
	s16 =	sadd.s32 s15, s16  }
0x76: {  	s14 =	sadd.s32 s17, s13;
	s16 =	sshll.u32 s16, $0x3  }
0x77: {  	s16 =	ssub.s32 $0x7F8, s16;
	p0 =	sne.s32 s14, $0x7F800;
	s14 =	simm.s32 $0x1  }
0x78: {  	s17 =	sshra.s32 s16, $0x1F;
	s14 =	simm.s32 @!p0 $0x0  }
0x79: {  	s18 =	sand.u32 $0x70, s16;
	s14 =	sor.u32 s14, s17  }
0x7a: {  	p1 =	sne.s32 s18, $0x0;
	p4 =	sne.s32 s14, $0x1  }
0x7b: {  	s18 =	sshrl.u32 s17, $0x19;
	p0 =	por !p1, !p4  }
0x7c: {  	s14 =	sadd.s32 s18, s16;
	s16 =	simm.s32 $0x1;
	p0 =	por !p0, !p0  }
0x7d: {  	s15 =	smul.u32 $0x6, s15;
	s14 =	sshra.s32 s14, $0x7;
	s16 =	simm.s32 @!p0 $0x0  }
0x7e: {  	s14 =	ssub.s32 s14, s16  }
0x7f: {  	s15 =	sadd.s32 s15, s14  }
0x80: {  	s15 =	sshll.u32 s15, $0xA  }
0x81: {  	p0 =	sgt.s32 s14, $0x12;
	s17 =	sadd.s32 $0xFFFFCC00, s15  }
0x82: {  	p1 =	slt.s32 s14, $0xD;
	s17 =	simm.s32 @p0 $0x18400  }
0x83: {  	s19 =	rddreg [dreg:$0x5];
	s17 =	simm.s32 @p1 $0x18000  }
0x84: {  	s16 =	sadd.s32 s12, s19;
	s17 =	sadd.s32 $0x1200, s17  }
0x85: {  	[hbm4b:s16+s2] =	stream.linear.scatter [tilespmem:s17], [sflag:$0x1], $0x400, $0x38;
	[tilespmem:$0x19A00] =	vst v63  }
0x86: {  	p0 =	sgt.s32 s14, $0x11;
	s17 =	sadd.s32 $0xFFFFD000, s15  }
0x87: {  	p1 =	slt.s32 s14, $0xC;
	s17 =	simm.s32 @p0 $0x18400  }
0x88: {  	s17 =	simm.s32 @p1 $0x18000  }
0x89: {  	s20 =	sadd.s32 $0x80, s16;
	s17 =	sadd.s32 $0x1200, s17  }
0x8a: {  	[hbm4b:s20+s2] =	stream.linear.scatter [tilespmem:s17], [sflag:$0x1], $0x400, $0x38;
	[tilespmem:$0x19A00] =	vst v63  }
0x8b: {  	p0 =	sgt.s32 s14, $0x10;
	s17 =	sadd.s32 $0xFFFFD400, s15  }
0x8c: {  	p1 =	slt.s32 s14, $0xB;
	s17 =	simm.s32 @p0 $0x18400  }
0x8d: {  	s17 =	simm.s32 @p1 $0x18000  }
0x8e: {  	s21 =	sadd.s32 $0x100, s16;
	s17 =	sadd.s32 $0x1200, s17  }
0x8f: {  	[hbm4b:s21+s2] =	stream.linear.scatter [tilespmem:s17], [sflag:$0x1], $0x400, $0x38;
	[tilespmem:$0x19A00] =	vst v63  }
0x90: {  	p0 =	sgt.s32 s14, $0xF;
	s17 =	sadd.s32 $0xFFFFD800, s15  }
0x91: {  	p1 =	slt.s32 s14, $0xA;
	s17 =	simm.s32 @p0 $0x18400  }
0x92: {  	s17 =	simm.s32 @p1 $0x18000  }
0x93: {  	s22 =	sadd.s32 $0x180, s16;
	s17 =	sadd.s32 $0x1200, s17  }
0x94: {  	[hbm4b:s22+s2] =	stream.linear.scatter [tilespmem:s17], [sflag:$0x1], $0x400, $0x38;
	[tilespmem:$0x19A00] =	vst v63  }
0x95: {  	p0 =	sgt.s32 s14, $0xE;
	s17 =	sadd.s32 $0xFFFFDC00, s15  }
0x96: {  	p1 =	slt.s32 s14, $0x9;
	s17 =	simm.s32 @p0 $0x18400  }
0x97: {  	s17 =	simm.s32 @p1 $0x18000  }
0x98: {  	s23 =	sadd.s32 $0x200, s16;
	s17 =	sadd.s32 $0x1200, s17  }
0x99: {  	[hbm4b:s23+s2] =	stream.linear.scatter [tilespmem:s17], [sflag:$0x1], $0x400, $0x38;
	[tilespmem:$0x19A00] =	vst v63  }
0x9a: {  	p0 =	sgt.s32 s14, $0xD;
	s17 =	sadd.s32 $0xFFFFE000, s15  }
0x9b: {  	p1 =	slt.s32 s14, $0x8;
	s17 =	simm.s32 @p0 $0x18400  }
0x9c: {  	s17 =	simm.s32 @p1 $0x18000  }
0x9d: {  	s24 =	sadd.s32 $0x280, s16;
	s17 =	sadd.s32 $0x1200, s17  }
0x9e: {  	[hbm4b:s24+s2] =	stream.linear.scatter [tilespmem:s17], [sflag:$0x1], $0x400, $0x38;
	[tilespmem:$0x19A00] =	vst v63  }
0x9f: {  	p0 =	sgt.s32 s14, $0xC;
	s17 =	sadd.s32 $0xFFFFE400, s15  }
0xa0: {  	p1 =	slt.s32 s14, $0x7;
	s17 =	simm.s32 @p0 $0x18400  }
0xa1: {  	s17 =	simm.s32 @p1 $0x18000  }
0xa2: {  	s25 =	sadd.s32 $0x300, s16;
	s17 =	sadd.s32 $0x1200, s17  }
0xa3: {  	[hbm4b:s25+s2] =	stream.linear.scatter [tilespmem:s17], [sflag:$0x1], $0x400, $0x38;
	[tilespmem:$0x19A00] =	vst v63  }
0xa4: {  	p0 =	sgt.s32 s14, $0xB;
	s17 =	sadd.s32 $0xFFFFE800, s15  }
0xa5: {  	p1 =	slt.s32 s14, $0x6;
	s17 =	simm.s32 @p0 $0x18400  }
0xa6: {  	s17 =	simm.s32 @p1 $0x18000  }
0xa7: {  	s26 =	sadd.s32 $0x380, s16;
	s17 =	sadd.s32 $0x1200, s17  }
0xa8: {  	[hbm4b:s26+s2] =	stream.linear.scatter [tilespmem:s17], [sflag:$0x1], $0x400, $0x38;
	[tilespmem:$0x19A00] =	vst v63  }
0xa9: {  	p0 =	sgt.s32 s14, $0xA;
	s17 =	sadd.s32 $0xFFFFEC00, s15  }
0xaa: {  	p1 =	slt.s32 s14, $0x5;
	s17 =	simm.s32 @p0 $0x18400  }
0xab: {  	s17 =	simm.s32 @p1 $0x18000  }
0xac: {  	s28 =	sadd.s32 $0x400, s16;
	s17 =	sadd.s32 $0x1200, s17  }
0xad: {  	[hbm4b:s28+s2] =	stream.linear.scatter [tilespmem:s17], [sflag:$0x1], $0x400, $0x38;
	[tilespmem:$0x19A00] =	vst v63  }
0xae: {  	p0 =	sgt.s32 s14, $0x9;
	s17 =	sadd.s32 $0xFFFFF000, s15  }
0xaf: {  	p1 =	slt.s32 s14, $0x4;
	s17 =	simm.s32 @p0 $0x18400  }
0xb0: {  	s17 =	simm.s32 @p1 $0x18000  }
0xb1: {  	s29 =	sadd.s32 $0x480, s16;
	s17 =	sadd.s32 $0x1200, s17  }
0xb2: {  	[hbm4b:s29+s2] =	stream.linear.scatter [tilespmem:s17], [sflag:$0x1], $0x400, $0x38;
	[tilespmem:$0x19A00] =	vst v63  }
0xb3: {  	p0 =	sgt.s32 s14, $0x8;
	s17 =	sadd.s32 $0xFFFFF400, s15  }
0xb4: {  	p1 =	slt.s32 s14, $0x3;
	s17 =	simm.s32 @p0 $0x18400  }
0xb5: {  	s17 =	simm.s32 @p1 $0x18000  }
0xb6: {  	s30 =	sadd.s32 $0x500, s16;
	s17 =	sadd.s32 $0x1200, s17  }
0xb7: {  	[hbm4b:s30+s2] =	stream.linear.scatter [tilespmem:s17], [sflag:$0x1], $0x400, $0x38;
	[tilespmem:$0x19A00] =	vst v63  }
0xb8: {  	p0 =	sgt.s32 s14, $0x7;
	s17 =	sadd.s32 $0xFFFFF800, s15  }
0xb9: {  	p1 =	slt.s32 s14, $0x2;
	s17 =	simm.s32 @p0 $0x18400  }
0xba: {  	s17 =	simm.s32 @p1 $0x18000  }
0xbb: {  	s31 =	sadd.s32 $0x580, s16;
	s17 =	sadd.s32 $0x1200, s17  }
0xbc: {  	[hbm4b:s31+s2] =	stream.linear.scatter [tilespmem:s17], [sflag:$0x1], $0x400, $0x38;
	[tilespmem:$0x19A00] =	vst v63  }
0xbd: {  	p0 =	sgt.s32 s14, $0x6;
	s17 =	sadd.s32 $0xFFFFFC00, s15  }
0xbe: {  	p1 =	slt.s32 s14, $0x1;
	s17 =	simm.s32 @p0 $0x18400  }
0xbf: {  	s19 =	sadd.s32 $0x600, s16;
	s17 =	simm.s32 @p1 $0x18000  }
0xc0: {  	s20 =	sadd.s32 $0x680, s16;
	s21 =	sshrl.u32 s10, $0x1;
	s17 =	sadd.s32 $0x1200, s17  }
0xc1: {  	[hbm4b:s19+s2] =	stream.linear.scatter [tilespmem:s17], [sflag:$0x1], $0x400, $0x38;
	[tilespmem:$0x19A00] =	vst v63  }
0xc2: {  	s22 =	sand.u32 $0x7, s21;
	p0 =	sgt.s32 s14, $0x5;
	s17 =	smov.u32 s15  }
0xc3: {  	s18 =	sshll.u32 s22, $0xC;
	p1 =	slt.s32 s14, $0x0;
	s17 =	simm.s32 @p0 $0x18400  }
0xc4: {  	s13 =	sadd.s32 s13, s18;
	s23 =	sshll.u32 s22, $0x4;
	s17 =	simm.s32 @p1 $0x18000  }
0xc5: {  	s19 =	sadd.s32 $0x700, s16;
	s16 =	sadd.s32 $0x780, s16;
	s17 =	sadd.s32 $0x1200, s17  }
0xc6: {  	[hbm4b:s20+s2] =	stream.linear.scatter [tilespmem:s17], [sflag:$0x1], $0x400, $0x38;
	[tilespmem:$0x19A00] =	vst v63  }
0xc7: {  	p0 =	sgt.s32 s14, $0x4;
	p1 =	slt.s32 s14, $0xFFFFFFFF;
	s17 =	sadd.s32 $0x400, s15  }
0xc8: {  	s15 =	sadd.s32 $0x800, s15;
	s17 =	simm.s32 @p0 $0x18400;
	p0 =	sgt.s32 s14, $0x3  }
0xc9: {  	s17 =	simm.s32 @p1 $0x18000;
	p1 =	slt.s32 s14, $0xFFFFFFFE;
	s15 =	simm.s32 @p0 $0x18400  }
0xca: {  	s14 =	ssub.s32 s11, s23;
	p0 =	sne.s32 s13, $0x7F000;
	s13 =	simm.s32 $0x1  }
0xcb: {  	s17 =	sadd.s32 $0x1200, s17;
	s24 =	sshra.s32 s14, $0x1F;
	s13 =	simm.s32 @!p0 $0x0  }
0xcc: {  	[hbm4b:s19+s2] =	stream.linear.scatter [tilespmem:s17], [sflag:$0x1], $0x400, $0x38;
	[tilespmem:$0x19A00] =	vst v63  }
0xcd: {  	s15 =	simm.s32 @p1 $0x18000;
	s25 =	sand.u32 $0x70, s14;
	s13 =	sor.u32 s13, s24  }
0xce: {  	s15 =	sadd.s32 $0x1200, s15;
	p6 =	sne.s32 s25, $0x0;
	p5 =	sne.s32 s13, $0x1  }
0xcf: {  	[hbm4b:s16+s2] =	stream.linear.scatter [tilespmem:s15], [sflag:$0x1], $0x400, $0x38;
	[tilespmem:$0x19A00] =	vst v63  }
0xd0: {  	s26 =	sand.u32 $0xE, s10;
	s15 =	sshrl.u32 s24, $0x19;
	p0 =	por !p6, !p5  }
0xd1: {  	s14 =	sadd.s32 s15, s14;
	p0 =	por !p0, !p0;
	s15 =	simm.s32 $0x1  }
0xd2: {  	s28 =	smul.u32 $0x6, s26;
	s14 =	sshra.s32 s14, $0x7;
	s15 =	simm.s32 @!p0 $0x0  }
0xd3: {  	s13 =	ssub.s32 s14, s15  }
0xd4: {  	s14 =	sadd.s32 s28, s13  }
0xd5: {  	s14 =	sshll.u32 s14, $0xA  }
0xd6: {  	p0 =	sgt.s32 s13, $0x12;
	s16 =	sadd.s32 $0xFFFFCC00, s14  }
0xd7: {  	p1 =	slt.s32 s13, $0xD;
	s16 =	simm.s32 @p0 $0x18400  }
0xd8: {  	s29 =	rddreg [dreg:$0x6];
	s16 =	simm.s32 @p1 $0x18000  }
0xd9: {  	s15 =	sadd.s32 s12, s29;
	s16 =	sadd.s32 $0x1200, s16  }
0xda: {  	[hbm4b:s15+s2] =	stream.linear.scatter [tilespmem:s16], [sflag:$0x1], $0x400, $0x38;
	[tilespmem:$0x19A00] =	vst v63  }
0xdb: {  	p0 =	sgt.s32 s13, $0x11;
	s16 =	sadd.s32 $0xFFFFD000, s14  }
0xdc: {  	p1 =	slt.s32 s13, $0xC;
	s16 =	simm.s32 @p0 $0x18400  }
0xdd: {  	s16 =	simm.s32 @p1 $0x18000  }
0xde: {  	s30 =	sadd.s32 $0x80, s15;
	s16 =	sadd.s32 $0x1200, s16  }
0xdf: {  	[hbm4b:s30+s2] =	stream.linear.scatter [tilespmem:s16], [sflag:$0x1], $0x400, $0x38;
	[tilespmem:$0x19A00] =	vst v63  }
0xe0: {  	p0 =	sgt.s32 s13, $0x10;
	s16 =	sadd.s32 $0xFFFFD400, s14  }
0xe1: {  	p1 =	slt.s32 s13, $0xB;
	s16 =	simm.s32 @p0 $0x18400  }
0xe2: {  	s16 =	simm.s32 @p1 $0x18000  }
0xe3: {  	s31 =	sadd.s32 $0x100, s15;
	s16 =	sadd.s32 $0x1200, s16  }
0xe4: {  	[hbm4b:s31+s2] =	stream.linear.scatter [tilespmem:s16], [sflag:$0x1], $0x400, $0x38;
	[tilespmem:$0x19A00] =	vst v63  }
0xe5: {  	p0 =	sgt.s32 s13, $0xF;
	s16 =	sadd.s32 $0xFFFFD800, s14  }
0xe6: {  	p1 =	slt.s32 s13, $0xA;
	s16 =	simm.s32 @p0 $0x18400  }
0xe7: {  	s16 =	simm.s32 @p1 $0x18000  }
0xe8: {  	s18 =	sadd.s32 $0x180, s15;
	s16 =	sadd.s32 $0x1200, s16  }
0xe9: {  	[hbm4b:s18+s2] =	stream.linear.scatter [tilespmem:s16], [sflag:$0x1], $0x400, $0x38;
	[tilespmem:$0x19A00] =	vst v63  }
0xea: {  	p0 =	sgt.s32 s13, $0xE;
	s16 =	sadd.s32 $0xFFFFDC00, s14  }
0xeb: {  	p1 =	slt.s32 s13, $0x9;
	s16 =	simm.s32 @p0 $0x18400  }
0xec: {  	s16 =	simm.s32 @p1 $0x18000  }
0xed: {  	s19 =	sadd.s32 $0x200, s15;
	s16 =	sadd.s32 $0x1200, s16  }
0xee: {  	[hbm4b:s19+s2] =	stream.linear.scatter [tilespmem:s16], [sflag:$0x1], $0x400, $0x38;
	[tilespmem:$0x19A00] =	vst v63  }
0xef: {  	p0 =	sgt.s32 s13, $0xD;
	s16 =	sadd.s32 $0xFFFFE000, s14  }
0xf0: {  	p1 =	slt.s32 s13, $0x8;
	s16 =	simm.s32 @p0 $0x18400  }
0xf1: {  	s16 =	simm.s32 @p1 $0x18000  }
0xf2: {  	s20 =	sadd.s32 $0x280, s15;
	s16 =	sadd.s32 $0x1200, s16  }
0xf3: {  	[hbm4b:s20+s2] =	stream.linear.scatter [tilespmem:s16], [sflag:$0x1], $0x400, $0x38;
	[tilespmem:$0x19A00] =	vst v63  }
0xf4: {  	p0 =	sgt.s32 s13, $0xC;
	s16 =	sadd.s32 $0xFFFFE400, s14  }
0xf5: {  	p1 =	slt.s32 s13, $0x7;
	s16 =	simm.s32 @p0 $0x18400  }
0xf6: {  	s16 =	simm.s32 @p1 $0x18000  }
0xf7: {  	s21 =	sadd.s32 $0x300, s15;
	s16 =	sadd.s32 $0x1200, s16  }
0xf8: {  	[hbm4b:s21+s2] =	stream.linear.scatter [tilespmem:s16], [sflag:$0x1], $0x400, $0x38;
	[tilespmem:$0x19A00] =	vst v63  }
0xf9: {  	p0 =	sgt.s32 s13, $0xB;
	s16 =	sadd.s32 $0xFFFFE800, s14  }
0xfa: {  	p1 =	slt.s32 s13, $0x6;
	s16 =	simm.s32 @p0 $0x18400  }
0xfb: {  	s16 =	simm.s32 @p1 $0x18000  }
0xfc: {  	s22 =	sadd.s32 $0x380, s15;
	s16 =	sadd.s32 $0x1200, s16  }
0xfd: {  	[hbm4b:s22+s2] =	stream.linear.scatter [tilespmem:s16], [sflag:$0x1], $0x400, $0x38;
	[tilespmem:$0x19A00] =	vst v63  }
0xfe: {  	p0 =	sgt.s32 s13, $0xA;
	s16 =	sadd.s32 $0xFFFFEC00, s14  }
0xff: {  	p1 =	slt.s32 s13, $0x5;
	s16 =	simm.s32 @p0 $0x18400  }
0x100: {  	s16 =	simm.s32 @p1 $0x18000  }
0x101: {  	s23 =	sadd.s32 $0x400, s15;
	s16 =	sadd.s32 $0x1200, s16  }
0x102: {  	[hbm4b:s23+s2] =	stream.linear.scatter [tilespmem:s16], [sflag:$0x1], $0x400, $0x38;
	[tilespmem:$0x19A00] =	vst v63  }
0x103: {  	p0 =	sgt.s32 s13, $0x9;
	s16 =	sadd.s32 $0xFFFFF000, s14  }
0x104: {  	p1 =	slt.s32 s13, $0x4;
	s16 =	simm.s32 @p0 $0x18400  }
0x105: {  	s16 =	simm.s32 @p1 $0x18000  }
0x106: {  	s24 =	sadd.s32 $0x480, s15;
	s16 =	sadd.s32 $0x1200, s16  }
0x107: {  	[hbm4b:s24+s2] =	stream.linear.scatter [tilespmem:s16], [sflag:$0x1], $0x400, $0x38;
	[tilespmem:$0x19A00] =	vst v63  }
0x108: {  	p0 =	sgt.s32 s13, $0x8;
	s16 =	sadd.s32 $0xFFFFF400, s14  }
0x109: {  	p1 =	slt.s32 s13, $0x3;
	s16 =	simm.s32 @p0 $0x18400  }
0x10a: {  	s16 =	simm.s32 @p1 $0x18000  }
0x10b: {  	s25 =	sadd.s32 $0x500, s15;
	s16 =	sadd.s32 $0x1200, s16  }
0x10c: {  	[hbm4b:s25+s2] =	stream.linear.scatter [tilespmem:s16], [sflag:$0x1], $0x400, $0x38;
	[tilespmem:$0x19A00] =	vst v63  }
0x10d: {  	p0 =	sgt.s32 s13, $0x7;
	s16 =	sadd.s32 $0xFFFFF800, s14  }
0x10e: {  	p1 =	slt.s32 s13, $0x2;
	s16 =	simm.s32 @p0 $0x18400  }
0x10f: {  	s16 =	simm.s32 @p1 $0x18000  }
0x110: {  	s26 =	sadd.s32 $0x580, s15;
	s16 =	sadd.s32 $0x1200, s16  }
0x111: {  	[hbm4b:s26+s2] =	stream.linear.scatter [tilespmem:s16], [sflag:$0x1], $0x400, $0x38;
	[tilespmem:$0x19A00] =	vst v63  }
0x112: {  	p0 =	sgt.s32 s13, $0x6;
	s16 =	sadd.s32 $0xFFFFFC00, s14  }
0x113: {  	p1 =	slt.s32 s13, $0x1;
	s16 =	simm.s32 @p0 $0x18400  }
0x114: {  	s16 =	simm.s32 @p1 $0x18000  }
0x115: {  	s28 =	sadd.s32 $0x600, s15;
	s16 =	sadd.s32 $0x1200, s16  }
0x116: {  	[hbm4b:s28+s2] =	stream.linear.scatter [tilespmem:s16], [sflag:$0x1], $0x400, $0x38;
	[tilespmem:$0x19A00] =	vst v63  }
0x117: {  	p0 =	sgt.s32 s13, $0x5;
	s16 =	smov.u32 s14  }
0x118: {  	p1 =	slt.s32 s13, $0x0;
	s16 =	simm.s32 @p0 $0x18400  }
0x119: {  	s16 =	simm.s32 @p1 $0x18000  }
0x11a: {  	s29 =	sadd.s32 $0x680, s15;
	s16 =	sadd.s32 $0x1200, s16  }
0x11b: {  	[hbm4b:s29+s2] =	stream.linear.scatter [tilespmem:s16], [sflag:$0x1], $0x400, $0x38;
	[tilespmem:$0x19A00] =	vst v63  }
0x11c: {  	p0 =	sgt.s32 s13, $0x4;
	p1 =	slt.s32 s13, $0xFFFFFFFF;
	s16 =	sadd.s32 $0x400, s14  }
0x11d: {  	s14 =	sadd.s32 $0x800, s14;
	s16 =	simm.s32 @p0 $0x18400;
	p0 =	sgt.s32 s13, $0x3  }
0x11e: {  	s16 =	simm.s32 @p1 $0x18000;
	p1 =	slt.s32 s13, $0xFFFFFFFE;
	s14 =	simm.s32 @p0 $0x18400  }
0x11f: {  	s30 =	sadd.s32 $0x700, s15;
	s16 =	sadd.s32 $0x1200, s16;
	s14 =	simm.s32 @p1 $0x18000  }
0x120: {  	[hbm4b:s30+s2] =	stream.linear.scatter [tilespmem:s16], [sflag:$0x1], $0x400, $0x38;
	[tilespmem:$0x19A00] =	vst v63  }
0x121: {  	s31 =	sadd.s32 $0x780, s15;
	s14 =	sadd.s32 $0x1200, s14  }
0x122: {  	[hbm4b:s31+s2] =	stream.linear.scatter [tilespmem:s14], [sflag:$0x1], $0x400, $0x38;
	[tilespmem:$0x19A00] =	vst v63  }
0x123: {  	_ =	swait.ge [sflag:s3], $0x400  }
0x124: {  	[sflag:s3] =	ssyncset.done $0x0  }
0x125: {  	[sflag:s3] =	ssyncadd.s32 $0xFFFFFC00  }
0x126: {  	_ =	swait.ge [sflag:s3], $0x400  }
0x127: {  	[sflag:s3] =	ssyncset.done $0x0  }
0x128: {  	[sflag:s3] =	ssyncadd.s32 $0xFFFFFC00  }
0x129: {  	_ =	swait.ge [sflag:s3], $0x400  }
0x12a: {  	[sflag:s3] =	ssyncset.done $0x0  }
0x12b: {  	[sflag:s3] =	ssyncadd.s32 $0xFFFFFC00  }
0x12c: {  	_ =	swait.ge [sflag:s3], $0x400  }
0x12d: {  	[sflag:s3] =	ssyncset.done $0x0  }
0x12e: {  	[sflag:s3] =	ssyncadd.s32 $0xFFFFFC00  }
0x12f: {  	_ =	swait.ge [sflag:s3], $0x400  }
0x130: {  	[sflag:s3] =	ssyncset.done $0x0  }
0x131: {  	[sflag:s3] =	ssyncadd.s32 $0xFFFFFC00  }
0x132: {  	_ =	swait.ge [sflag:s3], $0x400  }
0x133: {  	[sflag:s3] =	ssyncset.done $0x0  }
0x134: {  	[sflag:s3] =	ssyncadd.s32 $0xFFFFFC00  }
0x135: {  	_ =	swait.ge [sflag:s3], $0x400  }
0x136: {  	[sflag:s3] =	ssyncset.done $0x0  }
0x137: {  	[sflag:s3] =	ssyncadd.s32 $0xFFFFFC00  }
0x138: {  	_ =	swait.ge [sflag:s3], $0x400  }
0x139: {  	[sflag:s3] =	ssyncset.done $0x0  }
0x13a: {  	[sflag:s3] =	ssyncadd.s32 $0xFFFFFC00  }
0x13b: {  	_ =	swait.ge [sflag:s3], $0x400  }
0x13c: {  	[sflag:s3] =	ssyncset.done $0x0  }
0x13d: {  	[sflag:s3] =	ssyncadd.s32 $0xFFFFFC00  }
0x13e: {  	_ =	swait.ge [sflag:s3], $0x400  }
0x13f: {  	[sflag:s3] =	ssyncset.done $0x0  }
0x140: {  	[sflag:s3] =	ssyncadd.s32 $0xFFFFFC00  }
0x141: {  	_ =	swait.ge [sflag:s3], $0x400  }
0x142: {  	[sflag:s3] =	ssyncset.done $0x0  }
0x143: {  	[sflag:s3] =	ssyncadd.s32 $0xFFFFFC00  }
0x144: {  	_ =	swait.ge [sflag:s3], $0x400  }
0x145: {  	[sflag:s3] =	ssyncset.done $0x0  }
0x146: {  	[sflag:s3] =	ssyncadd.s32 $0xFFFFFC00  }
0x147: {  	_ =	swait.ge [sflag:s3], $0x400  }
0x148: {  	[sflag:s3] =	ssyncset.done $0x0  }
0x149: {  	[sflag:s3] =	ssyncadd.s32 $0xFFFFFC00  }
0x14a: {  	_ =	swait.ge [sflag:s3], $0x400  }
0x14b: {  	[sflag:s3] =	ssyncset.done $0x0  }
0x14c: {  	[sflag:s3] =	ssyncadd.s32 $0xFFFFFC00  }
0x14d: {  	_ =	swait.ge [sflag:s3], $0x400  }
0x14e: {  	[sflag:s3] =	ssyncset.done $0x0  }
0x14f: {  	[sflag:s3] =	ssyncadd.s32 $0xFFFFFC00  }
0x150: {  	_ =	swait.ge [sflag:s3], $0x400  }
0x151: {  	[sflag:s3] =	ssyncset.done $0x0  }
0x152: {  	[sflag:s3] =	ssyncadd.s32 $0xFFFFFC00  }
0x153: {  	_ =	swait.ge [sflag:s3], $0x400  }
0x154: {  	[sflag:s3] =	ssyncset.done $0x0  }
0x155: {  	[sflag:s3] =	ssyncadd.s32 $0xFFFFFC00  }
0x156: {  	_ =	swait.ge [sflag:s3], $0x400  }
0x157: {  	[sflag:s3] =	ssyncset.done $0x0  }
0x158: {  	[sflag:s3] =	ssyncadd.s32 $0xFFFFFC00  }
0x159: {  	_ =	swait.ge [sflag:s3], $0x400  }
0x15a: {  	[sflag:s3] =	ssyncset.done $0x0  }
0x15b: {  	[sflag:s3] =	ssyncadd.s32 $0xFFFFFC00  }
0x15c: {  	_ =	swait.ge [sflag:s3], $0x400  }
0x15d: {  	[sflag:s3] =	ssyncset.done $0x0  }
0x15e: {  	[sflag:s3] =	ssyncadd.s32 $0xFFFFFC00  }
0x15f: {  	_ =	swait.ge [sflag:s3], $0x400  }
0x160: {  	[sflag:s3] =	ssyncset.done $0x0  }
0x161: {  	[sflag:s3] =	ssyncadd.s32 $0xFFFFFC00  }
0x162: {  	_ =	swait.ge [sflag:s3], $0x400  }
0x163: {  	[sflag:s3] =	ssyncset.done $0x0  }
0x164: {  	[sflag:s3] =	ssyncadd.s32 $0xFFFFFC00  }
0x165: {  	_ =	swait.ge [sflag:s3], $0x400  }
0x166: {  	[sflag:s3] =	ssyncset.done $0x0  }
0x167: {  	[sflag:s3] =	ssyncadd.s32 $0xFFFFFC00  }
0x168: {  	_ =	swait.ge [sflag:s3], $0x400  }
0x169: {  	[sflag:s3] =	ssyncset.done $0x0  }
0x16a: {  	[sflag:s3] =	ssyncadd.s32 $0xFFFFFC00  }
0x16b: {  	_ =	swait.ge [sflag:s3], $0x400  }
0x16c: {  	[sflag:s3] =	ssyncset.done $0x0  }
0x16d: {  	[sflag:s3] =	ssyncadd.s32 $0xFFFFFC00  }
0x16e: {  	_ =	swait.ge [sflag:s3], $0x400  }
0x16f: {  	[sflag:s3] =	ssyncset.done $0x0  }
0x170: {  	[sflag:s3] =	ssyncadd.s32 $0xFFFFFC00  }
0x171: {  	_ =	swait.ge [sflag:s3], $0x400  }
0x172: {  	[sflag:s3] =	ssyncset.done $0x0  }
0x173: {  	[sflag:s3] =	ssyncadd.s32 $0xFFFFFC00  }
0x174: {  	_ =	swait.ge [sflag:s3], $0x400  }
0x175: {  	[sflag:s3] =	ssyncset.done $0x0  }
0x176: {  	[sflag:s3] =	ssyncadd.s32 $0xFFFFFC00  }
0x177: {  	_ =	swait.ge [sflag:s3], $0x400  }
0x178: {  	[sflag:s3] =	ssyncset.done $0x0  }
0x179: {  	[sflag:s3] =	ssyncadd.s32 $0xFFFFFC00  }
0x17a: {  	_ =	swait.ge [sflag:s3], $0x400  }
0x17b: {  	[sflag:s3] =	ssyncset.done $0x0  }
0x17c: {  	[sflag:s3] =	ssyncadd.s32 $0xFFFFFC00  }
0x17d: {  	p0 =	sne.s32 s12, $0x3F000;
	_ =	swait.ge [sflag:s3], $0x400  }
.Ltmp6:
0x17e: {  	[sflag:s3] =	ssyncset.done $0x0;
	(pc) =	sbr.rel @p0 .LBB2_14-.Ltmp6, $4  }
0x17f: {  	[sflag:s3] =	ssyncadd.s32 $0xFFFFFC00  }
0x180: {  	_ =	swait.ge [sflag:s3], $0x400  }
0x181: {  	s9 =	sadd.s32 $0x2, s9;
	s10 =	sadd.s32 $0xFFFFFFFE, s10;
	[sflag:s3] =	ssyncset.done $0x0  }
0x182: {  	s11 =	sadd.s32 $0xFFFFFFF0, s11;
	s12 =	sadd.s32 $0x1000, s12;
	[sflag:s3] =	ssyncadd.s32 $0xFFFFFC00  }
0x183: {  	s8 =	sadd.s32 $0x1, s8  }
0x184: {  	p0 =	sne.s32 s8, s5  }
.Ltmp7:
0x185: {  	_ = 	snop;
	(pc) =	sbr.rel @p0 .LBB2_1-.Ltmp7, $1  }
0x186: {  	_ =	sdelay $0x3  }
0x187: {  	_ =	sfence.sel $0x180000  }
0x188: {  	[bflag:$0x0] =	sbarrier.arrive $0xFFFF  }
0x189: {  	p0 =	sne.s32 s0, $0x0;
	_ =	strace $0x90000047  }
0x18a: {  	s0 =	sadd.s32 @!p0 $0x100000, s1;
	[bflag:$0x2] =	sbarrier.arrive $0xFFFF  }
0x18b: {  	[sflag:s0] =	ssyncadd.tile.s32 @!p0 $0x1;
	_ =	shalt  }
.Lfunc_end2:
_tile_overlayer_lowered:
.L_overlay_start_2:
0x18c: {  	(tag) =	ssettag $0x2  }
0x18d: {  	s0 =	rddreg [dreg:$0x0];
	s2 =	stileid.u32  }
0x18e: {  	s1 =	rddreg [dreg:$0x1];
	p0 =	sne.s32 s2, $0x0  }
0x18f: {  	s3 =	rddreg [dreg:$0x2];
	[bflag:$0x3] =	sbarrier.arrive $0xFFFF;
	s2 =	simm.s32 @!p0 $0x1C02  }
0x190: {  	[timem:s3], [sflag:s2] =	dma.local @!p0 [hbm:s0], s1  }
0x191: {  	s0 =	simm.s32 @!p0 $0x2  }
0x192: {  	_ =	swait.ge @!p0 [sflag:s0], s1  }
0x193: {  	s1 =	ssub.s32 @!p0 $0x0, s1;
	[sflag:s0] =	ssyncset.done @!p0 $0x0  }
0x194: {  	[sflag:s0] =	ssyncadd.s32 @!p0 s1  }
0x195: {  	[bflag:$0x3] =	sbarrier.arrive $0xFFFF  }
0x196: {  	_ =	shalt  }

</sc_bundles>
